<compile_context>
chip_gen: v7x
topology: tpu7x:2x2x1
jax: 0.10.2.dev20260603
libtpu: 0.0.44.dev20260713+nightly
codegen_flags: <defaults>
</compile_context>

<pallas_src>
import jax
import jax.numpy as jnp
from jax import lax
from jax.experimental import pallas as pl
from jax.experimental.pallas import tpu as pltpu
from jax.experimental.pallas import tpu_sc as plsc

_NC = 2
_NS = 16
_LANES = 16


def _sc_scores(tgt, ctx, neg2d, in_emb, out_emb, *, B, D, NNEG, C, SPLIT):
    NW = _NC * _NS
    pairs_per_w = B // NW
    nchunk = pairs_per_w // C
    NSC = NNEG + 1
    SCORE_W = NSC * _LANES
    NG = (C * NNEG) // 128
    DV = D // _LANES

    mesh = plsc.VectorSubcoreMesh(
        core_axis_name="c", subcore_axis_name="s",
        num_cores=_NC, num_subcores=_NS)

    OUTW = C * SCORE_W
    NSTEP = nchunk // 2

    def body(tgt_h, ctx_h, neg_h, ine_h, oute_h, out_h,
             ti0, ci0, ni0, tr0, cr0, nr0, ov0,
             ti1, ci1, ni1, tr1, cr1, nr1, ov1,
             semI0, semG0, semO0, semI1, semG1, semO1):
        wid = lax.axis_index("s") * _NC + lax.axis_index("c")
        bufs = ((ti0, ci0, ni0, tr0, cr0, nr0, ov0, semI0, semG0, semO0),
                (ti1, ci1, ni1, tr1, cr1, nr1, ov1, semI1, semG1, semO1))

        def remap(ref, n):
            def f(k, c2):
                v = ref[pl.ds(k * _LANES, _LANES)]
                ref[pl.ds(k * _LANES, _LANES)] = jnp.where(
                    v < SPLIT, 2 * v, 2 * (v - SPLIT) + 1)
                return c2

            lax.fori_loop(0, n // _LANES, f, 0)

        def fire_idx(g, b):
            ti, ci, ni = bufs[b][0], bufs[b][1], bufs[b][2]
            base = (wid * nchunk + g) * C
            pltpu.async_copy(tgt_h.at[pl.ds(base, C)], ti, bufs[b][7])
            pltpu.async_copy(ctx_h.at[pl.ds(base, C)], ci, bufs[b][7])
            pltpu.async_copy(neg_h.at[pl.ds(base * NNEG, C * NNEG)], ni,
                             bufs[b][7])

        def drain_idx(b):
            pltpu.make_async_copy(tgt_h.at[pl.ds(0, C)], bufs[b][0],
                                  bufs[b][7]).wait()
            pltpu.make_async_copy(ctx_h.at[pl.ds(0, C)], bufs[b][1],
                                  bufs[b][7]).wait()
            pltpu.make_async_copy(neg_h.at[pl.ds(0, C * NNEG)], bufs[b][2],
                                  bufs[b][7]).wait()

        def fire_gathers(b):
            ti, ci, ni, tr, cr, nr = bufs[b][:6]
            pltpu.async_copy(ine_h.at[ti], tr, bufs[b][8])
            pltpu.async_copy(oute_h.at[ci], cr, bufs[b][8])
            for j in range(NG):
                pltpu.async_copy(oute_h.at[ni.at[pl.ds(j * 128, 128)]],
                                 nr.at[pl.ds(j * 128, 128)], bufs[b][8])

        def drain_gathers(b):
            pltpu.make_async_copy(ine_h.at[pl.ds(0, C)], bufs[b][3],
                                  bufs[b][8]).wait()
            pltpu.make_async_copy(oute_h.at[pl.ds(0, C)], bufs[b][4],
                                  bufs[b][8]).wait()
            pltpu.make_async_copy(oute_h.at[pl.ds(0, C * NNEG)], bufs[b][5],
                                  bufs[b][8]).wait()

        def stage(b):
            remap(bufs[b][0], C)
            remap(bufs[b][1], C)
            remap(bufs[b][2], C * NNEG)

        def compute(g, b):
            tr, cr, nr, ov = bufs[b][3], bufs[b][4], bufs[b][5], bufs[b][6]

            def pair(p, c2):
                t = [tr[p, pl.ds(d * _LANES, _LANES)] for d in range(DV)]
                acc = t[0] * cr[p, pl.ds(0, _LANES)]
                for d in range(1, DV):
                    acc = acc + t[d] * cr[p, pl.ds(d * _LANES, _LANES)]
                ov[pl.ds(p * SCORE_W, _LANES)] = acc
                for n in range(NNEG):
                    r = p * NNEG + n
                    nacc = t[0] * nr[r, pl.ds(0, _LANES)]
                    for d in range(1, DV):
                        nacc = nacc + t[d] * nr[r, pl.ds(d * _LANES, _LANES)]
                    ov[pl.ds(p * SCORE_W + (n + 1) * _LANES, _LANES)] = nacc
                return c2

            lax.fori_loop(0, C, pair, 0)
            base = (wid * nchunk + g) * C
            pltpu.async_copy(ov, out_h.at[pl.ds(base * SCORE_W, OUTW)],
                             bufs[b][9])

        def drain_out(b):
            pltpu.make_async_copy(bufs[b][6], out_h.at[pl.ds(0, OUTW)],
                                  bufs[b][9]).wait()

        fire_idx(0, 0)
        fire_idx(1, 1)
        drain_idx(0)
        stage(0)
        fire_gathers(0)

        def step(s, carry):
            a = 2 * s
            drain_idx(1)
            stage(1)
            fire_gathers(1)
            drain_gathers(0)

            @pl.when(s + 1 < NSTEP)
            def _():
                fire_idx(a + 2, 0)

            @pl.when(s >= 1)
            def _():
                drain_out(0)

            compute(a, 0)

            @pl.when(s + 1 < NSTEP)
            def _():
                drain_idx(0)
                stage(0)
                fire_gathers(0)

            drain_gathers(1)

            @pl.when(s + 1 < NSTEP)
            def _():
                fire_idx(a + 3, 1)

            @pl.when(s >= 1)
            def _():
                drain_out(1)

            compute(a + 1, 1)
            return carry

        lax.fori_loop(0, NSTEP, step, 0)
        drain_out(0)
        drain_out(1)

    return pl.kernel(
        body,
        out_type=jax.ShapeDtypeStruct((B * SCORE_W,), jnp.float32),
        mesh=mesh,
        scratch_types=(
            [pltpu.VMEM((C,), jnp.int32),
             pltpu.VMEM((C,), jnp.int32),
             pltpu.VMEM((C * NNEG,), jnp.int32),
             pltpu.VMEM((C, D), jnp.float32),
             pltpu.VMEM((C, D), jnp.float32),
             pltpu.VMEM((C * NNEG, D), jnp.float32),
             pltpu.VMEM((C * SCORE_W,), jnp.float32)] * 2
            + [pltpu.SemaphoreType.DMA] * 6),
        compiler_params=pltpu.CompilerParams(use_tc_tiling_on_sc=False),
    )(tgt, ctx, neg2d, in_emb, out_emb)


def _tc_transpose(tab_t, *, V, D, BR):
    S = (V // 2) // BR * BR
    nb2 = -(-(V - S) // BR)
    H = nb2 * BR
    off = S // BR

    def body(x1_ref, x2_ref, o_ref):
        o_ref[...] = jnp.concatenate(
            [x1_ref[...].T, x2_ref[...].T], axis=1)

    out = pl.pallas_call(
        body,
        grid=(nb2,),
        in_specs=[pl.BlockSpec((D, BR), lambda i: (0, i)),
                  pl.BlockSpec((D, BR), lambda i: (0, i + off))],
        out_specs=pl.BlockSpec((BR, 2 * D), lambda i: (i, 0)),
        out_shape=jax.ShapeDtypeStruct((H, 2 * D), jnp.float32),
        compiler_params=pltpu.CompilerParams(vmem_limit_bytes=100_000_000),
    )(tab_t, tab_t)
    return out, S, H


def _tc_loss(partials2d, *, B, NNEG, nblocks):
    NSC = NNEG + 1
    R = partials2d.shape[0]
    rows = R // nblocks

    def body(pref, oref):
        i = pl.program_id(0)
        x = pref[...]
        rr = lax.broadcasted_iota(jnp.int32, (128, 8), 0)
        cc = lax.broadcasted_iota(jnp.int32, (128, 8), 1)
        m = (rr // _LANES == cc).astype(jnp.float32)
        s = jnp.dot(x, m, preferred_element_type=jnp.float32)
        gr = lax.broadcasted_iota(jnp.int32, (rows, 8), 0)
        gc = lax.broadcasted_iota(jnp.int32, (rows, 8), 1)
        g = (i * rows + gr) * 8 + gc
        j = g % NSC
        val = jnp.where(j == 0, s, -s)
        tot = jnp.sum(jax.nn.log_sigmoid(val))

        @pl.when(i == 0)
        def _():
            oref[0, 0] = 0.0

        oref[0, 0] = oref[0, 0] + tot * (-1.0 / B)

    return pl.pallas_call(
        body,
        grid=(nblocks,),
        in_specs=[pl.BlockSpec((rows, 128), lambda i: (i, 0))],
        out_specs=pl.BlockSpec(memory_space=pltpu.SMEM),
        out_shape=jax.ShapeDtypeStruct((1, 1), jnp.float32),
    )(partials2d)


def kernel(target_idx, context_idx, neg_samples, in_emb, out_emb):
    B = target_idx.shape[0]
    _, D = in_emb.shape
    NNEG = neg_samples.shape[1]
    tgt = target_idx.astype(jnp.int32)
    ctx = context_idx.astype(jnp.int32)
    neg2d = neg_samples.astype(jnp.int32).reshape(B * NNEG)
    C = 32
    V = in_emb.shape[0]
    in_p, S, H = _tc_transpose(in_emb.T, V=V, D=D, BR=16384)
    out_p, _, _ = _tc_transpose(out_emb.T, V=V, D=D, BR=16384)
    in_rm = in_p.reshape(-1).reshape(2 * H, D)
    out_rm = out_p.reshape(-1).reshape(2 * H, D)
    partials = _sc_scores(tgt, ctx, neg2d, in_rm, out_rm,
                          B=B, D=D, NNEG=NNEG, C=C, SPLIT=S)
    partials2d = partials.reshape(B * (NNEG + 1) * _LANES // 128, 128)
    loss = _tc_loss(partials2d, B=B, NNEG=NNEG, nblocks=8)
    return loss[0, 0]

# --- scband reference (transcript-rebuilt; emitter-appended) ---
"""Pipeline reference for scband-word2-vec-90838558310719 (READ-ONLY COPY).

The authoritative reference and input builder live on the scoring server;
editing this copy changes nothing except your own understanding.
"""

import jax, jax.numpy as jnp
import numpy as np

VOCAB = 1000000
DIM = 64
B = 16384
NNEG = 20

def setup_inputs(seed: int = 0) -> dict:
    key = jax.random.key(seed)
    k1, k2, k3, k4, k5 = jax.random.split(key, 5)
    initrange = 0.5 / DIM
    target_idx = jax.random.randint(k1, (B,), 0, VOCAB, dtype=jnp.int64) if jax.config.jax_enable_x64 else jax.random.randint(k1, (B,), 0, VOCAB, dtype=jnp.int32)
    context_idx = jax.random.randint(k2, (B,), 0, VOCAB, dtype=target_idx.dtype)
    neg_samples = jax.random.randint(k3, (B, NNEG), 0, VOCAB, dtype=target_idx.dtype)
    in_emb = jax.random.uniform(k4, (VOCAB, DIM), dtype=jnp.float32, minval=-initrange, maxval=initrange)
    out_emb = jax.random.uniform(k5, (VOCAB, DIM), dtype=jnp.float32, minval=-initrange, maxval=initrange)
    return {"target_idx": target_idx, "context_idx": context_idx, "neg_samples": neg_samples, "in_emb": in_emb, "out_emb": out_emb}

def reference(target_idx, context_idx, neg_samples, in_emb, out_emb):
    # Skip-gram with negative sampling
    target_emb = jnp.take(in_emb, target_idx, axis=0)        # [B, D]
    context_emb = jnp.take(out_emb, context_idx, axis=0)     # [B, D]
    neg_emb = jnp.take(out_emb, neg_samples, axis=0)         # [B, NNEG, D]
    pos_score = jnp.sum(target_emb * context_emb, axis=1)    # [B]
    pos_score = jax.nn.log_sigmoid(pos_score)
    neg_score = jnp.einsum('bnd,bd->bn', neg_emb, target_emb)  # bmm(neg_emb, target.unsqueeze(2)).squeeze()
    neg_score = jax.nn.log_sigmoid(-neg_score).sum(axis=1)   # [B]
    loss = -(pos_score + neg_score).mean()
    return loss

if __name__ == "__main__":
    import jax
    _d = setup_inputs()
    print(jax.jit(kernel)(*tuple(_d.values())))

</pallas_src>

<mosaic_0001>
#map = affine_map<(d0, d1) -> (0)>
#map1 = affine_map<(d0, d1) -> (0, 0)>
module attributes {stable_mosaic.version = 14 : i64} {
  func.func @body(%arg0: i32, %arg1: i32, %arg2: memref<16384xi32, #tpu.memory_space<hbm>>, %arg3: memref<16384xi32, #tpu.memory_space<hbm>>, %arg4: memref<327680xi32, #tpu.memory_space<hbm>>, %arg5: memref<1048576x64xf32, #tpu.memory_space<hbm>>, %arg6: memref<1048576x64xf32, #tpu.memory_space<hbm>>, %arg7: memref<5505024xf32, #tpu.memory_space<hbm>>, %arg8: memref<32xi32, #tpu.memory_space<vmem>>, %arg9: memref<32xi32, #tpu.memory_space<vmem>>, %arg10: memref<640xi32, #tpu.memory_space<vmem>>, %arg11: memref<32x64xf32, #tpu.memory_space<vmem>>, %arg12: memref<32x64xf32, #tpu.memory_space<vmem>>, %arg13: memref<640x64xf32, #tpu.memory_space<vmem>>, %arg14: memref<10752xf32, #tpu.memory_space<vmem>>, %arg15: memref<32xi32, #tpu.memory_space<vmem>>, %arg16: memref<32xi32, #tpu.memory_space<vmem>>, %arg17: memref<640xi32, #tpu.memory_space<vmem>>, %arg18: memref<32x64xf32, #tpu.memory_space<vmem>>, %arg19: memref<32x64xf32, #tpu.memory_space<vmem>>, %arg20: memref<640x64xf32, #tpu.memory_space<vmem>>, %arg21: memref<10752xf32, #tpu.memory_space<vmem>>, %arg22: memref<!tpu.dma_semaphore, #tpu.memory_space<semaphore_mem>>, %arg23: memref<!tpu.dma_semaphore, #tpu.memory_space<semaphore_mem>>, %arg24: memref<!tpu.dma_semaphore, #tpu.memory_space<semaphore_mem>>, %arg25: memref<!tpu.dma_semaphore, #tpu.memory_space<semaphore_mem>>, %arg26: memref<!tpu.dma_semaphore, #tpu.memory_space<semaphore_mem>>, %arg27: memref<!tpu.dma_semaphore, #tpu.memory_space<semaphore_mem>>) attributes {dimension_semantics = [#tpu.dimension_semantics<core_parallel>, #tpu.dimension_semantics<subcore_parallel>], iteration_bounds = array<i64: 2, 16>, scalar_prefetch = 0 : i64, scratch_operands = 20 : i64, tpu.core_type = #tpu.core_type<sc_vector_subcore>, window_params = [{transform_indices = #map}, {transform_indices = #map}, {transform_indices = #map}, {transform_indices = #map1}, {transform_indices = #map1}, {transform_indices = #map}]} {
    %mul3A = arith.constant 2 : i32
    %mul3A_0 = arith.muli %arg1, %mul3A : i32
    %add3A = arith.addi %mul3A_0, %arg0 : i32
    %mul3A_1 = arith.constant 16 : i32
    %mul3A_2 = arith.muli %add3A, %mul3A_1 : i32
    %add3A_3 = arith.constant 0 : i32
    %add3A_4 = arith.addi %mul3A_2, %add3A_3 : i32
    %mul3A_5 = arith.constant 32 : i32
    %mul3A_6 = arith.muli %add3A_4, %mul3A_5 : i32
    %dma_start3A = tpu.memref_slice %arg2[%mul3A_6] : memref<16384xi32, #tpu.memory_space<hbm>> -> memref<32xi32, #tpu.memory_space<hbm>>
    %dma_start3A_7 = tpu.memref_slice %arg2[%mul3A_6] : memref<16384xi32, #tpu.memory_space<hbm>> -> memref<32xi32, #tpu.memory_space<hbm>>
    tpu.enqueue_dma source(%dma_start3A_7 : memref<32xi32, #tpu.memory_space<hbm>>) target(%arg8 : memref<32xi32, #tpu.memory_space<vmem>>) target_semaphore(%arg22 : memref<!tpu.dma_semaphore, #tpu.memory_space<semaphore_mem>>)
    %dma_start3A_8 = tpu.memref_slice %arg3[%mul3A_6] : memref<16384xi32, #tpu.memory_space<hbm>> -> memref<32xi32, #tpu.memory_space<hbm>>
    %dma_start3A_9 = tpu.memref_slice %arg3[%mul3A_6] : memref<16384xi32, #tpu.memory_space<hbm>> -> memref<32xi32, #tpu.memory_space<hbm>>
    tpu.enqueue_dma source(%dma_start3A_9 : memref<32xi32, #tpu.memory_space<hbm>>) target(%arg9 : memref<32xi32, #tpu.memory_space<vmem>>) target_semaphore(%arg22 : memref<!tpu.dma_semaphore, #tpu.memory_space<semaphore_mem>>)
    %mul3A_10 = arith.constant 20 : i32
    %mul3A_11 = arith.muli %mul3A_6, %mul3A_10 : i32
    %dma_start3A_12 = tpu.memref_slice %arg4[%mul3A_11] : memref<327680xi32, #tpu.memory_space<hbm>> -> memref<640xi32, #tpu.memory_space<hbm>>
    %dma_start3A_13 = tpu.memref_slice %arg4[%mul3A_11] : memref<327680xi32, #tpu.memory_space<hbm>> -> memref<640xi32, #tpu.memory_space<hbm>>
    tpu.enqueue_dma source(%dma_start3A_13 : memref<640xi32, #tpu.memory_space<hbm>>) target(%arg10 : memref<640xi32, #tpu.memory_space<vmem>>) target_semaphore(%arg22 : memref<!tpu.dma_semaphore, #tpu.memory_space<semaphore_mem>>)
    %mul3A_14 = arith.constant 16 : i32
    %mul3A_15 = arith.muli %add3A, %mul3A_14 : i32
    %add3A_16 = arith.constant 1 : i32
    %add3A_17 = arith.addi %mul3A_15, %add3A_16 : i32
    %mul3A_18 = arith.constant 32 : i32
    %mul3A_19 = arith.muli %add3A_17, %mul3A_18 : i32
    %dma_start3A_20 = tpu.memref_slice %arg2[%mul3A_19] : memref<16384xi32, #tpu.memory_space<hbm>> -> memref<32xi32, #tpu.memory_space<hbm>>
    %dma_start3A_21 = tpu.memref_slice %arg2[%mul3A_19] : memref<16384xi32, #tpu.memory_space<hbm>> -> memref<32xi32, #tpu.memory_space<hbm>>
    tpu.enqueue_dma source(%dma_start3A_21 : memref<32xi32, #tpu.memory_space<hbm>>) target(%arg15 : memref<32xi32, #tpu.memory_space<vmem>>) target_semaphore(%arg25 : memref<!tpu.dma_semaphore, #tpu.memory_space<semaphore_mem>>)
    %dma_start3A_22 = tpu.memref_slice %arg3[%mul3A_19] : memref<16384xi32, #tpu.memory_space<hbm>> -> memref<32xi32, #tpu.memory_space<hbm>>
    %dma_start3A_23 = tpu.memref_slice %arg3[%mul3A_19] : memref<16384xi32, #tpu.memory_space<hbm>> -> memref<32xi32, #tpu.memory_space<hbm>>
    tpu.enqueue_dma source(%dma_start3A_23 : memref<32xi32, #tpu.memory_space<hbm>>) target(%arg16 : memref<32xi32, #tpu.memory_space<vmem>>) target_semaphore(%arg25 : memref<!tpu.dma_semaphore, #tpu.memory_space<semaphore_mem>>)
    %mul3A_24 = arith.constant 20 : i32
    %mul3A_25 = arith.muli %mul3A_19, %mul3A_24 : i32
    %dma_start3A_26 = tpu.memref_slice %arg4[%mul3A_25] : memref<327680xi32, #tpu.memory_space<hbm>> -> memref<640xi32, #tpu.memory_space<hbm>>
    %dma_start3A_27 = tpu.memref_slice %arg4[%mul3A_25] : memref<327680xi32, #tpu.memory_space<hbm>> -> memref<640xi32, #tpu.memory_space<hbm>>
    tpu.enqueue_dma source(%dma_start3A_27 : memref<640xi32, #tpu.memory_space<hbm>>) target(%arg17 : memref<640xi32, #tpu.memory_space<vmem>>) target_semaphore(%arg25 : memref<!tpu.dma_semaphore, #tpu.memory_space<semaphore_mem>>)
    %dma_wait3A = arith.constant 0 : i32
    %dma_wait3A_28 = tpu.memref_slice %arg2[%dma_wait3A] : memref<16384xi32, #tpu.memory_space<hbm>> -> memref<32xi32, #tpu.memory_space<hbm>>
    %dma_wait3A_29 = arith.constant 0 : i32
    %dma_wait3A_30 = tpu.memref_slice %arg2[%dma_wait3A_29] : memref<16384xi32, #tpu.memory_space<hbm>> -> memref<32xi32, #tpu.memory_space<hbm>>
    tpu.wait_dma2 semaphore(%arg22 : memref<!tpu.dma_semaphore, #tpu.memory_space<semaphore_mem>>) src(%dma_wait3A_30 : memref<32xi32, #tpu.memory_space<hbm>>) dst(%arg8 : memref<32xi32, #tpu.memory_space<vmem>>)
    %dma_wait3A_31 = arith.constant 0 : i32
    %dma_wait3A_32 = tpu.memref_slice %arg3[%dma_wait3A_31] : memref<16384xi32, #tpu.memory_space<hbm>> -> memref<32xi32, #tpu.memory_space<hbm>>
    %dma_wait3A_33 = arith.constant 0 : i32
    %dma_wait3A_34 = tpu.memref_slice %arg3[%dma_wait3A_33] : memref<16384xi32, #tpu.memory_space<hbm>> -> memref<32xi32, #tpu.memory_space<hbm>>
    tpu.wait_dma2 semaphore(%arg22 : memref<!tpu.dma_semaphore, #tpu.memory_space<semaphore_mem>>) src(%dma_wait3A_34 : memref<32xi32, #tpu.memory_space<hbm>>) dst(%arg9 : memref<32xi32, #tpu.memory_space<vmem>>)
    %dma_wait3A_35 = arith.constant 0 : i32
    %dma_wait3A_36 = tpu.memref_slice %arg4[%dma_wait3A_35] : memref<327680xi32, #tpu.memory_space<hbm>> -> memref<640xi32, #tpu.memory_space<hbm>>
    %dma_wait3A_37 = arith.constant 0 : i32
    %dma_wait3A_38 = tpu.memref_slice %arg4[%dma_wait3A_37] : memref<327680xi32, #tpu.memory_space<hbm>> -> memref<640xi32, #tpu.memory_space<hbm>>
    tpu.wait_dma2 semaphore(%arg22 : memref<!tpu.dma_semaphore, #tpu.memory_space<semaphore_mem>>) src(%dma_wait3A_38 : memref<640xi32, #tpu.memory_space<hbm>>) dst(%arg10 : memref<640xi32, #tpu.memory_space<vmem>>)
    %scan3A = arith.constant 0 : i32
    %scan3A_39 = arith.constant 0 : i32
    %scan3A_40 = arith.constant 2 : i32
    %scan3A_41 = arith.addi %scan3A_39, %scan3A_40 : i32
    %scan3A_42 = arith.constant 1 : i32
    scf.for %scan3A_116 = %scan3A_39 to %scan3A_41 step %scan3A_42  : i32 {
      %mul3A_117 = arith.constant 16 : i32
      %mul3A_118 = arith.muli %scan3A_116, %mul3A_117 : i32
      %get3A = arith.index_cast %mul3A_118 : i32 to index
      %get3A_119 = tpu.vector_load %arg8[%get3A] {strides = array<i32>} : memref<32xi32, #tpu.memory_space<vmem>>, vector<16xi32>,
      %get3A_120 = vector.shape_cast %get3A_119 : vector<16xi32> to vector<16xi32>
      %lt3A = arith.constant 491520 : i32
      %lt3A_121 = vector.broadcast %lt3A : i32 to vector<16xi32>
      %lt3A_122 = arith.cmpi slt, %get3A_120, %lt3A_121 : vector<16xi32>
      %mul3A_123 = arith.constant 2 : i32
      %mul3A_124 = vector.broadcast %mul3A_123 : i32 to vector<16xi32>
      %mul3A_125 = arith.muli %mul3A_124, %get3A_120 : vector<16xi32>
      %sub3A = arith.constant 491520 : i32
      %sub3A_126 = vector.broadcast %sub3A : i32 to vector<16xi32>
      %sub3A_127 = arith.subi %get3A_120, %sub3A_126 : vector<16xi32>
      %mul3A_128 = arith.constant 2 : i32
      %mul3A_129 = vector.broadcast %mul3A_128 : i32 to vector<16xi32>
      %mul3A_130 = arith.muli %mul3A_129, %sub3A_127 : vector<16xi32>
      %add3A_131 = arith.constant 1 : i32
      %add3A_132 = vector.broadcast %add3A_131 : i32 to vector<16xi32>
      %add3A_133 = arith.addi %mul3A_130, %add3A_132 : vector<16xi32>
      %select_n3A = arith.select %lt3A_122, %mul3A_125, %add3A_133 : vector<16xi1>, vector<16xi32>
      %mul3A_134 = arith.constant 16 : i32
      %mul3A_135 = arith.muli %scan3A_116, %mul3A_134 : i32
      %swap3A = arith.index_cast %mul3A_135 : i32 to index
      %swap3A_136 = tpu.vector_load %arg8[%swap3A] {strides = array<i32>} : memref<32xi32, #tpu.memory_space<vmem>>, vector<16xi32>,
      %swap3A_137 = vector.shape_cast %swap3A_136 : vector<16xi32> to vector<16xi32>
      %swap3A_138 = vector.shape_cast %select_n3A : vector<16xi32> to vector<16xi32>
      tpu.vector_store %arg8[%swap3A], %swap3A_138 {strides = array<i32>} : memref<32xi32, #tpu.memory_space<vmem>>, vector<16xi32>,
    }
    %scan3A_43 = arith.constant 2 : i32
    %scan3A_44 = arith.constant 0 : i32
    %scan3A_45 = arith.constant 0 : i32
    %scan3A_46 = arith.constant 2 : i32
    %scan3A_47 = arith.addi %scan3A_45, %scan3A_46 : i32
    %scan3A_48 = arith.constant 1 : i32
    scf.for %scan3A_116 = %scan3A_45 to %scan3A_47 step %scan3A_48  : i32 {
      %mul3A_117 = arith.constant 16 : i32
      %mul3A_118 = arith.muli %scan3A_116, %mul3A_117 : i32
      %get3A = arith.index_cast %mul3A_118 : i32 to index
      %get3A_119 = tpu.vector_load %arg9[%get3A] {strides = array<i32>} : memref<32xi32, #tpu.memory_space<vmem>>, vector<16xi32>,
      %get3A_120 = vector.shape_cast %get3A_119 : vector<16xi32> to vector<16xi32>
      %lt3A = arith.constant 491520 : i32
      %lt3A_121 = vector.broadcast %lt3A : i32 to vector<16xi32>
      %lt3A_122 = arith.cmpi slt, %get3A_120, %lt3A_121 : vector<16xi32>
      %mul3A_123 = arith.constant 2 : i32
      %mul3A_124 = vector.broadcast %mul3A_123 : i32 to vector<16xi32>
      %mul3A_125 = arith.muli %mul3A_124, %get3A_120 : vector<16xi32>
      %sub3A = arith.constant 491520 : i32
      %sub3A_126 = vector.broadcast %sub3A : i32 to vector<16xi32>
      %sub3A_127 = arith.subi %get3A_120, %sub3A_126 : vector<16xi32>
      %mul3A_128 = arith.constant 2 : i32
      %mul3A_129 = vector.broadcast %mul3A_128 : i32 to vector<16xi32>
      %mul3A_130 = arith.muli %mul3A_129, %sub3A_127 : vector<16xi32>
      %add3A_131 = arith.constant 1 : i32
      %add3A_132 = vector.broadcast %add3A_131 : i32 to vector<16xi32>
      %add3A_133 = arith.addi %mul3A_130, %add3A_132 : vector<16xi32>
      %select_n3A = arith.select %lt3A_122, %mul3A_125, %add3A_133 : vector<16xi1>, vector<16xi32>
      %mul3A_134 = arith.constant 16 : i32
      %mul3A_135 = arith.muli %scan3A_116, %mul3A_134 : i32
      %swap3A = arith.index_cast %mul3A_135 : i32 to index
      %swap3A_136 = tpu.vector_load %arg9[%swap3A] {strides = array<i32>} : memref<32xi32, #tpu.memory_space<vmem>>, vector<16xi32>,
      %swap3A_137 = vector.shape_cast %swap3A_136 : vector<16xi32> to vector<16xi32>
      %swap3A_138 = vector.shape_cast %select_n3A : vector<16xi32> to vector<16xi32>
      tpu.vector_store %arg9[%swap3A], %swap3A_138 {strides = array<i32>} : memref<32xi32, #tpu.memory_space<vmem>>, vector<16xi32>,
    }
    %scan3A_49 = arith.constant 2 : i32
    %scan3A_50 = arith.constant 0 : i32
    %scan3A_51 = arith.constant 0 : i32
    %scan3A_52 = arith.constant 40 : i32
    %scan3A_53 = arith.addi %scan3A_51, %scan3A_52 : i32
    %scan3A_54 = arith.constant 1 : i32
    scf.for %scan3A_116 = %scan3A_51 to %scan3A_53 step %scan3A_54  : i32 {
      %mul3A_117 = arith.constant 16 : i32
      %mul3A_118 = arith.muli %scan3A_116, %mul3A_117 : i32
      %get3A = arith.index_cast %mul3A_118 : i32 to index
      %get3A_119 = tpu.vector_load %arg10[%get3A] {strides = array<i32>} : memref<640xi32, #tpu.memory_space<vmem>>, vector<16xi32>,
      %get3A_120 = vector.shape_cast %get3A_119 : vector<16xi32> to vector<16xi32>
      %lt3A = arith.constant 491520 : i32
      %lt3A_121 = vector.broadcast %lt3A : i32 to vector<16xi32>
      %lt3A_122 = arith.cmpi slt, %get3A_120, %lt3A_121 : vector<16xi32>
      %mul3A_123 = arith.constant 2 : i32
      %mul3A_124 = vector.broadcast %mul3A_123 : i32 to vector<16xi32>
      %mul3A_125 = arith.muli %mul3A_124, %get3A_120 : vector<16xi32>
      %sub3A = arith.constant 491520 : i32
      %sub3A_126 = vector.broadcast %sub3A : i32 to vector<16xi32>
      %sub3A_127 = arith.subi %get3A_120, %sub3A_126 : vector<16xi32>
      %mul3A_128 = arith.constant 2 : i32
      %mul3A_129 = vector.broadcast %mul3A_128 : i32 to vector<16xi32>
      %mul3A_130 = arith.muli %mul3A_129, %sub3A_127 : vector<16xi32>
      %add3A_131 = arith.constant 1 : i32
      %add3A_132 = vector.broadcast %add3A_131 : i32 to vector<16xi32>
      %add3A_133 = arith.addi %mul3A_130, %add3A_132 : vector<16xi32>
      %select_n3A = arith.select %lt3A_122, %mul3A_125, %add3A_133 : vector<16xi1>, vector<16xi32>
      %mul3A_134 = arith.constant 16 : i32
      %mul3A_135 = arith.muli %scan3A_116, %mul3A_134 : i32
      %swap3A = arith.index_cast %mul3A_135 : i32 to index
      %swap3A_136 = tpu.vector_load %arg10[%swap3A] {strides = array<i32>} : memref<640xi32, #tpu.memory_space<vmem>>, vector<16xi32>,
      %swap3A_137 = vector.shape_cast %swap3A_136 : vector<16xi32> to vector<16xi32>
      %swap3A_138 = vector.shape_cast %select_n3A : vector<16xi32> to vector<16xi32>
      tpu.vector_store %arg10[%swap3A], %swap3A_138 {strides = array<i32>} : memref<640xi32, #tpu.memory_space<vmem>>, vector<16xi32>,
    }
    %scan3A_55 = arith.constant 40 : i32
    %dma_start3A_56 = arith.constant 0 : i32
    %dma_start3A_57 = arith.constant 0 : i32
    %dma_start3A_58 = tpu.memref_slice %arg5[%dma_start3A_56, %dma_start3A_57] : memref<1048576x64xf32, #tpu.memory_space<hbm>> -> memref<1048576x64xf32, #tpu.memory_space<hbm>>
    tpu.enqueue_indirect_dma source(%dma_start3A_58 : memref<1048576x64xf32, #tpu.memory_space<hbm>>) target(%arg11 : memref<32x64xf32, #tpu.memory_space<vmem>>) offsets(%arg8 : memref<32xi32, #tpu.memory_space<vmem>>) semaphore(%arg23 : memref<!tpu.dma_semaphore, #tpu.memory_space<semaphore_mem>>)
    %dma_start3A_59 = arith.constant 0 : i32
    %dma_start3A_60 = arith.constant 0 : i32
    %dma_start3A_61 = tpu.memref_slice %arg6[%dma_start3A_59, %dma_start3A_60] : memref<1048576x64xf32, #tpu.memory_space<hbm>> -> memref<1048576x64xf32, #tpu.memory_space<hbm>>
    tpu.enqueue_indirect_dma source(%dma_start3A_61 : memref<1048576x64xf32, #tpu.memory_space<hbm>>) target(%arg12 : memref<32x64xf32, #tpu.memory_space<vmem>>) offsets(%arg9 : memref<32xi32, #tpu.memory_space<vmem>>) semaphore(%arg23 : memref<!tpu.dma_semaphore, #tpu.memory_space<semaphore_mem>>)
    %dma_start3A_62 = arith.constant 0 : i32
    %dma_start3A_63 = arith.constant 0 : i32
    %dma_start3A_64 = tpu.memref_slice %arg13[%dma_start3A_62, %dma_start3A_63] : memref<640x64xf32, #tpu.memory_space<vmem>> -> memref<128x64xf32, #tpu.memory_space<vmem>>
    %dma_start3A_65 = arith.constant 0 : i32
    %dma_start3A_66 = tpu.memref_slice %arg10[%dma_start3A_65] : memref<640xi32, #tpu.memory_space<vmem>> -> memref<128xi32, #tpu.memory_space<vmem>>
    %dma_start3A_67 = arith.constant 0 : i32
    %dma_start3A_68 = arith.constant 0 : i32
    %dma_start3A_69 = tpu.memref_slice %arg6[%dma_start3A_67, %dma_start3A_68] : memref<1048576x64xf32, #tpu.memory_space<hbm>> -> memref<1048576x64xf32, #tpu.memory_space<hbm>>
    tpu.enqueue_indirect_dma source(%dma_start3A_69 : memref<1048576x64xf32, #tpu.memory_space<hbm>>) target(%dma_start3A_64 : memref<128x64xf32, #tpu.memory_space<vmem>>) offsets(%dma_start3A_66 : memref<128xi32, #tpu.memory_space<vmem>>) semaphore(%arg23 : memref<!tpu.dma_semaphore, #tpu.memory_space<semaphore_mem>>)
    %dma_start3A_70 = arith.constant 128 : i32
    %dma_start3A_71 = arith.constant 0 : i32
    %dma_start3A_72 = tpu.memref_slice %arg13[%dma_start3A_70, %dma_start3A_71] : memref<640x64xf32, #tpu.memory_space<vmem>> -> memref<128x64xf32, #tpu.memory_space<vmem>>
    %dma_start3A_73 = arith.constant 128 : i32
    %dma_start3A_74 = tpu.memref_slice %arg10[%dma_start3A_73] : memref<640xi32, #tpu.memory_space<vmem>> -> memref<128xi32, #tpu.memory_space<vmem>>
    %dma_start3A_75 = arith.constant 0 : i32
    %dma_start3A_76 = arith.constant 0 : i32
    %dma_start3A_77 = tpu.memref_slice %arg6[%dma_start3A_75, %dma_start3A_76] : memref<1048576x64xf32, #tpu.memory_space<hbm>> -> memref<1048576x64xf32, #tpu.memory_space<hbm>>
    tpu.enqueue_indirect_dma source(%dma_start3A_77 : memref<1048576x64xf32, #tpu.memory_space<hbm>>) target(%dma_start3A_72 : memref<128x64xf32, #tpu.memory_space<vmem>>) offsets(%dma_start3A_74 : memref<128xi32, #tpu.memory_space<vmem>>) semaphore(%arg23 : memref<!tpu.dma_semaphore, #tpu.memory_space<semaphore_mem>>)
    %dma_start3A_78 = arith.constant 256 : i32
    %dma_start3A_79 = arith.constant 0 : i32
    %dma_start3A_80 = tpu.memref_slice %arg13[%dma_start3A_78, %dma_start3A_79] : memref<640x64xf32, #tpu.memory_space<vmem>> -> memref<128x64xf32, #tpu.memory_space<vmem>>
    %dma_start3A_81 = arith.constant 256 : i32
    %dma_start3A_82 = tpu.memref_slice %arg10[%dma_start3A_81] : memref<640xi32, #tpu.memory_space<vmem>> -> memref<128xi32, #tpu.memory_space<vmem>>
    %dma_start3A_83 = arith.constant 0 : i32
    %dma_start3A_84 = arith.constant 0 : i32
    %dma_start3A_85 = tpu.memref_slice %arg6[%dma_start3A_83, %dma_start3A_84] : memref<1048576x64xf32, #tpu.memory_space<hbm>> -> memref<1048576x64xf32, #tpu.memory_space<hbm>>
    tpu.enqueue_indirect_dma source(%dma_start3A_85 : memref<1048576x64xf32, #tpu.memory_space<hbm>>) target(%dma_start3A_80 : memref<128x64xf32, #tpu.memory_space<vmem>>) offsets(%dma_start3A_82 : memref<128xi32, #tpu.memory_space<vmem>>) semaphore(%arg23 : memref<!tpu.dma_semaphore, #tpu.memory_space<semaphore_mem>>)
    %dma_start3A_86 = arith.constant 384 : i32
    %dma_start3A_87 = arith.constant 0 : i32
    %dma_start3A_88 = tpu.memref_slice %arg13[%dma_start3A_86, %dma_start3A_87] : memref<640x64xf32, #tpu.memory_space<vmem>> -> memref<128x64xf32, #tpu.memory_space<vmem>>
    %dma_start3A_89 = arith.constant 384 : i32
    %dma_start3A_90 = tpu.memref_slice %arg10[%dma_start3A_89] : memref<640xi32, #tpu.memory_space<vmem>> -> memref<128xi32, #tpu.memory_space<vmem>>
    %dma_start3A_91 = arith.constant 0 : i32
    %dma_start3A_92 = arith.constant 0 : i32
    %dma_start3A_93 = tpu.memref_slice %arg6[%dma_start3A_91, %dma_start3A_92] : memref<1048576x64xf32, #tpu.memory_space<hbm>> -> memref<1048576x64xf32, #tpu.memory_space<hbm>>
    tpu.enqueue_indirect_dma source(%dma_start3A_93 : memref<1048576x64xf32, #tpu.memory_space<hbm>>) target(%dma_start3A_88 : memref<128x64xf32, #tpu.memory_space<vmem>>) offsets(%dma_start3A_90 : memref<128xi32, #tpu.memory_space<vmem>>) semaphore(%arg23 : memref<!tpu.dma_semaphore, #tpu.memory_space<semaphore_mem>>)
    %dma_start3A_94 = arith.constant 512 : i32
    %dma_start3A_95 = arith.constant 0 : i32
    %dma_start3A_96 = tpu.memref_slice %arg13[%dma_start3A_94, %dma_start3A_95] : memref<640x64xf32, #tpu.memory_space<vmem>> -> memref<128x64xf32, #tpu.memory_space<vmem>>
    %dma_start3A_97 = arith.constant 512 : i32
    %dma_start3A_98 = tpu.memref_slice %arg10[%dma_start3A_97] : memref<640xi32, #tpu.memory_space<vmem>> -> memref<128xi32, #tpu.memory_space<vmem>>
    %dma_start3A_99 = arith.constant 0 : i32
    %dma_start3A_100 = arith.constant 0 : i32
    %dma_start3A_101 = tpu.memref_slice %arg6[%dma_start3A_99, %dma_start3A_100] : memref<1048576x64xf32, #tpu.memory_space<hbm>> -> memref<1048576x64xf32, #tpu.memory_space<hbm>>
    tpu.enqueue_indirect_dma source(%dma_start3A_101 : memref<1048576x64xf32, #tpu.memory_space<hbm>>) target(%dma_start3A_96 : memref<128x64xf32, #tpu.memory_space<vmem>>) offsets(%dma_start3A_98 : memref<128xi32, #tpu.memory_space<vmem>>) semaphore(%arg23 : memref<!tpu.dma_semaphore, #tpu.memory_space<semaphore_mem>>)
    %scan3A_102 = arith.constant 0 : i32
    %scan3A_103 = arith.constant 0 : i32
    %scan3A_104 = arith.constant 8 : i32
    %scan3A_105 = arith.addi %scan3A_103, %scan3A_104 : i32
    %scan3A_106 = arith.constant 1 : i32
    scf.for %scan3A_116 = %scan3A_103 to %scan3A_105 step %scan3A_106  : i32 {
      %mul3A_117 = arith.constant 2 : i32
      %mul3A_118 = arith.muli %mul3A_117, %scan3A_116 : i32
      %dma_wait3A_119 = arith.constant 0 : i32
      %dma_wait3A_120 = tpu.memref_slice %arg2[%dma_wait3A_119] : memref<16384xi32, #tpu.memory_space<hbm>> -> memref<32xi32, #tpu.memory_space<hbm>>
      %dma_wait3A_121 = arith.constant 0 : i32
      %dma_wait3A_122 = tpu.memref_slice %arg2[%dma_wait3A_121] : memref<16384xi32, #tpu.memory_space<hbm>> -> memref<32xi32, #tpu.memory_space<hbm>>
      tpu.wait_dma2 semaphore(%arg25 : memref<!tpu.dma_semaphore, #tpu.memory_space<semaphore_mem>>) src(%dma_wait3A_122 : memref<32xi32, #tpu.memory_space<hbm>>) dst(%arg15 : memref<32xi32, #tpu.memory_space<vmem>>)
      %dma_wait3A_123 = arith.constant 0 : i32
      %dma_wait3A_124 = tpu.memref_slice %arg3[%dma_wait3A_123] : memref<16384xi32, #tpu.memory_space<hbm>> -> memref<32xi32, #tpu.memory_space<hbm>>
      %dma_wait3A_125 = arith.constant 0 : i32
      %dma_wait3A_126 = tpu.memref_slice %arg3[%dma_wait3A_125] : memref<16384xi32, #tpu.memory_space<hbm>> -> memref<32xi32, #tpu.memory_space<hbm>>
      tpu.wait_dma2 semaphore(%arg25 : memref<!tpu.dma_semaphore, #tpu.memory_space<semaphore_mem>>) src(%dma_wait3A_126 : memref<32xi32, #tpu.memory_space<hbm>>) dst(%arg16 : memref<32xi32, #tpu.memory_space<vmem>>)
      %dma_wait3A_127 = arith.constant 0 : i32
      %dma_wait3A_128 = tpu.memref_slice %arg4[%dma_wait3A_127] : memref<327680xi32, #tpu.memory_space<hbm>> -> memref<640xi32, #tpu.memory_space<hbm>>
      %dma_wait3A_129 = arith.constant 0 : i32
      %dma_wait3A_130 = tpu.memref_slice %arg4[%dma_wait3A_129] : memref<327680xi32, #tpu.memory_space<hbm>> -> memref<640xi32, #tpu.memory_space<hbm>>
      tpu.wait_dma2 semaphore(%arg25 : memref<!tpu.dma_semaphore, #tpu.memory_space<semaphore_mem>>) src(%dma_wait3A_130 : memref<640xi32, #tpu.memory_space<hbm>>) dst(%arg17 : memref<640xi32, #tpu.memory_space<vmem>>)
      %scan3A_131 = arith.constant 0 : i32
      %scan3A_132 = arith.constant 0 : i32
      %scan3A_133 = arith.constant 2 : i32
      %scan3A_134 = arith.addi %scan3A_132, %scan3A_133 : i32
      %scan3A_135 = arith.constant 1 : i32
      scf.for %scan3A_290 = %scan3A_132 to %scan3A_134 step %scan3A_135  : i32 {
        %mul3A_291 = arith.constant 16 : i32
        %mul3A_292 = arith.muli %scan3A_290, %mul3A_291 : i32
        %get3A = arith.index_cast %mul3A_292 : i32 to index
        %get3A_293 = tpu.vector_load %arg15[%get3A] {strides = array<i32>} : memref<32xi32, #tpu.memory_space<vmem>>, vector<16xi32>,
        %get3A_294 = vector.shape_cast %get3A_293 : vector<16xi32> to vector<16xi32>
        %lt3A_295 = arith.constant 491520 : i32
        %lt3A_296 = vector.broadcast %lt3A_295 : i32 to vector<16xi32>
        %lt3A_297 = arith.cmpi slt, %get3A_294, %lt3A_296 : vector<16xi32>
        %mul3A_298 = arith.constant 2 : i32
        %mul3A_299 = vector.broadcast %mul3A_298 : i32 to vector<16xi32>
        %mul3A_300 = arith.muli %mul3A_299, %get3A_294 : vector<16xi32>
        %sub3A = arith.constant 491520 : i32
        %sub3A_301 = vector.broadcast %sub3A : i32 to vector<16xi32>
        %sub3A_302 = arith.subi %get3A_294, %sub3A_301 : vector<16xi32>
        %mul3A_303 = arith.constant 2 : i32
        %mul3A_304 = vector.broadcast %mul3A_303 : i32 to vector<16xi32>
        %mul3A_305 = arith.muli %mul3A_304, %sub3A_302 : vector<16xi32>
        %add3A_306 = arith.constant 1 : i32
        %add3A_307 = vector.broadcast %add3A_306 : i32 to vector<16xi32>
        %add3A_308 = arith.addi %mul3A_305, %add3A_307 : vector<16xi32>
        %select_n3A = arith.select %lt3A_297, %mul3A_300, %add3A_308 : vector<16xi1>, vector<16xi32>
        %mul3A_309 = arith.constant 16 : i32
        %mul3A_310 = arith.muli %scan3A_290, %mul3A_309 : i32
        %swap3A = arith.index_cast %mul3A_310 : i32 to index
        %swap3A_311 = tpu.vector_load %arg15[%swap3A] {strides = array<i32>} : memref<32xi32, #tpu.memory_space<vmem>>, vector<16xi32>,
        %swap3A_312 = vector.shape_cast %swap3A_311 : vector<16xi32> to vector<16xi32>
        %swap3A_313 = vector.shape_cast %select_n3A : vector<16xi32> to vector<16xi32>
        tpu.vector_store %arg15[%swap3A], %swap3A_313 {strides = array<i32>} : memref<32xi32, #tpu.memory_space<vmem>>, vector<16xi32>,
      }
      %scan3A_136 = arith.constant 2 : i32
      %scan3A_137 = arith.constant 0 : i32
      %scan3A_138 = arith.constant 0 : i32
      %scan3A_139 = arith.constant 2 : i32
      %scan3A_140 = arith.addi %scan3A_138, %scan3A_139 : i32
      %scan3A_141 = arith.constant 1 : i32
      scf.for %scan3A_290 = %scan3A_138 to %scan3A_140 step %scan3A_141  : i32 {
        %mul3A_291 = arith.constant 16 : i32
        %mul3A_292 = arith.muli %scan3A_290, %mul3A_291 : i32
        %get3A = arith.index_cast %mul3A_292 : i32 to index
        %get3A_293 = tpu.vector_load %arg16[%get3A] {strides = array<i32>} : memref<32xi32, #tpu.memory_space<vmem>>, vector<16xi32>,
        %get3A_294 = vector.shape_cast %get3A_293 : vector<16xi32> to vector<16xi32>
        %lt3A_295 = arith.constant 491520 : i32
        %lt3A_296 = vector.broadcast %lt3A_295 : i32 to vector<16xi32>
        %lt3A_297 = arith.cmpi slt, %get3A_294, %lt3A_296 : vector<16xi32>
        %mul3A_298 = arith.constant 2 : i32
        %mul3A_299 = vector.broadcast %mul3A_298 : i32 to vector<16xi32>
        %mul3A_300 = arith.muli %mul3A_299, %get3A_294 : vector<16xi32>
        %sub3A = arith.constant 491520 : i32
        %sub3A_301 = vector.broadcast %sub3A : i32 to vector<16xi32>
        %sub3A_302 = arith.subi %get3A_294, %sub3A_301 : vector<16xi32>
        %mul3A_303 = arith.constant 2 : i32
        %mul3A_304 = vector.broadcast %mul3A_303 : i32 to vector<16xi32>
        %mul3A_305 = arith.muli %mul3A_304, %sub3A_302 : vector<16xi32>
        %add3A_306 = arith.constant 1 : i32
        %add3A_307 = vector.broadcast %add3A_306 : i32 to vector<16xi32>
        %add3A_308 = arith.addi %mul3A_305, %add3A_307 : vector<16xi32>
        %select_n3A = arith.select %lt3A_297, %mul3A_300, %add3A_308 : vector<16xi1>, vector<16xi32>
        %mul3A_309 = arith.constant 16 : i32
        %mul3A_310 = arith.muli %scan3A_290, %mul3A_309 : i32
        %swap3A = arith.index_cast %mul3A_310 : i32 to index
        %swap3A_311 = tpu.vector_load %arg16[%swap3A] {strides = array<i32>} : memref<32xi32, #tpu.memory_space<vmem>>, vector<16xi32>,
        %swap3A_312 = vector.shape_cast %swap3A_311 : vector<16xi32> to vector<16xi32>
        %swap3A_313 = vector.shape_cast %select_n3A : vector<16xi32> to vector<16xi32>
        tpu.vector_store %arg16[%swap3A], %swap3A_313 {strides = array<i32>} : memref<32xi32, #tpu.memory_space<vmem>>, vector<16xi32>,
      }
      %scan3A_142 = arith.constant 2 : i32
      %scan3A_143 = arith.constant 0 : i32
      %scan3A_144 = arith.constant 0 : i32
      %scan3A_145 = arith.constant 40 : i32
      %scan3A_146 = arith.addi %scan3A_144, %scan3A_145 : i32
      %scan3A_147 = arith.constant 1 : i32
      scf.for %scan3A_290 = %scan3A_144 to %scan3A_146 step %scan3A_147  : i32 {
        %mul3A_291 = arith.constant 16 : i32
        %mul3A_292 = arith.muli %scan3A_290, %mul3A_291 : i32
        %get3A = arith.index_cast %mul3A_292 : i32 to index
        %get3A_293 = tpu.vector_load %arg17[%get3A] {strides = array<i32>} : memref<640xi32, #tpu.memory_space<vmem>>, vector<16xi32>,
        %get3A_294 = vector.shape_cast %get3A_293 : vector<16xi32> to vector<16xi32>
        %lt3A_295 = arith.constant 491520 : i32
        %lt3A_296 = vector.broadcast %lt3A_295 : i32 to vector<16xi32>
        %lt3A_297 = arith.cmpi slt, %get3A_294, %lt3A_296 : vector<16xi32>
        %mul3A_298 = arith.constant 2 : i32
        %mul3A_299 = vector.broadcast %mul3A_298 : i32 to vector<16xi32>
        %mul3A_300 = arith.muli %mul3A_299, %get3A_294 : vector<16xi32>
        %sub3A = arith.constant 491520 : i32
        %sub3A_301 = vector.broadcast %sub3A : i32 to vector<16xi32>
        %sub3A_302 = arith.subi %get3A_294, %sub3A_301 : vector<16xi32>
        %mul3A_303 = arith.constant 2 : i32
        %mul3A_304 = vector.broadcast %mul3A_303 : i32 to vector<16xi32>
        %mul3A_305 = arith.muli %mul3A_304, %sub3A_302 : vector<16xi32>
        %add3A_306 = arith.constant 1 : i32
        %add3A_307 = vector.broadcast %add3A_306 : i32 to vector<16xi32>
        %add3A_308 = arith.addi %mul3A_305, %add3A_307 : vector<16xi32>
        %select_n3A = arith.select %lt3A_297, %mul3A_300, %add3A_308 : vector<16xi1>, vector<16xi32>
        %mul3A_309 = arith.constant 16 : i32
        %mul3A_310 = arith.muli %scan3A_290, %mul3A_309 : i32
        %swap3A = arith.index_cast %mul3A_310 : i32 to index
        %swap3A_311 = tpu.vector_load %arg17[%swap3A] {strides = array<i32>} : memref<640xi32, #tpu.memory_space<vmem>>, vector<16xi32>,
        %swap3A_312 = vector.shape_cast %swap3A_311 : vector<16xi32> to vector<16xi32>
        %swap3A_313 = vector.shape_cast %select_n3A : vector<16xi32> to vector<16xi32>
        tpu.vector_store %arg17[%swap3A], %swap3A_313 {strides = array<i32>} : memref<640xi32, #tpu.memory_space<vmem>>, vector<16xi32>,
      }
      %scan3A_148 = arith.constant 40 : i32
      %dma_start3A_149 = arith.constant 0 : i32
      %dma_start3A_150 = arith.constant 0 : i32
      %dma_start3A_151 = tpu.memref_slice %arg5[%dma_start3A_149, %dma_start3A_150] : memref<1048576x64xf32, #tpu.memory_space<hbm>> -> memref<1048576x64xf32, #tpu.memory_space<hbm>>
      tpu.enqueue_indirect_dma source(%dma_start3A_151 : memref<1048576x64xf32, #tpu.memory_space<hbm>>) target(%arg18 : memref<32x64xf32, #tpu.memory_space<vmem>>) offsets(%arg15 : memref<32xi32, #tpu.memory_space<vmem>>) semaphore(%arg26 : memref<!tpu.dma_semaphore, #tpu.memory_space<semaphore_mem>>)
      %dma_start3A_152 = arith.constant 0 : i32
      %dma_start3A_153 = arith.constant 0 : i32
      %dma_start3A_154 = tpu.memref_slice %arg6[%dma_start3A_152, %dma_start3A_153] : memref<1048576x64xf32, #tpu.memory_space<hbm>> -> memref<1048576x64xf32, #tpu.memory_space<hbm>>
      tpu.enqueue_indirect_dma source(%dma_start3A_154 : memref<1048576x64xf32, #tpu.memory_space<hbm>>) target(%arg19 : memref<32x64xf32, #tpu.memory_space<vmem>>) offsets(%arg16 : memref<32xi32, #tpu.memory_space<vmem>>) semaphore(%arg26 : memref<!tpu.dma_semaphore, #tpu.memory_space<semaphore_mem>>)
      %dma_start3A_155 = arith.constant 0 : i32
      %dma_start3A_156 = arith.constant 0 : i32
      %dma_start3A_157 = tpu.memref_slice %arg20[%dma_start3A_155, %dma_start3A_156] : memref<640x64xf32, #tpu.memory_space<vmem>> -> memref<128x64xf32, #tpu.memory_space<vmem>>
      %dma_start3A_158 = arith.constant 0 : i32
      %dma_start3A_159 = tpu.memref_slice %arg17[%dma_start3A_158] : memref<640xi32, #tpu.memory_space<vmem>> -> memref<128xi32, #tpu.memory_space<vmem>>
      %dma_start3A_160 = arith.constant 0 : i32
      %dma_start3A_161 = arith.constant 0 : i32
      %dma_start3A_162 = tpu.memref_slice %arg6[%dma_start3A_160, %dma_start3A_161] : memref<1048576x64xf32, #tpu.memory_space<hbm>> -> memref<1048576x64xf32, #tpu.memory_space<hbm>>
      tpu.enqueue_indirect_dma source(%dma_start3A_162 : memref<1048576x64xf32, #tpu.memory_space<hbm>>) target(%dma_start3A_157 : memref<128x64xf32, #tpu.memory_space<vmem>>) offsets(%dma_start3A_159 : memref<128xi32, #tpu.memory_space<vmem>>) semaphore(%arg26 : memref<!tpu.dma_semaphore, #tpu.memory_space<semaphore_mem>>)
      %dma_start3A_163 = arith.constant 128 : i32
      %dma_start3A_164 = arith.constant 0 : i32
      %dma_start3A_165 = tpu.memref_slice %arg20[%dma_start3A_163, %dma_start3A_164] : memref<640x64xf32, #tpu.memory_space<vmem>> -> memref<128x64xf32, #tpu.memory_space<vmem>>
      %dma_start3A_166 = arith.constant 128 : i32
      %dma_start3A_167 = tpu.memref_slice %arg17[%dma_start3A_166] : memref<640xi32, #tpu.memory_space<vmem>> -> memref<128xi32, #tpu.memory_space<vmem>>
      %dma_start3A_168 = arith.constant 0 : i32
      %dma_start3A_169 = arith.constant 0 : i32
      %dma_start3A_170 = tpu.memref_slice %arg6[%dma_start3A_168, %dma_start3A_169] : memref<1048576x64xf32, #tpu.memory_space<hbm>> -> memref<1048576x64xf32, #tpu.memory_space<hbm>>
      tpu.enqueue_indirect_dma source(%dma_start3A_170 : memref<1048576x64xf32, #tpu.memory_space<hbm>>) target(%dma_start3A_165 : memref<128x64xf32, #tpu.memory_space<vmem>>) offsets(%dma_start3A_167 : memref<128xi32, #tpu.memory_space<vmem>>) semaphore(%arg26 : memref<!tpu.dma_semaphore, #tpu.memory_space<semaphore_mem>>)
      %dma_start3A_171 = arith.constant 256 : i32
      %dma_start3A_172 = arith.constant 0 : i32
      %dma_start3A_173 = tpu.memref_slice %arg20[%dma_start3A_171, %dma_start3A_172] : memref<640x64xf32, #tpu.memory_space<vmem>> -> memref<128x64xf32, #tpu.memory_space<vmem>>
      %dma_start3A_174 = arith.constant 256 : i32
      %dma_start3A_175 = tpu.memref_slice %arg17[%dma_start3A_174] : memref<640xi32, #tpu.memory_space<vmem>> -> memref<128xi32, #tpu.memory_space<vmem>>
      %dma_start3A_176 = arith.constant 0 : i32
      %dma_start3A_177 = arith.constant 0 : i32
      %dma_start3A_178 = tpu.memref_slice %arg6[%dma_start3A_176, %dma_start3A_177] : memref<1048576x64xf32, #tpu.memory_space<hbm>> -> memref<1048576x64xf32, #tpu.memory_space<hbm>>
      tpu.enqueue_indirect_dma source(%dma_start3A_178 : memref<1048576x64xf32, #tpu.memory_space<hbm>>) target(%dma_start3A_173 : memref<128x64xf32, #tpu.memory_space<vmem>>) offsets(%dma_start3A_175 : memref<128xi32, #tpu.memory_space<vmem>>) semaphore(%arg26 : memref<!tpu.dma_semaphore, #tpu.memory_space<semaphore_mem>>)
      %dma_start3A_179 = arith.constant 384 : i32
      %dma_start3A_180 = arith.constant 0 : i32
      %dma_start3A_181 = tpu.memref_slice %arg20[%dma_start3A_179, %dma_start3A_180] : memref<640x64xf32, #tpu.memory_space<vmem>> -> memref<128x64xf32, #tpu.memory_space<vmem>>
      %dma_start3A_182 = arith.constant 384 : i32
      %dma_start3A_183 = tpu.memref_slice %arg17[%dma_start3A_182] : memref<640xi32, #tpu.memory_space<vmem>> -> memref<128xi32, #tpu.memory_space<vmem>>
      %dma_start3A_184 = arith.constant 0 : i32
      %dma_start3A_185 = arith.constant 0 : i32
      %dma_start3A_186 = tpu.memref_slice %arg6[%dma_start3A_184, %dma_start3A_185] : memref<1048576x64xf32, #tpu.memory_space<hbm>> -> memref<1048576x64xf32, #tpu.memory_space<hbm>>
      tpu.enqueue_indirect_dma source(%dma_start3A_186 : memref<1048576x64xf32, #tpu.memory_space<hbm>>) target(%dma_start3A_181 : memref<128x64xf32, #tpu.memory_space<vmem>>) offsets(%dma_start3A_183 : memref<128xi32, #tpu.memory_space<vmem>>) semaphore(%arg26 : memref<!tpu.dma_semaphore, #tpu.memory_space<semaphore_mem>>)
      %dma_start3A_187 = arith.constant 512 : i32
      %dma_start3A_188 = arith.constant 0 : i32
      %dma_start3A_189 = tpu.memref_slice %arg20[%dma_start3A_187, %dma_start3A_188] : memref<640x64xf32, #tpu.memory_space<vmem>> -> memref<128x64xf32, #tpu.memory_space<vmem>>
      %dma_start3A_190 = arith.constant 512 : i32
      %dma_start3A_191 = tpu.memref_slice %arg17[%dma_start3A_190] : memref<640xi32, #tpu.memory_space<vmem>> -> memref<128xi32, #tpu.memory_space<vmem>>
      %dma_start3A_192 = arith.constant 0 : i32
      %dma_start3A_193 = arith.constant 0 : i32
      %dma_start3A_194 = tpu.memref_slice %arg6[%dma_start3A_192, %dma_start3A_193] : memref<1048576x64xf32, #tpu.memory_space<hbm>> -> memref<1048576x64xf32, #tpu.memory_space<hbm>>
      tpu.enqueue_indirect_dma source(%dma_start3A_194 : memref<1048576x64xf32, #tpu.memory_space<hbm>>) target(%dma_start3A_189 : memref<128x64xf32, #tpu.memory_space<vmem>>) offsets(%dma_start3A_191 : memref<128xi32, #tpu.memory_space<vmem>>) semaphore(%arg26 : memref<!tpu.dma_semaphore, #tpu.memory_space<semaphore_mem>>)
      %dma_wait3A_195 = arith.constant 0 : i32
      %dma_wait3A_196 = arith.constant 0 : i32
      %dma_wait3A_197 = tpu.memref_slice %arg5[%dma_wait3A_195, %dma_wait3A_196] : memref<1048576x64xf32, #tpu.memory_space<hbm>> -> memref<32x64xf32, #tpu.memory_space<hbm>>
      %dma_wait3A_198 = arith.constant 0 : i32
      %dma_wait3A_199 = arith.constant 0 : i32
      %dma_wait3A_200 = tpu.memref_slice %arg5[%dma_wait3A_198, %dma_wait3A_199] : memref<1048576x64xf32, #tpu.memory_space<hbm>> -> memref<32x64xf32, #tpu.memory_space<hbm>>
      tpu.wait_dma2 semaphore(%arg23 : memref<!tpu.dma_semaphore, #tpu.memory_space<semaphore_mem>>) src(%dma_wait3A_200 : memref<32x64xf32, #tpu.memory_space<hbm>>) dst(%arg11 : memref<32x64xf32, #tpu.memory_space<vmem>>)
      %dma_wait3A_201 = arith.constant 0 : i32
      %dma_wait3A_202 = arith.constant 0 : i32
      %dma_wait3A_203 = tpu.memref_slice %arg6[%dma_wait3A_201, %dma_wait3A_202] : memref<1048576x64xf32, #tpu.memory_space<hbm>> -> memref<32x64xf32, #tpu.memory_space<hbm>>
      %dma_wait3A_204 = arith.constant 0 : i32
      %dma_wait3A_205 = arith.constant 0 : i32
      %dma_wait3A_206 = tpu.memref_slice %arg6[%dma_wait3A_204, %dma_wait3A_205] : memref<1048576x64xf32, #tpu.memory_space<hbm>> -> memref<32x64xf32, #tpu.memory_space<hbm>>
      tpu.wait_dma2 semaphore(%arg23 : memref<!tpu.dma_semaphore, #tpu.memory_space<semaphore_mem>>) src(%dma_wait3A_206 : memref<32x64xf32, #tpu.memory_space<hbm>>) dst(%arg12 : memref<32x64xf32, #tpu.memory_space<vmem>>)
      %dma_wait3A_207 = arith.constant 0 : i32
      %dma_wait3A_208 = arith.constant 0 : i32
      %dma_wait3A_209 = tpu.memref_slice %arg6[%dma_wait3A_207, %dma_wait3A_208] : memref<1048576x64xf32, #tpu.memory_space<hbm>> -> memref<640x64xf32, #tpu.memory_space<hbm>>
      %dma_wait3A_210 = arith.constant 0 : i32
      %dma_wait3A_211 = arith.constant 0 : i32
      %dma_wait3A_212 = tpu.memref_slice %arg6[%dma_wait3A_210, %dma_wait3A_211] : memref<1048576x64xf32, #tpu.memory_space<hbm>> -> memref<640x64xf32, #tpu.memory_space<hbm>>
      tpu.wait_dma2 semaphore(%arg23 : memref<!tpu.dma_semaphore, #tpu.memory_space<semaphore_mem>>) src(%dma_wait3A_212 : memref<640x64xf32, #tpu.memory_space<hbm>>) dst(%arg13 : memref<640x64xf32, #tpu.memory_space<vmem>>)
      %add3A_213 = arith.constant 1 : i32
      %add3A_214 = arith.addi %scan3A_116, %add3A_213 : i32
      %lt3A = arith.constant 8 : i32
      %lt3A_215 = arith.cmpi slt, %add3A_214, %lt3A : i32
      %convert_element_type3A = arith.extui %lt3A_215 : i1 to i32
      %cond3A = arith.constant 0 : i32
      %cond3A_216 = arith.cmpi ne, %convert_element_type3A, %cond3A : i32
      scf.if %cond3A_216 {
        %add3A_290 = arith.constant 2 : i32
        %add3A_291 = arith.addi %mul3A_118, %add3A_290 : i32
        %mul3A_292 = arith.constant 16 : i32
        %mul3A_293 = arith.muli %add3A, %mul3A_292 : i32
        %add3A_294 = arith.addi %mul3A_293, %add3A_291 : i32
        %mul3A_295 = arith.constant 32 : i32
        %mul3A_296 = arith.muli %add3A_294, %mul3A_295 : i32
        %dma_start3A_297 = tpu.memref_slice %arg2[%mul3A_296] : memref<16384xi32, #tpu.memory_space<hbm>> -> memref<32xi32, #tpu.memory_space<hbm>>
        %dma_start3A_298 = tpu.memref_slice %arg2[%mul3A_296] : memref<16384xi32, #tpu.memory_space<hbm>> -> memref<32xi32, #tpu.memory_space<hbm>>
        tpu.enqueue_dma source(%dma_start3A_298 : memref<32xi32, #tpu.memory_space<hbm>>) target(%arg8 : memref<32xi32, #tpu.memory_space<vmem>>) target_semaphore(%arg22 : memref<!tpu.dma_semaphore, #tpu.memory_space<semaphore_mem>>)
        %dma_start3A_299 = tpu.memref_slice %arg3[%mul3A_296] : memref<16384xi32, #tpu.memory_space<hbm>> -> memref<32xi32, #tpu.memory_space<hbm>>
        %dma_start3A_300 = tpu.memref_slice %arg3[%mul3A_296] : memref<16384xi32, #tpu.memory_space<hbm>> -> memref<32xi32, #tpu.memory_space<hbm>>
        tpu.enqueue_dma source(%dma_start3A_300 : memref<32xi32, #tpu.memory_space<hbm>>) target(%arg9 : memref<32xi32, #tpu.memory_space<vmem>>) target_semaphore(%arg22 : memref<!tpu.dma_semaphore, #tpu.memory_space<semaphore_mem>>)
        %mul3A_301 = arith.constant 20 : i32
        %mul3A_302 = arith.muli %mul3A_296, %mul3A_301 : i32
        %dma_start3A_303 = tpu.memref_slice %arg4[%mul3A_302] : memref<327680xi32, #tpu.memory_space<hbm>> -> memref<640xi32, #tpu.memory_space<hbm>>
        %dma_start3A_304 = tpu.memref_slice %arg4[%mul3A_302] : memref<327680xi32, #tpu.memory_space<hbm>> -> memref<640xi32, #tpu.memory_space<hbm>>
        tpu.enqueue_dma source(%dma_start3A_304 : memref<640xi32, #tpu.memory_space<hbm>>) target(%arg10 : memref<640xi32, #tpu.memory_space<vmem>>) target_semaphore(%arg22 : memref<!tpu.dma_semaphore, #tpu.memory_space<semaphore_mem>>)
      } else {
      }
      %ge3A = arith.constant 1 : i32
      %ge3A_217 = arith.cmpi sge, %scan3A_116, %ge3A : i32
      %convert_element_type3A_218 = arith.extui %ge3A_217 : i1 to i32
      %cond3A_219 = arith.constant 0 : i32
      %cond3A_220 = arith.cmpi ne, %convert_element_type3A_218, %cond3A_219 : i32
      scf.if %cond3A_220 {
        %dma_wait3A_290 = arith.constant 0 : i32
        %dma_wait3A_291 = tpu.memref_slice %arg7[%dma_wait3A_290] : memref<5505024xf32, #tpu.memory_space<hbm>> -> memref<10752xf32, #tpu.memory_space<hbm>>
        %dma_wait3A_292 = arith.constant 0 : i32
        %dma_wait3A_293 = tpu.memref_slice %arg7[%dma_wait3A_292] : memref<5505024xf32, #tpu.memory_space<hbm>> -> memref<10752xf32, #tpu.memory_space<hbm>>
        tpu.wait_dma2 semaphore(%arg24 : memref<!tpu.dma_semaphore, #tpu.memory_space<semaphore_mem>>) src(%arg14 : memref<10752xf32, #tpu.memory_space<vmem>>) dst(%dma_wait3A_293 : memref<10752xf32, #tpu.memory_space<hbm>>)
      } else {
      }
      %scan3A_221 = arith.constant 0 : i32
      %scan3A_222 = arith.constant 0 : i32
      %scan3A_223 = arith.constant 32 : i32
      %scan3A_224 = arith.addi %scan3A_222, %scan3A_223 : i32
      %scan3A_225 = arith.constant 1 : i32
      scf.for %scan3A_290 = %scan3A_222 to %scan3A_224 step %scan3A_225  : i32 {
        %get3A = arith.index_cast %scan3A_290 : i32 to index
        %get3A_291 = arith.constant 0 : index
        %get3A_292 = tpu.vector_load %arg11[%get3A, %get3A_291] {strides = array<i32>} : memref<32x64xf32, #tpu.memory_space<vmem>>, vector<1x16xf32>,
        %get3A_293 = vector.shape_cast %get3A_292 : vector<1x16xf32> to vector<16xf32>
        %get3A_294 = arith.index_cast %scan3A_290 : i32 to index
        %get3A_295 = arith.constant 16 : index
        %get3A_296 = tpu.vector_load %arg11[%get3A_294, %get3A_295] {strides = array<i32>} : memref<32x64xf32, #tpu.memory_space<vmem>>, vector<1x16xf32>,
        %get3A_297 = vector.shape_cast %get3A_296 : vector<1x16xf32> to vector<16xf32>
        %get3A_298 = arith.index_cast %scan3A_290 : i32 to index
        %get3A_299 = arith.constant 32 : index
        %get3A_300 = tpu.vector_load %arg11[%get3A_298, %get3A_299] {strides = array<i32>} : memref<32x64xf32, #tpu.memory_space<vmem>>, vector<1x16xf32>,
        %get3A_301 = vector.shape_cast %get3A_300 : vector<1x16xf32> to vector<16xf32>
        %get3A_302 = arith.index_cast %scan3A_290 : i32 to index
        %get3A_303 = arith.constant 48 : index
        %get3A_304 = tpu.vector_load %arg11[%get3A_302, %get3A_303] {strides = array<i32>} : memref<32x64xf32, #tpu.memory_space<vmem>>, vector<1x16xf32>,
        %get3A_305 = vector.shape_cast %get3A_304 : vector<1x16xf32> to vector<16xf32>
        %get3A_306 = arith.index_cast %scan3A_290 : i32 to index
        %get3A_307 = arith.constant 0 : index
        %get3A_308 = tpu.vector_load %arg12[%get3A_306, %get3A_307] {strides = array<i32>} : memref<32x64xf32, #tpu.memory_space<vmem>>, vector<1x16xf32>,
        %get3A_309 = vector.shape_cast %get3A_308 : vector<1x16xf32> to vector<16xf32>
        %mul3A_310 = arith.mulf %get3A_293, %get3A_309 : vector<16xf32>
        %get3A_311 = arith.index_cast %scan3A_290 : i32 to index
        %get3A_312 = arith.constant 16 : index
        %get3A_313 = tpu.vector_load %arg12[%get3A_311, %get3A_312] {strides = array<i32>} : memref<32x64xf32, #tpu.memory_space<vmem>>, vector<1x16xf32>,
        %get3A_314 = vector.shape_cast %get3A_313 : vector<1x16xf32> to vector<16xf32>
        %mul3A_315 = arith.mulf %get3A_297, %get3A_314 : vector<16xf32>
        %add3A_316 = arith.addf %mul3A_310, %mul3A_315 : vector<16xf32>
        %get3A_317 = arith.index_cast %scan3A_290 : i32 to index
        %get3A_318 = arith.constant 32 : index
        %get3A_319 = tpu.vector_load %arg12[%get3A_317, %get3A_318] {strides = array<i32>} : memref<32x64xf32, #tpu.memory_space<vmem>>, vector<1x16xf32>,
        %get3A_320 = vector.shape_cast %get3A_319 : vector<1x16xf32> to vector<16xf32>
        %mul3A_321 = arith.mulf %get3A_301, %get3A_320 : vector<16xf32>
        %add3A_322 = arith.addf %add3A_316, %mul3A_321 : vector<16xf32>
        %get3A_323 = arith.index_cast %scan3A_290 : i32 to index
        %get3A_324 = arith.constant 48 : index
        %get3A_325 = tpu.vector_load %arg12[%get3A_323, %get3A_324] {strides = array<i32>} : memref<32x64xf32, #tpu.memory_space<vmem>>, vector<1x16xf32>,
        %get3A_326 = vector.shape_cast %get3A_325 : vector<1x16xf32> to vector<16xf32>
        %mul3A_327 = arith.mulf %get3A_305, %get3A_326 : vector<16xf32>
        %add3A_328 = arith.addf %add3A_322, %mul3A_327 : vector<16xf32>
        %mul3A_329 = arith.constant 336 : i32
        %mul3A_330 = arith.muli %scan3A_290, %mul3A_329 : i32
        %swap3A = arith.index_cast %mul3A_330 : i32 to index
        %swap3A_331 = tpu.vector_load %arg14[%swap3A] {strides = array<i32>} : memref<10752xf32, #tpu.memory_space<vmem>>, vector<16xf32>,
        %swap3A_332 = vector.shape_cast %swap3A_331 : vector<16xf32> to vector<16xf32>
        %swap3A_333 = vector.shape_cast %add3A_328 : vector<16xf32> to vector<16xf32>
        tpu.vector_store %arg14[%swap3A], %swap3A_333 {strides = array<i32>} : memref<10752xf32, #tpu.memory_space<vmem>>, vector<16xf32>,
        %mul3A_334 = arith.constant 20 : i32
        %mul3A_335 = arith.muli %scan3A_290, %mul3A_334 : i32
        %add3A_336 = arith.constant 0 : i32
        %add3A_337 = arith.addi %mul3A_335, %add3A_336 : i32
        %get3A_338 = arith.index_cast %add3A_337 : i32 to index
        %get3A_339 = arith.constant 0 : index
        %get3A_340 = tpu.vector_load %arg13[%get3A_338, %get3A_339] {strides = array<i32>} : memref<640x64xf32, #tpu.memory_space<vmem>>, vector<1x16xf32>,
        %get3A_341 = vector.shape_cast %get3A_340 : vector<1x16xf32> to vector<16xf32>
        %mul3A_342 = arith.mulf %get3A_293, %get3A_341 : vector<16xf32>
        %get3A_343 = arith.index_cast %add3A_337 : i32 to index
        %get3A_344 = arith.constant 16 : index
        %get3A_345 = tpu.vector_load %arg13[%get3A_343, %get3A_344] {strides = array<i32>} : memref<640x64xf32, #tpu.memory_space<vmem>>, vector<1x16xf32>,
        %get3A_346 = vector.shape_cast %get3A_345 : vector<1x16xf32> to vector<16xf32>
        %mul3A_347 = arith.mulf %get3A_297, %get3A_346 : vector<16xf32>
        %add3A_348 = arith.addf %mul3A_342, %mul3A_347 : vector<16xf32>
        %get3A_349 = arith.index_cast %add3A_337 : i32 to index
        %get3A_350 = arith.constant 32 : index
        %get3A_351 = tpu.vector_load %arg13[%get3A_349, %get3A_350] {strides = array<i32>} : memref<640x64xf32, #tpu.memory_space<vmem>>, vector<1x16xf32>,
        %get3A_352 = vector.shape_cast %get3A_351 : vector<1x16xf32> to vector<16xf32>
        %mul3A_353 = arith.mulf %get3A_301, %get3A_352 : vector<16xf32>
        %add3A_354 = arith.addf %add3A_348, %mul3A_353 : vector<16xf32>
        %get3A_355 = arith.index_cast %add3A_337 : i32 to index
        %get3A_356 = arith.constant 48 : index
        %get3A_357 = tpu.vector_load %arg13[%get3A_355, %get3A_356] {strides = array<i32>} : memref<640x64xf32, #tpu.memory_space<vmem>>, vector<1x16xf32>,
        %get3A_358 = vector.shape_cast %get3A_357 : vector<1x16xf32> to vector<16xf32>
        %mul3A_359 = arith.mulf %get3A_305, %get3A_358 : vector<16xf32>
        %add3A_360 = arith.addf %add3A_354, %mul3A_359 : vector<16xf32>
        %mul3A_361 = arith.constant 336 : i32
        %mul3A_362 = arith.muli %scan3A_290, %mul3A_361 : i32
        %add3A_363 = arith.constant 16 : i32
        %add3A_364 = arith.addi %mul3A_362, %add3A_363 : i32
        %swap3A_365 = arith.index_cast %add3A_364 : i32 to index
        %swap3A_366 = tpu.vector_load %arg14[%swap3A_365] {strides = array<i32>} : memref<10752xf32, #tpu.memory_space<vmem>>, vector<16xf32>,
        %swap3A_367 = vector.shape_cast %swap3A_366 : vector<16xf32> to vector<16xf32>
        %swap3A_368 = vector.shape_cast %add3A_360 : vector<16xf32> to vector<16xf32>
        tpu.vector_store %arg14[%swap3A_365], %swap3A_368 {strides = array<i32>} : memref<10752xf32, #tpu.memory_space<vmem>>, vector<16xf32>,
        %mul3A_369 = arith.constant 20 : i32
        %mul3A_370 = arith.muli %scan3A_290, %mul3A_369 : i32
        %add3A_371 = arith.constant 1 : i32
        %add3A_372 = arith.addi %mul3A_370, %add3A_371 : i32
        %get3A_373 = arith.index_cast %add3A_372 : i32 to index
        %get3A_374 = arith.constant 0 : index
        %get3A_375 = tpu.vector_load %arg13[%get3A_373, %get3A_374] {strides = array<i32>} : memref<640x64xf32, #tpu.memory_space<vmem>>, vector<1x16xf32>,
        %get3A_376 = vector.shape_cast %get3A_375 : vector<1x16xf32> to vector<16xf32>
        %mul3A_377 = arith.mulf %get3A_293, %get3A_376 : vector<16xf32>
        %get3A_378 = arith.index_cast %add3A_372 : i32 to index
        %get3A_379 = arith.constant 16 : index
        %get3A_380 = tpu.vector_load %arg13[%get3A_378, %get3A_379] {strides = array<i32>} : memref<640x64xf32, #tpu.memory_space<vmem>>, vector<1x16xf32>,
        %get3A_381 = vector.shape_cast %get3A_380 : vector<1x16xf32> to vector<16xf32>
        %mul3A_382 = arith.mulf %get3A_297, %get3A_381 : vector<16xf32>
        %add3A_383 = arith.addf %mul3A_377, %mul3A_382 : vector<16xf32>
        %get3A_384 = arith.index_cast %add3A_372 : i32 to index
        %get3A_385 = arith.constant 32 : index
        %get3A_386 = tpu.vector_load %arg13[%get3A_384, %get3A_385] {strides = array<i32>} : memref<640x64xf32, #tpu.memory_space<vmem>>, vector<1x16xf32>,
        %get3A_387 = vector.shape_cast %get3A_386 : vector<1x16xf32> to vector<16xf32>
        %mul3A_388 = arith.mulf %get3A_301, %get3A_387 : vector<16xf32>
        %add3A_389 = arith.addf %add3A_383, %mul3A_388 : vector<16xf32>
        %get3A_390 = arith.index_cast %add3A_372 : i32 to index
        %get3A_391 = arith.constant 48 : index
        %get3A_392 = tpu.vector_load %arg13[%get3A_390, %get3A_391] {strides = array<i32>} : memref<640x64xf32, #tpu.memory_space<vmem>>, vector<1x16xf32>,
        %get3A_393 = vector.shape_cast %get3A_392 : vector<1x16xf32> to vector<16xf32>
        %mul3A_394 = arith.mulf %get3A_305, %get3A_393 : vector<16xf32>
        %add3A_395 = arith.addf %add3A_389, %mul3A_394 : vector<16xf32>
        %mul3A_396 = arith.constant 336 : i32
        %mul3A_397 = arith.muli %scan3A_290, %mul3A_396 : i32
        %add3A_398 = arith.constant 32 : i32
        %add3A_399 = arith.addi %mul3A_397, %add3A_398 : i32
        %swap3A_400 = arith.index_cast %add3A_399 : i32 to index
        %swap3A_401 = tpu.vector_load %arg14[%swap3A_400] {strides = array<i32>} : memref<10752xf32, #tpu.memory_space<vmem>>, vector<16xf32>,
        %swap3A_402 = vector.shape_cast %swap3A_401 : vector<16xf32> to vector<16xf32>
        %swap3A_403 = vector.shape_cast %add3A_395 : vector<16xf32> to vector<16xf32>
        tpu.vector_store %arg14[%swap3A_400], %swap3A_403 {strides = array<i32>} : memref<10752xf32, #tpu.memory_space<vmem>>, vector<16xf32>,
        %mul3A_404 = arith.constant 20 : i32
        %mul3A_405 = arith.muli %scan3A_290, %mul3A_404 : i32
        %add3A_406 = arith.constant 2 : i32
        %add3A_407 = arith.addi %mul3A_405, %add3A_406 : i32
        %get3A_408 = arith.index_cast %add3A_407 : i32 to index
        %get3A_409 = arith.constant 0 : index
        %get3A_410 = tpu.vector_load %arg13[%get3A_408, %get3A_409] {strides = array<i32>} : memref<640x64xf32, #tpu.memory_space<vmem>>, vector<1x16xf32>,
        %get3A_411 = vector.shape_cast %get3A_410 : vector<1x16xf32> to vector<16xf32>
        %mul3A_412 = arith.mulf %get3A_293, %get3A_411 : vector<16xf32>
        %get3A_413 = arith.index_cast %add3A_407 : i32 to index
        %get3A_414 = arith.constant 16 : index
        %get3A_415 = tpu.vector_load %arg13[%get3A_413, %get3A_414] {strides = array<i32>} : memref<640x64xf32, #tpu.memory_space<vmem>>, vector<1x16xf32>,
        %get3A_416 = vector.shape_cast %get3A_415 : vector<1x16xf32> to vector<16xf32>
        %mul3A_417 = arith.mulf %get3A_297, %get3A_416 : vector<16xf32>
        %add3A_418 = arith.addf %mul3A_412, %mul3A_417 : vector<16xf32>
        %get3A_419 = arith.index_cast %add3A_407 : i32 to index
        %get3A_420 = arith.constant 32 : index
        %get3A_421 = tpu.vector_load %arg13[%get3A_419, %get3A_420] {strides = array<i32>} : memref<640x64xf32, #tpu.memory_space<vmem>>, vector<1x16xf32>,
        %get3A_422 = vector.shape_cast %get3A_421 : vector<1x16xf32> to vector<16xf32>
        %mul3A_423 = arith.mulf %get3A_301, %get3A_422 : vector<16xf32>
        %add3A_424 = arith.addf %add3A_418, %mul3A_423 : vector<16xf32>
        %get3A_425 = arith.index_cast %add3A_407 : i32 to index
        %get3A_426 = arith.constant 48 : index
        %get3A_427 = tpu.vector_load %arg13[%get3A_425, %get3A_426] {strides = array<i32>} : memref<640x64xf32, #tpu.memory_space<vmem>>, vector<1x16xf32>,
        %get3A_428 = vector.shape_cast %get3A_427 : vector<1x16xf32> to vector<16xf32>
        %mul3A_429 = arith.mulf %get3A_305, %get3A_428 : vector<16xf32>
        %add3A_430 = arith.addf %add3A_424, %mul3A_429 : vector<16xf32>
        %mul3A_431 = arith.constant 336 : i32
        %mul3A_432 = arith.muli %scan3A_290, %mul3A_431 : i32
        %add3A_433 = arith.constant 48 : i32
        %add3A_434 = arith.addi %mul3A_432, %add3A_433 : i32
        %swap3A_435 = arith.index_cast %add3A_434 : i32 to index
        %swap3A_436 = tpu.vector_load %arg14[%swap3A_435] {strides = array<i32>} : memref<10752xf32, #tpu.memory_space<vmem>>, vector<16xf32>,
        %swap3A_437 = vector.shape_cast %swap3A_436 : vector<16xf32> to vector<16xf32>
        %swap3A_438 = vector.shape_cast %add3A_430 : vector<16xf32> to vector<16xf32>
        tpu.vector_store %arg14[%swap3A_435], %swap3A_438 {strides = array<i32>} : memref<10752xf32, #tpu.memory_space<vmem>>, vector<16xf32>,
        %mul3A_439 = arith.constant 20 : i32
        %mul3A_440 = arith.muli %scan3A_290, %mul3A_439 : i32
        %add3A_441 = arith.constant 3 : i32
        %add3A_442 = arith.addi %mul3A_440, %add3A_441 : i32
        %get3A_443 = arith.index_cast %add3A_442 : i32 to index
        %get3A_444 = arith.constant 0 : index
        %get3A_445 = tpu.vector_load %arg13[%get3A_443, %get3A_444] {strides = array<i32>} : memref<640x64xf32, #tpu.memory_space<vmem>>, vector<1x16xf32>,
        %get3A_446 = vector.shape_cast %get3A_445 : vector<1x16xf32> to vector<16xf32>
        %mul3A_447 = arith.mulf %get3A_293, %get3A_446 : vector<16xf32>
        %get3A_448 = arith.index_cast %add3A_442 : i32 to index
        %get3A_449 = arith.constant 16 : index
        %get3A_450 = tpu.vector_load %arg13[%get3A_448, %get3A_449] {strides = array<i32>} : memref<640x64xf32, #tpu.memory_space<vmem>>, vector<1x16xf32>,
        %get3A_451 = vector.shape_cast %get3A_450 : vector<1x16xf32> to vector<16xf32>
        %mul3A_452 = arith.mulf %get3A_297, %get3A_451 : vector<16xf32>
        %add3A_453 = arith.addf %mul3A_447, %mul3A_452 : vector<16xf32>
        %get3A_454 = arith.index_cast %add3A_442 : i32 to index
        %get3A_455 = arith.constant 32 : index
        %get3A_456 = tpu.vector_load %arg13[%get3A_454, %get3A_455] {strides = array<i32>} : memref<640x64xf32, #tpu.memory_space<vmem>>, vector<1x16xf32>,
        %get3A_457 = vector.shape_cast %get3A_456 : vector<1x16xf32> to vector<16xf32>
        %mul3A_458 = arith.mulf %get3A_301, %get3A_457 : vector<16xf32>
        %add3A_459 = arith.addf %add3A_453, %mul3A_458 : vector<16xf32>
        %get3A_460 = arith.index_cast %add3A_442 : i32 to index
        %get3A_461 = arith.constant 48 : index
        %get3A_462 = tpu.vector_load %arg13[%get3A_460, %get3A_461] {strides = array<i32>} : memref<640x64xf32, #tpu.memory_space<vmem>>, vector<1x16xf32>,
        %get3A_463 = vector.shape_cast %get3A_462 : vector<1x16xf32> to vector<16xf32>
        %mul3A_464 = arith.mulf %get3A_305, %get3A_463 : vector<16xf32>
        %add3A_465 = arith.addf %add3A_459, %mul3A_464 : vector<16xf32>
        %mul3A_466 = arith.constant 336 : i32
        %mul3A_467 = arith.muli %scan3A_290, %mul3A_466 : i32
        %add3A_468 = arith.constant 64 : i32
        %add3A_469 = arith.addi %mul3A_467, %add3A_468 : i32
        %swap3A_470 = arith.index_cast %add3A_469 : i32 to index
        %swap3A_471 = tpu.vector_load %arg14[%swap3A_470] {strides = array<i32>} : memref<10752xf32, #tpu.memory_space<vmem>>, vector<16xf32>,
        %swap3A_472 = vector.shape_cast %swap3A_471 : vector<16xf32> to vector<16xf32>
        %swap3A_473 = vector.shape_cast %add3A_465 : vector<16xf32> to vector<16xf32>
        tpu.vector_store %arg14[%swap3A_470], %swap3A_473 {strides = array<i32>} : memref<10752xf32, #tpu.memory_space<vmem>>, vector<16xf32>,
        %mul3A_474 = arith.constant 20 : i32
        %mul3A_475 = arith.muli %scan3A_290, %mul3A_474 : i32
        %add3A_476 = arith.constant 4 : i32
        %add3A_477 = arith.addi %mul3A_475, %add3A_476 : i32
        %get3A_478 = arith.index_cast %add3A_477 : i32 to index
        %get3A_479 = arith.constant 0 : index
        %get3A_480 = tpu.vector_load %arg13[%get3A_478, %get3A_479] {strides = array<i32>} : memref<640x64xf32, #tpu.memory_space<vmem>>, vector<1x16xf32>,
        %get3A_481 = vector.shape_cast %get3A_480 : vector<1x16xf32> to vector<16xf32>
        %mul3A_482 = arith.mulf %get3A_293, %get3A_481 : vector<16xf32>
        %get3A_483 = arith.index_cast %add3A_477 : i32 to index
        %get3A_484 = arith.constant 16 : index
        %get3A_485 = tpu.vector_load %arg13[%get3A_483, %get3A_484] {strides = array<i32>} : memref<640x64xf32, #tpu.memory_space<vmem>>, vector<1x16xf32>,
        %get3A_486 = vector.shape_cast %get3A_485 : vector<1x16xf32> to vector<16xf32>
        %mul3A_487 = arith.mulf %get3A_297, %get3A_486 : vector<16xf32>
        %add3A_488 = arith.addf %mul3A_482, %mul3A_487 : vector<16xf32>
        %get3A_489 = arith.index_cast %add3A_477 : i32 to index
        %get3A_490 = arith.constant 32 : index
        %get3A_491 = tpu.vector_load %arg13[%get3A_489, %get3A_490] {strides = array<i32>} : memref<640x64xf32, #tpu.memory_space<vmem>>, vector<1x16xf32>,
        %get3A_492 = vector.shape_cast %get3A_491 : vector<1x16xf32> to vector<16xf32>
        %mul3A_493 = arith.mulf %get3A_301, %get3A_492 : vector<16xf32>
        %add3A_494 = arith.addf %add3A_488, %mul3A_493 : vector<16xf32>
        %get3A_495 = arith.index_cast %add3A_477 : i32 to index
        %get3A_496 = arith.constant 48 : index
        %get3A_497 = tpu.vector_load %arg13[%get3A_495, %get3A_496] {strides = array<i32>} : memref<640x64xf32, #tpu.memory_space<vmem>>, vector<1x16xf32>,
        %get3A_498 = vector.shape_cast %get3A_497 : vector<1x16xf32> to vector<16xf32>
        %mul3A_499 = arith.mulf %get3A_305, %get3A_498 : vector<16xf32>
        %add3A_500 = arith.addf %add3A_494, %mul3A_499 : vector<16xf32>
        %mul3A_501 = arith.constant 336 : i32
        %mul3A_502 = arith.muli %scan3A_290, %mul3A_501 : i32
        %add3A_503 = arith.constant 80 : i32
        %add3A_504 = arith.addi %mul3A_502, %add3A_503 : i32
        %swap3A_505 = arith.index_cast %add3A_504 : i32 to index
        %swap3A_506 = tpu.vector_load %arg14[%swap3A_505] {strides = array<i32>} : memref<10752xf32, #tpu.memory_space<vmem>>, vector<16xf32>,
        %swap3A_507 = vector.shape_cast %swap3A_506 : vector<16xf32> to vector<16xf32>
        %swap3A_508 = vector.shape_cast %add3A_500 : vector<16xf32> to vector<16xf32>
        tpu.vector_store %arg14[%swap3A_505], %swap3A_508 {strides = array<i32>} : memref<10752xf32, #tpu.memory_space<vmem>>, vector<16xf32>,
        %mul3A_509 = arith.constant 20 : i32
        %mul3A_510 = arith.muli %scan3A_290, %mul3A_509 : i32
        %add3A_511 = arith.constant 5 : i32
        %add3A_512 = arith.addi %mul3A_510, %add3A_511 : i32
        %get3A_513 = arith.index_cast %add3A_512 : i32 to index
        %get3A_514 = arith.constant 0 : index
        %get3A_515 = tpu.vector_load %arg13[%get3A_513, %get3A_514] {strides = array<i32>} : memref<640x64xf32, #tpu.memory_space<vmem>>, vector<1x16xf32>,
        %get3A_516 = vector.shape_cast %get3A_515 : vector<1x16xf32> to vector<16xf32>
        %mul3A_517 = arith.mulf %get3A_293, %get3A_516 : vector<16xf32>
        %get3A_518 = arith.index_cast %add3A_512 : i32 to index
        %get3A_519 = arith.constant 16 : index
        %get3A_520 = tpu.vector_load %arg13[%get3A_518, %get3A_519] {strides = array<i32>} : memref<640x64xf32, #tpu.memory_space<vmem>>, vector<1x16xf32>,
        %get3A_521 = vector.shape_cast %get3A_520 : vector<1x16xf32> to vector<16xf32>
        %mul3A_522 = arith.mulf %get3A_297, %get3A_521 : vector<16xf32>
        %add3A_523 = arith.addf %mul3A_517, %mul3A_522 : vector<16xf32>
        %get3A_524 = arith.index_cast %add3A_512 : i32 to index
        %get3A_525 = arith.constant 32 : index
        %get3A_526 = tpu.vector_load %arg13[%get3A_524, %get3A_525] {strides = array<i32>} : memref<640x64xf32, #tpu.memory_space<vmem>>, vector<1x16xf32>,
        %get3A_527 = vector.shape_cast %get3A_526 : vector<1x16xf32> to vector<16xf32>
        %mul3A_528 = arith.mulf %get3A_301, %get3A_527 : vector<16xf32>
        %add3A_529 = arith.addf %add3A_523, %mul3A_528 : vector<16xf32>
        %get3A_530 = arith.index_cast %add3A_512 : i32 to index
        %get3A_531 = arith.constant 48 : index
        %get3A_532 = tpu.vector_load %arg13[%get3A_530, %get3A_531] {strides = array<i32>} : memref<640x64xf32, #tpu.memory_space<vmem>>, vector<1x16xf32>,
        %get3A_533 = vector.shape_cast %get3A_532 : vector<1x16xf32> to vector<16xf32>
        %mul3A_534 = arith.mulf %get3A_305, %get3A_533 : vector<16xf32>
        %add3A_535 = arith.addf %add3A_529, %mul3A_534 : vector<16xf32>
        %mul3A_536 = arith.constant 336 : i32
        %mul3A_537 = arith.muli %scan3A_290, %mul3A_536 : i32
        %add3A_538 = arith.constant 96 : i32
        %add3A_539 = arith.addi %mul3A_537, %add3A_538 : i32
        %swap3A_540 = arith.index_cast %add3A_539 : i32 to index
        %swap3A_541 = tpu.vector_load %arg14[%swap3A_540] {strides = array<i32>} : memref<10752xf32, #tpu.memory_space<vmem>>, vector<16xf32>,
        %swap3A_542 = vector.shape_cast %swap3A_541 : vector<16xf32> to vector<16xf32>
        %swap3A_543 = vector.shape_cast %add3A_535 : vector<16xf32> to vector<16xf32>
        tpu.vector_store %arg14[%swap3A_540], %swap3A_543 {strides = array<i32>} : memref<10752xf32, #tpu.memory_space<vmem>>, vector<16xf32>,
        %mul3A_544 = arith.constant 20 : i32
        %mul3A_545 = arith.muli %scan3A_290, %mul3A_544 : i32
        %add3A_546 = arith.constant 6 : i32
        %add3A_547 = arith.addi %mul3A_545, %add3A_546 : i32
        %get3A_548 = arith.index_cast %add3A_547 : i32 to index
        %get3A_549 = arith.constant 0 : index
        %get3A_550 = tpu.vector_load %arg13[%get3A_548, %get3A_549] {strides = array<i32>} : memref<640x64xf32, #tpu.memory_space<vmem>>, vector<1x16xf32>,
        %get3A_551 = vector.shape_cast %get3A_550 : vector<1x16xf32> to vector<16xf32>
        %mul3A_552 = arith.mulf %get3A_293, %get3A_551 : vector<16xf32>
        %get3A_553 = arith.index_cast %add3A_547 : i32 to index
        %get3A_554 = arith.constant 16 : index
        %get3A_555 = tpu.vector_load %arg13[%get3A_553, %get3A_554] {strides = array<i32>} : memref<640x64xf32, #tpu.memory_space<vmem>>, vector<1x16xf32>,
        %get3A_556 = vector.shape_cast %get3A_555 : vector<1x16xf32> to vector<16xf32>
        %mul3A_557 = arith.mulf %get3A_297, %get3A_556 : vector<16xf32>
        %add3A_558 = arith.addf %mul3A_552, %mul3A_557 : vector<16xf32>
        %get3A_559 = arith.index_cast %add3A_547 : i32 to index
        %get3A_560 = arith.constant 32 : index
        %get3A_561 = tpu.vector_load %arg13[%get3A_559, %get3A_560] {strides = array<i32>} : memref<640x64xf32, #tpu.memory_space<vmem>>, vector<1x16xf32>,
        %get3A_562 = vector.shape_cast %get3A_561 : vector<1x16xf32> to vector<16xf32>
        %mul3A_563 = arith.mulf %get3A_301, %get3A_562 : vector<16xf32>
        %add3A_564 = arith.addf %add3A_558, %mul3A_563 : vector<16xf32>
        %get3A_565 = arith.index_cast %add3A_547 : i32 to index
        %get3A_566 = arith.constant 48 : index
        %get3A_567 = tpu.vector_load %arg13[%get3A_565, %get3A_566] {strides = array<i32>} : memref<640x64xf32, #tpu.memory_space<vmem>>, vector<1x16xf32>,
        %get3A_568 = vector.shape_cast %get3A_567 : vector<1x16xf32> to vector<16xf32>
        %mul3A_569 = arith.mulf %get3A_305, %get3A_568 : vector<16xf32>
        %add3A_570 = arith.addf %add3A_564, %mul3A_569 : vector<16xf32>
        %mul3A_571 = arith.constant 336 : i32
        %mul3A_572 = arith.muli %scan3A_290, %mul3A_571 : i32
        %add3A_573 = arith.constant 112 : i32
        %add3A_574 = arith.addi %mul3A_572, %add3A_573 : i32
        %swap3A_575 = arith.index_cast %add3A_574 : i32 to index
        %swap3A_576 = tpu.vector_load %arg14[%swap3A_575] {strides = array<i32>} : memref<10752xf32, #tpu.memory_space<vmem>>, vector<16xf32>,
        %swap3A_577 = vector.shape_cast %swap3A_576 : vector<16xf32> to vector<16xf32>
        %swap3A_578 = vector.shape_cast %add3A_570 : vector<16xf32> to vector<16xf32>
        tpu.vector_store %arg14[%swap3A_575], %swap3A_578 {strides = array<i32>} : memref<10752xf32, #tpu.memory_space<vmem>>, vector<16xf32>,
        %mul3A_579 = arith.constant 20 : i32
        %mul3A_580 = arith.muli %scan3A_290, %mul3A_579 : i32
        %add3A_581 = arith.constant 7 : i32
        %add3A_582 = arith.addi %mul3A_580, %add3A_581 : i32
        %get3A_583 = arith.index_cast %add3A_582 : i32 to index
        %get3A_584 = arith.constant 0 : index
        %get3A_585 = tpu.vector_load %arg13[%get3A_583, %get3A_584] {strides = array<i32>} : memref<640x64xf32, #tpu.memory_space<vmem>>, vector<1x16xf32>,
        %get3A_586 = vector.shape_cast %get3A_585 : vector<1x16xf32> to vector<16xf32>
        %mul3A_587 = arith.mulf %get3A_293, %get3A_586 : vector<16xf32>
        %get3A_588 = arith.index_cast %add3A_582 : i32 to index
        %get3A_589 = arith.constant 16 : index
        %get3A_590 = tpu.vector_load %arg13[%get3A_588, %get3A_589] {strides = array<i32>} : memref<640x64xf32, #tpu.memory_space<vmem>>, vector<1x16xf32>,
        %get3A_591 = vector.shape_cast %get3A_590 : vector<1x16xf32> to vector<16xf32>
        %mul3A_592 = arith.mulf %get3A_297, %get3A_591 : vector<16xf32>
        %add3A_593 = arith.addf %mul3A_587, %mul3A_592 : vector<16xf32>
        %get3A_594 = arith.index_cast %add3A_582 : i32 to index
        %get3A_595 = arith.constant 32 : index
        %get3A_596 = tpu.vector_load %arg13[%get3A_594, %get3A_595] {strides = array<i32>} : memref<640x64xf32, #tpu.memory_space<vmem>>, vector<1x16xf32>,
        %get3A_597 = vector.shape_cast %get3A_596 : vector<1x16xf32> to vector<16xf32>
        %mul3A_598 = arith.mulf %get3A_301, %get3A_597 : vector<16xf32>
        %add3A_599 = arith.addf %add3A_593, %mul3A_598 : vector<16xf32>
        %get3A_600 = arith.index_cast %add3A_582 : i32 to index
        %get3A_601 = arith.constant 48 : index
        %get3A_602 = tpu.vector_load %arg13[%get3A_600, %get3A_601] {strides = array<i32>} : memref<640x64xf32, #tpu.memory_space<vmem>>, vector<1x16xf32>,
        %get3A_603 = vector.shape_cast %get3A_602 : vector<1x16xf32> to vector<16xf32>
        %mul3A_604 = arith.mulf %get3A_305, %get3A_603 : vector<16xf32>
        %add3A_605 = arith.addf %add3A_599, %mul3A_604 : vector<16xf32>
        %mul3A_606 = arith.constant 336 : i32
        %mul3A_607 = arith.muli %scan3A_290, %mul3A_606 : i32
        %add3A_608 = arith.constant 128 : i32
        %add3A_609 = arith.addi %mul3A_607, %add3A_608 : i32
        %swap3A_610 = arith.index_cast %add3A_609 : i32 to index
        %swap3A_611 = tpu.vector_load %arg14[%swap3A_610] {strides = array<i32>} : memref<10752xf32, #tpu.memory_space<vmem>>, vector<16xf32>,
        %swap3A_612 = vector.shape_cast %swap3A_611 : vector<16xf32> to vector<16xf32>
        %swap3A_613 = vector.shape_cast %add3A_605 : vector<16xf32> to vector<16xf32>
        tpu.vector_store %arg14[%swap3A_610], %swap3A_613 {strides = array<i32>} : memref<10752xf32, #tpu.memory_space<vmem>>, vector<16xf32>,
        %mul3A_614 = arith.constant 20 : i32
        %mul3A_615 = arith.muli %scan3A_290, %mul3A_614 : i32
        %add3A_616 = arith.constant 8 : i32
        %add3A_617 = arith.addi %mul3A_615, %add3A_616 : i32
        %get3A_618 = arith.index_cast %add3A_617 : i32 to index
        %get3A_619 = arith.constant 0 : index
        %get3A_620 = tpu.vector_load %arg13[%get3A_618, %get3A_619] {strides = array<i32>} : memref<640x64xf32, #tpu.memory_space<vmem>>, vector<1x16xf32>,
        %get3A_621 = vector.shape_cast %get3A_620 : vector<1x16xf32> to vector<16xf32>
        %mul3A_622 = arith.mulf %get3A_293, %get3A_621 : vector<16xf32>
        %get3A_623 = arith.index_cast %add3A_617 : i32 to index
        %get3A_624 = arith.constant 16 : index
        %get3A_625 = tpu.vector_load %arg13[%get3A_623, %get3A_624] {strides = array<i32>} : memref<640x64xf32, #tpu.memory_space<vmem>>, vector<1x16xf32>,
        %get3A_626 = vector.shape_cast %get3A_625 : vector<1x16xf32> to vector<16xf32>
        %mul3A_627 = arith.mulf %get3A_297, %get3A_626 : vector<16xf32>
        %add3A_628 = arith.addf %mul3A_622, %mul3A_627 : vector<16xf32>
        %get3A_629 = arith.index_cast %add3A_617 : i32 to index
        %get3A_630 = arith.constant 32 : index
        %get3A_631 = tpu.vector_load %arg13[%get3A_629, %get3A_630] {strides = array<i32>} : memref<640x64xf32, #tpu.memory_space<vmem>>, vector<1x16xf32>,
        %get3A_632 = vector.shape_cast %get3A_631 : vector<1x16xf32> to vector<16xf32>
        %mul3A_633 = arith.mulf %get3A_301, %get3A_632 : vector<16xf32>
        %add3A_634 = arith.addf %add3A_628, %mul3A_633 : vector<16xf32>
        %get3A_635 = arith.index_cast %add3A_617 : i32 to index
        %get3A_636 = arith.constant 48 : index
        %get3A_637 = tpu.vector_load %arg13[%get3A_635, %get3A_636] {strides = array<i32>} : memref<640x64xf32, #tpu.memory_space<vmem>>, vector<1x16xf32>,
        %get3A_638 = vector.shape_cast %get3A_637 : vector<1x16xf32> to vector<16xf32>
        %mul3A_639 = arith.mulf %get3A_305, %get3A_638 : vector<16xf32>
        %add3A_640 = arith.addf %add3A_634, %mul3A_639 : vector<16xf32>
        %mul3A_641 = arith.constant 336 : i32
        %mul3A_642 = arith.muli %scan3A_290, %mul3A_641 : i32
        %add3A_643 = arith.constant 144 : i32
        %add3A_644 = arith.addi %mul3A_642, %add3A_643 : i32
        %swap3A_645 = arith.index_cast %add3A_644 : i32 to index
        %swap3A_646 = tpu.vector_load %arg14[%swap3A_645] {strides = array<i32>} : memref<10752xf32, #tpu.memory_space<vmem>>, vector<16xf32>,
        %swap3A_647 = vector.shape_cast %swap3A_646 : vector<16xf32> to vector<16xf32>
        %swap3A_648 = vector.shape_cast %add3A_640 : vector<16xf32> to vector<16xf32>
        tpu.vector_store %arg14[%swap3A_645], %swap3A_648 {strides = array<i32>} : memref<10752xf32, #tpu.memory_space<vmem>>, vector<16xf32>,
        %mul3A_649 = arith.constant 20 : i32
        %mul3A_650 = arith.muli %scan3A_290, %mul3A_649 : i32
        %add3A_651 = arith.constant 9 : i32
        %add3A_652 = arith.addi %mul3A_650, %add3A_651 : i32
        %get3A_653 = arith.index_cast %add3A_652 : i32 to index
        %get3A_654 = arith.constant 0 : index
        %get3A_655 = tpu.vector_load %arg13[%get3A_653, %get3A_654] {strides = array<i32>} : memref<640x64xf32, #tpu.memory_space<vmem>>, vector<1x16xf32>,
        %get3A_656 = vector.shape_cast %get3A_655 : vector<1x16xf32> to vector<16xf32>
        %mul3A_657 = arith.mulf %get3A_293, %get3A_656 : vector<16xf32>
        %get3A_658 = arith.index_cast %add3A_652 : i32 to index
        %get3A_659 = arith.constant 16 : index
        %get3A_660 = tpu.vector_load %arg13[%get3A_658, %get3A_659] {strides = array<i32>} : memref<640x64xf32, #tpu.memory_space<vmem>>, vector<1x16xf32>,
        %get3A_661 = vector.shape_cast %get3A_660 : vector<1x16xf32> to vector<16xf32>
        %mul3A_662 = arith.mulf %get3A_297, %get3A_661 : vector<16xf32>
        %add3A_663 = arith.addf %mul3A_657, %mul3A_662 : vector<16xf32>
        %get3A_664 = arith.index_cast %add3A_652 : i32 to index
        %get3A_665 = arith.constant 32 : index
        %get3A_666 = tpu.vector_load %arg13[%get3A_664, %get3A_665] {strides = array<i32>} : memref<640x64xf32, #tpu.memory_space<vmem>>, vector<1x16xf32>,
        %get3A_667 = vector.shape_cast %get3A_666 : vector<1x16xf32> to vector<16xf32>
        %mul3A_668 = arith.mulf %get3A_301, %get3A_667 : vector<16xf32>
        %add3A_669 = arith.addf %add3A_663, %mul3A_668 : vector<16xf32>
        %get3A_670 = arith.index_cast %add3A_652 : i32 to index
        %get3A_671 = arith.constant 48 : index
        %get3A_672 = tpu.vector_load %arg13[%get3A_670, %get3A_671] {strides = array<i32>} : memref<640x64xf32, #tpu.memory_space<vmem>>, vector<1x16xf32>,
        %get3A_673 = vector.shape_cast %get3A_672 : vector<1x16xf32> to vector<16xf32>
        %mul3A_674 = arith.mulf %get3A_305, %get3A_673 : vector<16xf32>
        %add3A_675 = arith.addf %add3A_669, %mul3A_674 : vector<16xf32>
        %mul3A_676 = arith.constant 336 : i32
        %mul3A_677 = arith.muli %scan3A_290, %mul3A_676 : i32
        %add3A_678 = arith.constant 160 : i32
        %add3A_679 = arith.addi %mul3A_677, %add3A_678 : i32
        %swap3A_680 = arith.index_cast %add3A_679 : i32 to index
        %swap3A_681 = tpu.vector_load %arg14[%swap3A_680] {strides = array<i32>} : memref<10752xf32, #tpu.memory_space<vmem>>, vector<16xf32>,
        %swap3A_682 = vector.shape_cast %swap3A_681 : vector<16xf32> to vector<16xf32>
        %swap3A_683 = vector.shape_cast %add3A_675 : vector<16xf32> to vector<16xf32>
        tpu.vector_store %arg14[%swap3A_680], %swap3A_683 {strides = array<i32>} : memref<10752xf32, #tpu.memory_space<vmem>>, vector<16xf32>,
        %mul3A_684 = arith.constant 20 : i32
        %mul3A_685 = arith.muli %scan3A_290, %mul3A_684 : i32
        %add3A_686 = arith.constant 10 : i32
        %add3A_687 = arith.addi %mul3A_685, %add3A_686 : i32
        %get3A_688 = arith.index_cast %add3A_687 : i32 to index
        %get3A_689 = arith.constant 0 : index
        %get3A_690 = tpu.vector_load %arg13[%get3A_688, %get3A_689] {strides = array<i32>} : memref<640x64xf32, #tpu.memory_space<vmem>>, vector<1x16xf32>,
        %get3A_691 = vector.shape_cast %get3A_690 : vector<1x16xf32> to vector<16xf32>
        %mul3A_692 = arith.mulf %get3A_293, %get3A_691 : vector<16xf32>
        %get3A_693 = arith.index_cast %add3A_687 : i32 to index
        %get3A_694 = arith.constant 16 : index
        %get3A_695 = tpu.vector_load %arg13[%get3A_693, %get3A_694] {strides = array<i32>} : memref<640x64xf32, #tpu.memory_space<vmem>>, vector<1x16xf32>,
        %get3A_696 = vector.shape_cast %get3A_695 : vector<1x16xf32> to vector<16xf32>
        %mul3A_697 = arith.mulf %get3A_297, %get3A_696 : vector<16xf32>
        %add3A_698 = arith.addf %mul3A_692, %mul3A_697 : vector<16xf32>
        %get3A_699 = arith.index_cast %add3A_687 : i32 to index
        %get3A_700 = arith.constant 32 : index
        %get3A_701 = tpu.vector_load %arg13[%get3A_699, %get3A_700] {strides = array<i32>} : memref<640x64xf32, #tpu.memory_space<vmem>>, vector<1x16xf32>,
        %get3A_702 = vector.shape_cast %get3A_701 : vector<1x16xf32> to vector<16xf32>
        %mul3A_703 = arith.mulf %get3A_301, %get3A_702 : vector<16xf32>
        %add3A_704 = arith.addf %add3A_698, %mul3A_703 : vector<16xf32>
        %get3A_705 = arith.index_cast %add3A_687 : i32 to index
        %get3A_706 = arith.constant 48 : index
        %get3A_707 = tpu.vector_load %arg13[%get3A_705, %get3A_706] {strides = array<i32>} : memref<640x64xf32, #tpu.memory_space<vmem>>, vector<1x16xf32>,
        %get3A_708 = vector.shape_cast %get3A_707 : vector<1x16xf32> to vector<16xf32>
        %mul3A_709 = arith.mulf %get3A_305, %get3A_708 : vector<16xf32>
        %add3A_710 = arith.addf %add3A_704, %mul3A_709 : vector<16xf32>
        %mul3A_711 = arith.constant 336 : i32
        %mul3A_712 = arith.muli %scan3A_290, %mul3A_711 : i32
        %add3A_713 = arith.constant 176 : i32
        %add3A_714 = arith.addi %mul3A_712, %add3A_713 : i32
        %swap3A_715 = arith.index_cast %add3A_714 : i32 to index
        %swap3A_716 = tpu.vector_load %arg14[%swap3A_715] {strides = array<i32>} : memref<10752xf32, #tpu.memory_space<vmem>>, vector<16xf32>,
        %swap3A_717 = vector.shape_cast %swap3A_716 : vector<16xf32> to vector<16xf32>
        %swap3A_718 = vector.shape_cast %add3A_710 : vector<16xf32> to vector<16xf32>
        tpu.vector_store %arg14[%swap3A_715], %swap3A_718 {strides = array<i32>} : memref<10752xf32, #tpu.memory_space<vmem>>, vector<16xf32>,
        %mul3A_719 = arith.constant 20 : i32
        %mul3A_720 = arith.muli %scan3A_290, %mul3A_719 : i32
        %add3A_721 = arith.constant 11 : i32
        %add3A_722 = arith.addi %mul3A_720, %add3A_721 : i32
        %get3A_723 = arith.index_cast %add3A_722 : i32 to index
        %get3A_724 = arith.constant 0 : index
        %get3A_725 = tpu.vector_load %arg13[%get3A_723, %get3A_724] {strides = array<i32>} : memref<640x64xf32, #tpu.memory_space<vmem>>, vector<1x16xf32>,
        %get3A_726 = vector.shape_cast %get3A_725 : vector<1x16xf32> to vector<16xf32>
        %mul3A_727 = arith.mulf %get3A_293, %get3A_726 : vector<16xf32>
        %get3A_728 = arith.index_cast %add3A_722 : i32 to index
        %get3A_729 = arith.constant 16 : index
        %get3A_730 = tpu.vector_load %arg13[%get3A_728, %get3A_729] {strides = array<i32>} : memref<640x64xf32, #tpu.memory_space<vmem>>, vector<1x16xf32>,
        %get3A_731 = vector.shape_cast %get3A_730 : vector<1x16xf32> to vector<16xf32>
        %mul3A_732 = arith.mulf %get3A_297, %get3A_731 : vector<16xf32>
        %add3A_733 = arith.addf %mul3A_727, %mul3A_732 : vector<16xf32>
        %get3A_734 = arith.index_cast %add3A_722 : i32 to index
        %get3A_735 = arith.constant 32 : index
        %get3A_736 = tpu.vector_load %arg13[%get3A_734, %get3A_735] {strides = array<i32>} : memref<640x64xf32, #tpu.memory_space<vmem>>, vector<1x16xf32>,
        %get3A_737 = vector.shape_cast %get3A_736 : vector<1x16xf32> to vector<16xf32>
        %mul3A_738 = arith.mulf %get3A_301, %get3A_737 : vector<16xf32>
        %add3A_739 = arith.addf %add3A_733, %mul3A_738 : vector<16xf32>
        %get3A_740 = arith.index_cast %add3A_722 : i32 to index
        %get3A_741 = arith.constant 48 : index
        %get3A_742 = tpu.vector_load %arg13[%get3A_740, %get3A_741] {strides = array<i32>} : memref<640x64xf32, #tpu.memory_space<vmem>>, vector<1x16xf32>,
        %get3A_743 = vector.shape_cast %get3A_742 : vector<1x16xf32> to vector<16xf32>
        %mul3A_744 = arith.mulf %get3A_305, %get3A_743 : vector<16xf32>
        %add3A_745 = arith.addf %add3A_739, %mul3A_744 : vector<16xf32>
        %mul3A_746 = arith.constant 336 : i32
        %mul3A_747 = arith.muli %scan3A_290, %mul3A_746 : i32
        %add3A_748 = arith.constant 192 : i32
        %add3A_749 = arith.addi %mul3A_747, %add3A_748 : i32
        %swap3A_750 = arith.index_cast %add3A_749 : i32 to index
        %swap3A_751 = tpu.vector_load %arg14[%swap3A_750] {strides = array<i32>} : memref<10752xf32, #tpu.memory_space<vmem>>, vector<16xf32>,
        %swap3A_752 = vector.shape_cast %swap3A_751 : vector<16xf32> to vector<16xf32>
        %swap3A_753 = vector.shape_cast %add3A_745 : vector<16xf32> to vector<16xf32>
        tpu.vector_store %arg14[%swap3A_750], %swap3A_753 {strides = array<i32>} : memref<10752xf32, #tpu.memory_space<vmem>>, vector<16xf32>,
        %mul3A_754 = arith.constant 20 : i32
        %mul3A_755 = arith.muli %scan3A_290, %mul3A_754 : i32
        %add3A_756 = arith.constant 12 : i32
        %add3A_757 = arith.addi %mul3A_755, %add3A_756 : i32
        %get3A_758 = arith.index_cast %add3A_757 : i32 to index
        %get3A_759 = arith.constant 0 : index
        %get3A_760 = tpu.vector_load %arg13[%get3A_758, %get3A_759] {strides = array<i32>} : memref<640x64xf32, #tpu.memory_space<vmem>>, vector<1x16xf32>,
        %get3A_761 = vector.shape_cast %get3A_760 : vector<1x16xf32> to vector<16xf32>
        %mul3A_762 = arith.mulf %get3A_293, %get3A_761 : vector<16xf32>
        %get3A_763 = arith.index_cast %add3A_757 : i32 to index
        %get3A_764 = arith.constant 16 : index
        %get3A_765 = tpu.vector_load %arg13[%get3A_763, %get3A_764] {strides = array<i32>} : memref<640x64xf32, #tpu.memory_space<vmem>>, vector<1x16xf32>,
        %get3A_766 = vector.shape_cast %get3A_765 : vector<1x16xf32> to vector<16xf32>
        %mul3A_767 = arith.mulf %get3A_297, %get3A_766 : vector<16xf32>
        %add3A_768 = arith.addf %mul3A_762, %mul3A_767 : vector<16xf32>
        %get3A_769 = arith.index_cast %add3A_757 : i32 to index
        %get3A_770 = arith.constant 32 : index
        %get3A_771 = tpu.vector_load %arg13[%get3A_769, %get3A_770] {strides = array<i32>} : memref<640x64xf32, #tpu.memory_space<vmem>>, vector<1x16xf32>,
        %get3A_772 = vector.shape_cast %get3A_771 : vector<1x16xf32> to vector<16xf32>
        %mul3A_773 = arith.mulf %get3A_301, %get3A_772 : vector<16xf32>
        %add3A_774 = arith.addf %add3A_768, %mul3A_773 : vector<16xf32>
        %get3A_775 = arith.index_cast %add3A_757 : i32 to index
        %get3A_776 = arith.constant 48 : index
        %get3A_777 = tpu.vector_load %arg13[%get3A_775, %get3A_776] {strides = array<i32>} : memref<640x64xf32, #tpu.memory_space<vmem>>, vector<1x16xf32>,
        %get3A_778 = vector.shape_cast %get3A_777 : vector<1x16xf32> to vector<16xf32>
        %mul3A_779 = arith.mulf %get3A_305, %get3A_778 : vector<16xf32>
        %add3A_780 = arith.addf %add3A_774, %mul3A_779 : vector<16xf32>
        %mul3A_781 = arith.constant 336 : i32
        %mul3A_782 = arith.muli %scan3A_290, %mul3A_781 : i32
        %add3A_783 = arith.constant 208 : i32
        %add3A_784 = arith.addi %mul3A_782, %add3A_783 : i32
        %swap3A_785 = arith.index_cast %add3A_784 : i32 to index
        %swap3A_786 = tpu.vector_load %arg14[%swap3A_785] {strides = array<i32>} : memref<10752xf32, #tpu.memory_space<vmem>>, vector<16xf32>,
        %swap3A_787 = vector.shape_cast %swap3A_786 : vector<16xf32> to vector<16xf32>
        %swap3A_788 = vector.shape_cast %add3A_780 : vector<16xf32> to vector<16xf32>
        tpu.vector_store %arg14[%swap3A_785], %swap3A_788 {strides = array<i32>} : memref<10752xf32, #tpu.memory_space<vmem>>, vector<16xf32>,
        %mul3A_789 = arith.constant 20 : i32
        %mul3A_790 = arith.muli %scan3A_290, %mul3A_789 : i32
        %add3A_791 = arith.constant 13 : i32
        %add3A_792 = arith.addi %mul3A_790, %add3A_791 : i32
        %get3A_793 = arith.index_cast %add3A_792 : i32 to index
        %get3A_794 = arith.constant 0 : index
        %get3A_795 = tpu.vector_load %arg13[%get3A_793, %get3A_794] {strides = array<i32>} : memref<640x64xf32, #tpu.memory_space<vmem>>, vector<1x16xf32>,
        %get3A_796 = vector.shape_cast %get3A_795 : vector<1x16xf32> to vector<16xf32>
        %mul3A_797 = arith.mulf %get3A_293, %get3A_796 : vector<16xf32>
        %get3A_798 = arith.index_cast %add3A_792 : i32 to index
        %get3A_799 = arith.constant 16 : index
        %get3A_800 = tpu.vector_load %arg13[%get3A_798, %get3A_799] {strides = array<i32>} : memref<640x64xf32, #tpu.memory_space<vmem>>, vector<1x16xf32>,
        %get3A_801 = vector.shape_cast %get3A_800 : vector<1x16xf32> to vector<16xf32>
        %mul3A_802 = arith.mulf %get3A_297, %get3A_801 : vector<16xf32>
        %add3A_803 = arith.addf %mul3A_797, %mul3A_802 : vector<16xf32>
        %get3A_804 = arith.index_cast %add3A_792 : i32 to index
        %get3A_805 = arith.constant 32 : index
        %get3A_806 = tpu.vector_load %arg13[%get3A_804, %get3A_805] {strides = array<i32>} : memref<640x64xf32, #tpu.memory_space<vmem>>, vector<1x16xf32>,
        %get3A_807 = vector.shape_cast %get3A_806 : vector<1x16xf32> to vector<16xf32>
        %mul3A_808 = arith.mulf %get3A_301, %get3A_807 : vector<16xf32>
        %add3A_809 = arith.addf %add3A_803, %mul3A_808 : vector<16xf32>
        %get3A_810 = arith.index_cast %add3A_792 : i32 to index
        %get3A_811 = arith.constant 48 : index
        %get3A_812 = tpu.vector_load %arg13[%get3A_810, %get3A_811] {strides = array<i32>} : memref<640x64xf32, #tpu.memory_space<vmem>>, vector<1x16xf32>,
        %get3A_813 = vector.shape_cast %get3A_812 : vector<1x16xf32> to vector<16xf32>
        %mul3A_814 = arith.mulf %get3A_305, %get3A_813 : vector<16xf32>
        %add3A_815 = arith.addf %add3A_809, %mul3A_814 : vector<16xf32>
        %mul3A_816 = arith.constant 336 : i32
        %mul3A_817 = arith.muli %scan3A_290, %mul3A_816 : i32
        %add3A_818 = arith.constant 224 : i32
        %add3A_819 = arith.addi %mul3A_817, %add3A_818 : i32
        %swap3A_820 = arith.index_cast %add3A_819 : i32 to index
        %swap3A_821 = tpu.vector_load %arg14[%swap3A_820] {strides = array<i32>} : memref<10752xf32, #tpu.memory_space<vmem>>, vector<16xf32>,
        %swap3A_822 = vector.shape_cast %swap3A_821 : vector<16xf32> to vector<16xf32>
        %swap3A_823 = vector.shape_cast %add3A_815 : vector<16xf32> to vector<16xf32>
        tpu.vector_store %arg14[%swap3A_820], %swap3A_823 {strides = array<i32>} : memref<10752xf32, #tpu.memory_space<vmem>>, vector<16xf32>,
        %mul3A_824 = arith.constant 20 : i32
        %mul3A_825 = arith.muli %scan3A_290, %mul3A_824 : i32
        %add3A_826 = arith.constant 14 : i32
        %add3A_827 = arith.addi %mul3A_825, %add3A_826 : i32
        %get3A_828 = arith.index_cast %add3A_827 : i32 to index
        %get3A_829 = arith.constant 0 : index
        %get3A_830 = tpu.vector_load %arg13[%get3A_828, %get3A_829] {strides = array<i32>} : memref<640x64xf32, #tpu.memory_space<vmem>>, vector<1x16xf32>,
        %get3A_831 = vector.shape_cast %get3A_830 : vector<1x16xf32> to vector<16xf32>
        %mul3A_832 = arith.mulf %get3A_293, %get3A_831 : vector<16xf32>
        %get3A_833 = arith.index_cast %add3A_827 : i32 to index
        %get3A_834 = arith.constant 16 : index
        %get3A_835 = tpu.vector_load %arg13[%get3A_833, %get3A_834] {strides = array<i32>} : memref<640x64xf32, #tpu.memory_space<vmem>>, vector<1x16xf32>,
        %get3A_836 = vector.shape_cast %get3A_835 : vector<1x16xf32> to vector<16xf32>
        %mul3A_837 = arith.mulf %get3A_297, %get3A_836 : vector<16xf32>
        %add3A_838 = arith.addf %mul3A_832, %mul3A_837 : vector<16xf32>
        %get3A_839 = arith.index_cast %add3A_827 : i32 to index
        %get3A_840 = arith.constant 32 : index
        %get3A_841 = tpu.vector_load %arg13[%get3A_839, %get3A_840] {strides = array<i32>} : memref<640x64xf32, #tpu.memory_space<vmem>>, vector<1x16xf32>,
        %get3A_842 = vector.shape_cast %get3A_841 : vector<1x16xf32> to vector<16xf32>
        %mul3A_843 = arith.mulf %get3A_301, %get3A_842 : vector<16xf32>
        %add3A_844 = arith.addf %add3A_838, %mul3A_843 : vector<16xf32>
        %get3A_845 = arith.index_cast %add3A_827 : i32 to index
        %get3A_846 = arith.constant 48 : index
        %get3A_847 = tpu.vector_load %arg13[%get3A_845, %get3A_846] {strides = array<i32>} : memref<640x64xf32, #tpu.memory_space<vmem>>, vector<1x16xf32>,
        %get3A_848 = vector.shape_cast %get3A_847 : vector<1x16xf32> to vector<16xf32>
        %mul3A_849 = arith.mulf %get3A_305, %get3A_848 : vector<16xf32>
        %add3A_850 = arith.addf %add3A_844, %mul3A_849 : vector<16xf32>
        %mul3A_851 = arith.constant 336 : i32
        %mul3A_852 = arith.muli %scan3A_290, %mul3A_851 : i32
        %add3A_853 = arith.constant 240 : i32
        %add3A_854 = arith.addi %mul3A_852, %add3A_853 : i32
        %swap3A_855 = arith.index_cast %add3A_854 : i32 to index
        %swap3A_856 = tpu.vector_load %arg14[%swap3A_855] {strides = array<i32>} : memref<10752xf32, #tpu.memory_space<vmem>>, vector<16xf32>,
        %swap3A_857 = vector.shape_cast %swap3A_856 : vector<16xf32> to vector<16xf32>
        %swap3A_858 = vector.shape_cast %add3A_850 : vector<16xf32> to vector<16xf32>
        tpu.vector_store %arg14[%swap3A_855], %swap3A_858 {strides = array<i32>} : memref<10752xf32, #tpu.memory_space<vmem>>, vector<16xf32>,
        %mul3A_859 = arith.constant 20 : i32
        %mul3A_860 = arith.muli %scan3A_290, %mul3A_859 : i32
        %add3A_861 = arith.constant 15 : i32
        %add3A_862 = arith.addi %mul3A_860, %add3A_861 : i32
        %get3A_863 = arith.index_cast %add3A_862 : i32 to index
        %get3A_864 = arith.constant 0 : index
        %get3A_865 = tpu.vector_load %arg13[%get3A_863, %get3A_864] {strides = array<i32>} : memref<640x64xf32, #tpu.memory_space<vmem>>, vector<1x16xf32>,
        %get3A_866 = vector.shape_cast %get3A_865 : vector<1x16xf32> to vector<16xf32>
        %mul3A_867 = arith.mulf %get3A_293, %get3A_866 : vector<16xf32>
        %get3A_868 = arith.index_cast %add3A_862 : i32 to index
        %get3A_869 = arith.constant 16 : index
        %get3A_870 = tpu.vector_load %arg13[%get3A_868, %get3A_869] {strides = array<i32>} : memref<640x64xf32, #tpu.memory_space<vmem>>, vector<1x16xf32>,
        %get3A_871 = vector.shape_cast %get3A_870 : vector<1x16xf32> to vector<16xf32>
        %mul3A_872 = arith.mulf %get3A_297, %get3A_871 : vector<16xf32>
        %add3A_873 = arith.addf %mul3A_867, %mul3A_872 : vector<16xf32>
        %get3A_874 = arith.index_cast %add3A_862 : i32 to index
        %get3A_875 = arith.constant 32 : index
        %get3A_876 = tpu.vector_load %arg13[%get3A_874, %get3A_875] {strides = array<i32>} : memref<640x64xf32, #tpu.memory_space<vmem>>, vector<1x16xf32>,
        %get3A_877 = vector.shape_cast %get3A_876 : vector<1x16xf32> to vector<16xf32>
        %mul3A_878 = arith.mulf %get3A_301, %get3A_877 : vector<16xf32>
        %add3A_879 = arith.addf %add3A_873, %mul3A_878 : vector<16xf32>
        %get3A_880 = arith.index_cast %add3A_862 : i32 to index
        %get3A_881 = arith.constant 48 : index
        %get3A_882 = tpu.vector_load %arg13[%get3A_880, %get3A_881] {strides = array<i32>} : memref<640x64xf32, #tpu.memory_space<vmem>>, vector<1x16xf32>,
        %get3A_883 = vector.shape_cast %get3A_882 : vector<1x16xf32> to vector<16xf32>
        %mul3A_884 = arith.mulf %get3A_305, %get3A_883 : vector<16xf32>
        %add3A_885 = arith.addf %add3A_879, %mul3A_884 : vector<16xf32>
        %mul3A_886 = arith.constant 336 : i32
        %mul3A_887 = arith.muli %scan3A_290, %mul3A_886 : i32
        %add3A_888 = arith.constant 256 : i32
        %add3A_889 = arith.addi %mul3A_887, %add3A_888 : i32
        %swap3A_890 = arith.index_cast %add3A_889 : i32 to index
        %swap3A_891 = tpu.vector_load %arg14[%swap3A_890] {strides = array<i32>} : memref<10752xf32, #tpu.memory_space<vmem>>, vector<16xf32>,
        %swap3A_892 = vector.shape_cast %swap3A_891 : vector<16xf32> to vector<16xf32>
        %swap3A_893 = vector.shape_cast %add3A_885 : vector<16xf32> to vector<16xf32>
        tpu.vector_store %arg14[%swap3A_890], %swap3A_893 {strides = array<i32>} : memref<10752xf32, #tpu.memory_space<vmem>>, vector<16xf32>,
        %mul3A_894 = arith.constant 20 : i32
        %mul3A_895 = arith.muli %scan3A_290, %mul3A_894 : i32
        %add3A_896 = arith.constant 16 : i32
        %add3A_897 = arith.addi %mul3A_895, %add3A_896 : i32
        %get3A_898 = arith.index_cast %add3A_897 : i32 to index
        %get3A_899 = arith.constant 0 : index
        %get3A_900 = tpu.vector_load %arg13[%get3A_898, %get3A_899] {strides = array<i32>} : memref<640x64xf32, #tpu.memory_space<vmem>>, vector<1x16xf32>,
        %get3A_901 = vector.shape_cast %get3A_900 : vector<1x16xf32> to vector<16xf32>
        %mul3A_902 = arith.mulf %get3A_293, %get3A_901 : vector<16xf32>
        %get3A_903 = arith.index_cast %add3A_897 : i32 to index
        %get3A_904 = arith.constant 16 : index
        %get3A_905 = tpu.vector_load %arg13[%get3A_903, %get3A_904] {strides = array<i32>} : memref<640x64xf32, #tpu.memory_space<vmem>>, vector<1x16xf32>,
        %get3A_906 = vector.shape_cast %get3A_905 : vector<1x16xf32> to vector<16xf32>
        %mul3A_907 = arith.mulf %get3A_297, %get3A_906 : vector<16xf32>
        %add3A_908 = arith.addf %mul3A_902, %mul3A_907 : vector<16xf32>
        %get3A_909 = arith.index_cast %add3A_897 : i32 to index
        %get3A_910 = arith.constant 32 : index
        %get3A_911 = tpu.vector_load %arg13[%get3A_909, %get3A_910] {strides = array<i32>} : memref<640x64xf32, #tpu.memory_space<vmem>>, vector<1x16xf32>,
        %get3A_912 = vector.shape_cast %get3A_911 : vector<1x16xf32> to vector<16xf32>
        %mul3A_913 = arith.mulf %get3A_301, %get3A_912 : vector<16xf32>
        %add3A_914 = arith.addf %add3A_908, %mul3A_913 : vector<16xf32>
        %get3A_915 = arith.index_cast %add3A_897 : i32 to index
        %get3A_916 = arith.constant 48 : index
        %get3A_917 = tpu.vector_load %arg13[%get3A_915, %get3A_916] {strides = array<i32>} : memref<640x64xf32, #tpu.memory_space<vmem>>, vector<1x16xf32>,
        %get3A_918 = vector.shape_cast %get3A_917 : vector<1x16xf32> to vector<16xf32>
        %mul3A_919 = arith.mulf %get3A_305, %get3A_918 : vector<16xf32>
        %add3A_920 = arith.addf %add3A_914, %mul3A_919 : vector<16xf32>
        %mul3A_921 = arith.constant 336 : i32
        %mul3A_922 = arith.muli %scan3A_290, %mul3A_921 : i32
        %add3A_923 = arith.constant 272 : i32
        %add3A_924 = arith.addi %mul3A_922, %add3A_923 : i32
        %swap3A_925 = arith.index_cast %add3A_924 : i32 to index
        %swap3A_926 = tpu.vector_load %arg14[%swap3A_925] {strides = array<i32>} : memref<10752xf32, #tpu.memory_space<vmem>>, vector<16xf32>,
        %swap3A_927 = vector.shape_cast %swap3A_926 : vector<16xf32> to vector<16xf32>
        %swap3A_928 = vector.shape_cast %add3A_920 : vector<16xf32> to vector<16xf32>
        tpu.vector_store %arg14[%swap3A_925], %swap3A_928 {strides = array<i32>} : memref<10752xf32, #tpu.memory_space<vmem>>, vector<16xf32>,
        %mul3A_929 = arith.constant 20 : i32
        %mul3A_930 = arith.muli %scan3A_290, %mul3A_929 : i32
        %add3A_931 = arith.constant 17 : i32
        %add3A_932 = arith.addi %mul3A_930, %add3A_931 : i32
        %get3A_933 = arith.index_cast %add3A_932 : i32 to index
        %get3A_934 = arith.constant 0 : index
        %get3A_935 = tpu.vector_load %arg13[%get3A_933, %get3A_934] {strides = array<i32>} : memref<640x64xf32, #tpu.memory_space<vmem>>, vector<1x16xf32>,
        %get3A_936 = vector.shape_cast %get3A_935 : vector<1x16xf32> to vector<16xf32>
        %mul3A_937 = arith.mulf %get3A_293, %get3A_936 : vector<16xf32>
        %get3A_938 = arith.index_cast %add3A_932 : i32 to index
        %get3A_939 = arith.constant 16 : index
        %get3A_940 = tpu.vector_load %arg13[%get3A_938, %get3A_939] {strides = array<i32>} : memref<640x64xf32, #tpu.memory_space<vmem>>, vector<1x16xf32>,
        %get3A_941 = vector.shape_cast %get3A_940 : vector<1x16xf32> to vector<16xf32>
        %mul3A_942 = arith.mulf %get3A_297, %get3A_941 : vector<16xf32>
        %add3A_943 = arith.addf %mul3A_937, %mul3A_942 : vector<16xf32>
        %get3A_944 = arith.index_cast %add3A_932 : i32 to index
        %get3A_945 = arith.constant 32 : index
        %get3A_946 = tpu.vector_load %arg13[%get3A_944, %get3A_945] {strides = array<i32>} : memref<640x64xf32, #tpu.memory_space<vmem>>, vector<1x16xf32>,
        %get3A_947 = vector.shape_cast %get3A_946 : vector<1x16xf32> to vector<16xf32>
        %mul3A_948 = arith.mulf %get3A_301, %get3A_947 : vector<16xf32>
        %add3A_949 = arith.addf %add3A_943, %mul3A_948 : vector<16xf32>
        %get3A_950 = arith.index_cast %add3A_932 : i32 to index
        %get3A_951 = arith.constant 48 : index
        %get3A_952 = tpu.vector_load %arg13[%get3A_950, %get3A_951] {strides = array<i32>} : memref<640x64xf32, #tpu.memory_space<vmem>>, vector<1x16xf32>,
        %get3A_953 = vector.shape_cast %get3A_952 : vector<1x16xf32> to vector<16xf32>
        %mul3A_954 = arith.mulf %get3A_305, %get3A_953 : vector<16xf32>
        %add3A_955 = arith.addf %add3A_949, %mul3A_954 : vector<16xf32>
        %mul3A_956 = arith.constant 336 : i32
        %mul3A_957 = arith.muli %scan3A_290, %mul3A_956 : i32
        %add3A_958 = arith.constant 288 : i32
        %add3A_959 = arith.addi %mul3A_957, %add3A_958 : i32
        %swap3A_960 = arith.index_cast %add3A_959 : i32 to index
        %swap3A_961 = tpu.vector_load %arg14[%swap3A_960] {strides = array<i32>} : memref<10752xf32, #tpu.memory_space<vmem>>, vector<16xf32>,
        %swap3A_962 = vector.shape_cast %swap3A_961 : vector<16xf32> to vector<16xf32>
        %swap3A_963 = vector.shape_cast %add3A_955 : vector<16xf32> to vector<16xf32>
        tpu.vector_store %arg14[%swap3A_960], %swap3A_963 {strides = array<i32>} : memref<10752xf32, #tpu.memory_space<vmem>>, vector<16xf32>,
        %mul3A_964 = arith.constant 20 : i32
        %mul3A_965 = arith.muli %scan3A_290, %mul3A_964 : i32
        %add3A_966 = arith.constant 18 : i32
        %add3A_967 = arith.addi %mul3A_965, %add3A_966 : i32
        %get3A_968 = arith.index_cast %add3A_967 : i32 to index
        %get3A_969 = arith.constant 0 : index
        %get3A_970 = tpu.vector_load %arg13[%get3A_968, %get3A_969] {strides = array<i32>} : memref<640x64xf32, #tpu.memory_space<vmem>>, vector<1x16xf32>,
        %get3A_971 = vector.shape_cast %get3A_970 : vector<1x16xf32> to vector<16xf32>
        %mul3A_972 = arith.mulf %get3A_293, %get3A_971 : vector<16xf32>
        %get3A_973 = arith.index_cast %add3A_967 : i32 to index
        %get3A_974 = arith.constant 16 : index
        %get3A_975 = tpu.vector_load %arg13[%get3A_973, %get3A_974] {strides = array<i32>} : memref<640x64xf32, #tpu.memory_space<vmem>>, vector<1x16xf32>,
        %get3A_976 = vector.shape_cast %get3A_975 : vector<1x16xf32> to vector<16xf32>
        %mul3A_977 = arith.mulf %get3A_297, %get3A_976 : vector<16xf32>
        %add3A_978 = arith.addf %mul3A_972, %mul3A_977 : vector<16xf32>
        %get3A_979 = arith.index_cast %add3A_967 : i32 to index
        %get3A_980 = arith.constant 32 : index
        %get3A_981 = tpu.vector_load %arg13[%get3A_979, %get3A_980] {strides = array<i32>} : memref<640x64xf32, #tpu.memory_space<vmem>>, vector<1x16xf32>,
        %get3A_982 = vector.shape_cast %get3A_981 : vector<1x16xf32> to vector<16xf32>
        %mul3A_983 = arith.mulf %get3A_301, %get3A_982 : vector<16xf32>
        %add3A_984 = arith.addf %add3A_978, %mul3A_983 : vector<16xf32>
        %get3A_985 = arith.index_cast %add3A_967 : i32 to index
        %get3A_986 = arith.constant 48 : index
        %get3A_987 = tpu.vector_load %arg13[%get3A_985, %get3A_986] {strides = array<i32>} : memref<640x64xf32, #tpu.memory_space<vmem>>, vector<1x16xf32>,
        %get3A_988 = vector.shape_cast %get3A_987 : vector<1x16xf32> to vector<16xf32>
        %mul3A_989 = arith.mulf %get3A_305, %get3A_988 : vector<16xf32>
        %add3A_990 = arith.addf %add3A_984, %mul3A_989 : vector<16xf32>
        %mul3A_991 = arith.constant 336 : i32
        %mul3A_992 = arith.muli %scan3A_290, %mul3A_991 : i32
        %add3A_993 = arith.constant 304 : i32
        %add3A_994 = arith.addi %mul3A_992, %add3A_993 : i32
        %swap3A_995 = arith.index_cast %add3A_994 : i32 to index
        %swap3A_996 = tpu.vector_load %arg14[%swap3A_995] {strides = array<i32>} : memref<10752xf32, #tpu.memory_space<vmem>>, vector<16xf32>,
        %swap3A_997 = vector.shape_cast %swap3A_996 : vector<16xf32> to vector<16xf32>
        %swap3A_998 = vector.shape_cast %add3A_990 : vector<16xf32> to vector<16xf32>
        tpu.vector_store %arg14[%swap3A_995], %swap3A_998 {strides = array<i32>} : memref<10752xf32, #tpu.memory_space<vmem>>, vector<16xf32>,
        %mul3A_999 = arith.constant 20 : i32
        %mul3A_1000 = arith.muli %scan3A_290, %mul3A_999 : i32
        %add3A_1001 = arith.constant 19 : i32
        %add3A_1002 = arith.addi %mul3A_1000, %add3A_1001 : i32
        %get3A_1003 = arith.index_cast %add3A_1002 : i32 to index
        %get3A_1004 = arith.constant 0 : index
        %get3A_1005 = tpu.vector_load %arg13[%get3A_1003, %get3A_1004] {strides = array<i32>} : memref<640x64xf32, #tpu.memory_space<vmem>>, vector<1x16xf32>,
        %get3A_1006 = vector.shape_cast %get3A_1005 : vector<1x16xf32> to vector<16xf32>
        %mul3A_1007 = arith.mulf %get3A_293, %get3A_1006 : vector<16xf32>
        %get3A_1008 = arith.index_cast %add3A_1002 : i32 to index
        %get3A_1009 = arith.constant 16 : index
        %get3A_1010 = tpu.vector_load %arg13[%get3A_1008, %get3A_1009] {strides = array<i32>} : memref<640x64xf32, #tpu.memory_space<vmem>>, vector<1x16xf32>,
        %get3A_1011 = vector.shape_cast %get3A_1010 : vector<1x16xf32> to vector<16xf32>
        %mul3A_1012 = arith.mulf %get3A_297, %get3A_1011 : vector<16xf32>
        %add3A_1013 = arith.addf %mul3A_1007, %mul3A_1012 : vector<16xf32>
        %get3A_1014 = arith.index_cast %add3A_1002 : i32 to index
        %get3A_1015 = arith.constant 32 : index
        %get3A_1016 = tpu.vector_load %arg13[%get3A_1014, %get3A_1015] {strides = array<i32>} : memref<640x64xf32, #tpu.memory_space<vmem>>, vector<1x16xf32>,
        %get3A_1017 = vector.shape_cast %get3A_1016 : vector<1x16xf32> to vector<16xf32>
        %mul3A_1018 = arith.mulf %get3A_301, %get3A_1017 : vector<16xf32>
        %add3A_1019 = arith.addf %add3A_1013, %mul3A_1018 : vector<16xf32>
        %get3A_1020 = arith.index_cast %add3A_1002 : i32 to index
        %get3A_1021 = arith.constant 48 : index
        %get3A_1022 = tpu.vector_load %arg13[%get3A_1020, %get3A_1021] {strides = array<i32>} : memref<640x64xf32, #tpu.memory_space<vmem>>, vector<1x16xf32>,
        %get3A_1023 = vector.shape_cast %get3A_1022 : vector<1x16xf32> to vector<16xf32>
        %mul3A_1024 = arith.mulf %get3A_305, %get3A_1023 : vector<16xf32>
        %add3A_1025 = arith.addf %add3A_1019, %mul3A_1024 : vector<16xf32>
        %mul3A_1026 = arith.constant 336 : i32
        %mul3A_1027 = arith.muli %scan3A_290, %mul3A_1026 : i32
        %add3A_1028 = arith.constant 320 : i32
        %add3A_1029 = arith.addi %mul3A_1027, %add3A_1028 : i32
        %swap3A_1030 = arith.index_cast %add3A_1029 : i32 to index
        %swap3A_1031 = tpu.vector_load %arg14[%swap3A_1030] {strides = array<i32>} : memref<10752xf32, #tpu.memory_space<vmem>>, vector<16xf32>,
        %swap3A_1032 = vector.shape_cast %swap3A_1031 : vector<16xf32> to vector<16xf32>
        %swap3A_1033 = vector.shape_cast %add3A_1025 : vector<16xf32> to vector<16xf32>
        tpu.vector_store %arg14[%swap3A_1030], %swap3A_1033 {strides = array<i32>} : memref<10752xf32, #tpu.memory_space<vmem>>, vector<16xf32>,
      }
      %scan3A_226 = arith.constant 32 : i32
      %mul3A_227 = arith.constant 16 : i32
      %mul3A_228 = arith.muli %add3A, %mul3A_227 : i32
      %add3A_229 = arith.addi %mul3A_228, %mul3A_118 : i32
      %mul3A_230 = arith.constant 32 : i32
      %mul3A_231 = arith.muli %add3A_229, %mul3A_230 : i32
      %mul3A_232 = arith.constant 336 : i32
      %mul3A_233 = arith.muli %mul3A_231, %mul3A_232 : i32
      %dma_start3A_234 = tpu.memref_slice %arg7[%mul3A_233] : memref<5505024xf32, #tpu.memory_space<hbm>> -> memref<10752xf32, #tpu.memory_space<hbm>>
      %dma_start3A_235 = tpu.memref_slice %arg7[%mul3A_233] : memref<5505024xf32, #tpu.memory_space<hbm>> -> memref<10752xf32, #tpu.memory_space<hbm>>
      tpu.enqueue_dma source(%arg14 : memref<10752xf32, #tpu.memory_space<vmem>>) target(%dma_start3A_235 : memref<10752xf32, #tpu.memory_space<hbm>>) target_semaphore(%arg24 : memref<!tpu.dma_semaphore, #tpu.memory_space<semaphore_mem>>)
      %add3A_236 = arith.constant 1 : i32
      %add3A_237 = arith.addi %scan3A_116, %add3A_236 : i32
      %lt3A_238 = arith.constant 8 : i32
      %lt3A_239 = arith.cmpi slt, %add3A_237, %lt3A_238 : i32
      %convert_element_type3A_240 = arith.extui %lt3A_239 : i1 to i32
      %cond3A_241 = arith.constant 0 : i32
      %cond3A_242 = arith.cmpi ne, %convert_element_type3A_240, %cond3A_241 : i32
      scf.if %cond3A_242 {
        %dma_wait3A_290 = arith.constant 0 : i32
        %dma_wait3A_291 = tpu.memref_slice %arg2[%dma_wait3A_290] : memref<16384xi32, #tpu.memory_space<hbm>> -> memref<32xi32, #tpu.memory_space<hbm>>
        %dma_wait3A_292 = arith.constant 0 : i32
        %dma_wait3A_293 = tpu.memref_slice %arg2[%dma_wait3A_292] : memref<16384xi32, #tpu.memory_space<hbm>> -> memref<32xi32, #tpu.memory_space<hbm>>
        tpu.wait_dma2 semaphore(%arg22 : memref<!tpu.dma_semaphore, #tpu.memory_space<semaphore_mem>>) src(%dma_wait3A_293 : memref<32xi32, #tpu.memory_space<hbm>>) dst(%arg8 : memref<32xi32, #tpu.memory_space<vmem>>)
        %dma_wait3A_294 = arith.constant 0 : i32
        %dma_wait3A_295 = tpu.memref_slice %arg3[%dma_wait3A_294] : memref<16384xi32, #tpu.memory_space<hbm>> -> memref<32xi32, #tpu.memory_space<hbm>>
        %dma_wait3A_296 = arith.constant 0 : i32
        %dma_wait3A_297 = tpu.memref_slice %arg3[%dma_wait3A_296] : memref<16384xi32, #tpu.memory_space<hbm>> -> memref<32xi32, #tpu.memory_space<hbm>>
        tpu.wait_dma2 semaphore(%arg22 : memref<!tpu.dma_semaphore, #tpu.memory_space<semaphore_mem>>) src(%dma_wait3A_297 : memref<32xi32, #tpu.memory_space<hbm>>) dst(%arg9 : memref<32xi32, #tpu.memory_space<vmem>>)
        %dma_wait3A_298 = arith.constant 0 : i32
        %dma_wait3A_299 = tpu.memref_slice %arg4[%dma_wait3A_298] : memref<327680xi32, #tpu.memory_space<hbm>> -> memref<640xi32, #tpu.memory_space<hbm>>
        %dma_wait3A_300 = arith.constant 0 : i32
        %dma_wait3A_301 = tpu.memref_slice %arg4[%dma_wait3A_300] : memref<327680xi32, #tpu.memory_space<hbm>> -> memref<640xi32, #tpu.memory_space<hbm>>
        tpu.wait_dma2 semaphore(%arg22 : memref<!tpu.dma_semaphore, #tpu.memory_space<semaphore_mem>>) src(%dma_wait3A_301 : memref<640xi32, #tpu.memory_space<hbm>>) dst(%arg10 : memref<640xi32, #tpu.memory_space<vmem>>)
        %scan3A_302 = arith.constant 0 : i32
        %scan3A_303 = arith.constant 0 : i32
        %scan3A_304 = arith.constant 2 : i32
        %scan3A_305 = arith.addi %scan3A_303, %scan3A_304 : i32
        %scan3A_306 = arith.constant 1 : i32
        scf.for %scan3A_366 = %scan3A_303 to %scan3A_305 step %scan3A_306  : i32 {
          %mul3A_367 = arith.constant 16 : i32
          %mul3A_368 = arith.muli %scan3A_366, %mul3A_367 : i32
          %get3A = arith.index_cast %mul3A_368 : i32 to index
          %get3A_369 = tpu.vector_load %arg8[%get3A] {strides = array<i32>} : memref<32xi32, #tpu.memory_space<vmem>>, vector<16xi32>,
          %get3A_370 = vector.shape_cast %get3A_369 : vector<16xi32> to vector<16xi32>
          %lt3A_371 = arith.constant 491520 : i32
          %lt3A_372 = vector.broadcast %lt3A_371 : i32 to vector<16xi32>
          %lt3A_373 = arith.cmpi slt, %get3A_370, %lt3A_372 : vector<16xi32>
          %mul3A_374 = arith.constant 2 : i32
          %mul3A_375 = vector.broadcast %mul3A_374 : i32 to vector<16xi32>
          %mul3A_376 = arith.muli %mul3A_375, %get3A_370 : vector<16xi32>
          %sub3A = arith.constant 491520 : i32
          %sub3A_377 = vector.broadcast %sub3A : i32 to vector<16xi32>
          %sub3A_378 = arith.subi %get3A_370, %sub3A_377 : vector<16xi32>
          %mul3A_379 = arith.constant 2 : i32
          %mul3A_380 = vector.broadcast %mul3A_379 : i32 to vector<16xi32>
          %mul3A_381 = arith.muli %mul3A_380, %sub3A_378 : vector<16xi32>
          %add3A_382 = arith.constant 1 : i32
          %add3A_383 = vector.broadcast %add3A_382 : i32 to vector<16xi32>
          %add3A_384 = arith.addi %mul3A_381, %add3A_383 : vector<16xi32>
          %select_n3A = arith.select %lt3A_373, %mul3A_376, %add3A_384 : vector<16xi1>, vector<16xi32>
          %mul3A_385 = arith.constant 16 : i32
          %mul3A_386 = arith.muli %scan3A_366, %mul3A_385 : i32
          %swap3A = arith.index_cast %mul3A_386 : i32 to index
          %swap3A_387 = tpu.vector_load %arg8[%swap3A] {strides = array<i32>} : memref<32xi32, #tpu.memory_space<vmem>>, vector<16xi32>,
          %swap3A_388 = vector.shape_cast %swap3A_387 : vector<16xi32> to vector<16xi32>
          %swap3A_389 = vector.shape_cast %select_n3A : vector<16xi32> to vector<16xi32>
          tpu.vector_store %arg8[%swap3A], %swap3A_389 {strides = array<i32>} : memref<32xi32, #tpu.memory_space<vmem>>, vector<16xi32>,
        }
        %scan3A_307 = arith.constant 2 : i32
        %scan3A_308 = arith.constant 0 : i32
        %scan3A_309 = arith.constant 0 : i32
        %scan3A_310 = arith.constant 2 : i32
        %scan3A_311 = arith.addi %scan3A_309, %scan3A_310 : i32
        %scan3A_312 = arith.constant 1 : i32
        scf.for %scan3A_366 = %scan3A_309 to %scan3A_311 step %scan3A_312  : i32 {
          %mul3A_367 = arith.constant 16 : i32
          %mul3A_368 = arith.muli %scan3A_366, %mul3A_367 : i32
          %get3A = arith.index_cast %mul3A_368 : i32 to index
          %get3A_369 = tpu.vector_load %arg9[%get3A] {strides = array<i32>} : memref<32xi32, #tpu.memory_space<vmem>>, vector<16xi32>,
          %get3A_370 = vector.shape_cast %get3A_369 : vector<16xi32> to vector<16xi32>
          %lt3A_371 = arith.constant 491520 : i32
          %lt3A_372 = vector.broadcast %lt3A_371 : i32 to vector<16xi32>
          %lt3A_373 = arith.cmpi slt, %get3A_370, %lt3A_372 : vector<16xi32>
          %mul3A_374 = arith.constant 2 : i32
          %mul3A_375 = vector.broadcast %mul3A_374 : i32 to vector<16xi32>
          %mul3A_376 = arith.muli %mul3A_375, %get3A_370 : vector<16xi32>
          %sub3A = arith.constant 491520 : i32
          %sub3A_377 = vector.broadcast %sub3A : i32 to vector<16xi32>
          %sub3A_378 = arith.subi %get3A_370, %sub3A_377 : vector<16xi32>
          %mul3A_379 = arith.constant 2 : i32
          %mul3A_380 = vector.broadcast %mul3A_379 : i32 to vector<16xi32>
          %mul3A_381 = arith.muli %mul3A_380, %sub3A_378 : vector<16xi32>
          %add3A_382 = arith.constant 1 : i32
          %add3A_383 = vector.broadcast %add3A_382 : i32 to vector<16xi32>
          %add3A_384 = arith.addi %mul3A_381, %add3A_383 : vector<16xi32>
          %select_n3A = arith.select %lt3A_373, %mul3A_376, %add3A_384 : vector<16xi1>, vector<16xi32>
          %mul3A_385 = arith.constant 16 : i32
          %mul3A_386 = arith.muli %scan3A_366, %mul3A_385 : i32
          %swap3A = arith.index_cast %mul3A_386 : i32 to index
          %swap3A_387 = tpu.vector_load %arg9[%swap3A] {strides = array<i32>} : memref<32xi32, #tpu.memory_space<vmem>>, vector<16xi32>,
          %swap3A_388 = vector.shape_cast %swap3A_387 : vector<16xi32> to vector<16xi32>
          %swap3A_389 = vector.shape_cast %select_n3A : vector<16xi32> to vector<16xi32>
          tpu.vector_store %arg9[%swap3A], %swap3A_389 {strides = array<i32>} : memref<32xi32, #tpu.memory_space<vmem>>, vector<16xi32>,
        }
        %scan3A_313 = arith.constant 2 : i32
        %scan3A_314 = arith.constant 0 : i32
        %scan3A_315 = arith.constant 0 : i32
        %scan3A_316 = arith.constant 40 : i32
        %scan3A_317 = arith.addi %scan3A_315, %scan3A_316 : i32
        %scan3A_318 = arith.constant 1 : i32
        scf.for %scan3A_366 = %scan3A_315 to %scan3A_317 step %scan3A_318  : i32 {
          %mul3A_367 = arith.constant 16 : i32
          %mul3A_368 = arith.muli %scan3A_366, %mul3A_367 : i32
          %get3A = arith.index_cast %mul3A_368 : i32 to index
          %get3A_369 = tpu.vector_load %arg10[%get3A] {strides = array<i32>} : memref<640xi32, #tpu.memory_space<vmem>>, vector<16xi32>,
          %get3A_370 = vector.shape_cast %get3A_369 : vector<16xi32> to vector<16xi32>
          %lt3A_371 = arith.constant 491520 : i32
          %lt3A_372 = vector.broadcast %lt3A_371 : i32 to vector<16xi32>
          %lt3A_373 = arith.cmpi slt, %get3A_370, %lt3A_372 : vector<16xi32>
          %mul3A_374 = arith.constant 2 : i32
          %mul3A_375 = vector.broadcast %mul3A_374 : i32 to vector<16xi32>
          %mul3A_376 = arith.muli %mul3A_375, %get3A_370 : vector<16xi32>
          %sub3A = arith.constant 491520 : i32
          %sub3A_377 = vector.broadcast %sub3A : i32 to vector<16xi32>
          %sub3A_378 = arith.subi %get3A_370, %sub3A_377 : vector<16xi32>
          %mul3A_379 = arith.constant 2 : i32
          %mul3A_380 = vector.broadcast %mul3A_379 : i32 to vector<16xi32>
          %mul3A_381 = arith.muli %mul3A_380, %sub3A_378 : vector<16xi32>
          %add3A_382 = arith.constant 1 : i32
          %add3A_383 = vector.broadcast %add3A_382 : i32 to vector<16xi32>
          %add3A_384 = arith.addi %mul3A_381, %add3A_383 : vector<16xi32>
          %select_n3A = arith.select %lt3A_373, %mul3A_376, %add3A_384 : vector<16xi1>, vector<16xi32>
          %mul3A_385 = arith.constant 16 : i32
          %mul3A_386 = arith.muli %scan3A_366, %mul3A_385 : i32
          %swap3A = arith.index_cast %mul3A_386 : i32 to index
          %swap3A_387 = tpu.vector_load %arg10[%swap3A] {strides = array<i32>} : memref<640xi32, #tpu.memory_space<vmem>>, vector<16xi32>,
          %swap3A_388 = vector.shape_cast %swap3A_387 : vector<16xi32> to vector<16xi32>
          %swap3A_389 = vector.shape_cast %select_n3A : vector<16xi32> to vector<16xi32>
          tpu.vector_store %arg10[%swap3A], %swap3A_389 {strides = array<i32>} : memref<640xi32, #tpu.memory_space<vmem>>, vector<16xi32>,
        }
        %scan3A_319 = arith.constant 40 : i32
        %dma_start3A_320 = arith.constant 0 : i32
        %dma_start3A_321 = arith.constant 0 : i32
        %dma_start3A_322 = tpu.memref_slice %arg5[%dma_start3A_320, %dma_start3A_321] : memref<1048576x64xf32, #tpu.memory_space<hbm>> -> memref<1048576x64xf32, #tpu.memory_space<hbm>>
        tpu.enqueue_indirect_dma source(%dma_start3A_322 : memref<1048576x64xf32, #tpu.memory_space<hbm>>) target(%arg11 : memref<32x64xf32, #tpu.memory_space<vmem>>) offsets(%arg8 : memref<32xi32, #tpu.memory_space<vmem>>) semaphore(%arg23 : memref<!tpu.dma_semaphore, #tpu.memory_space<semaphore_mem>>)
        %dma_start3A_323 = arith.constant 0 : i32
        %dma_start3A_324 = arith.constant 0 : i32
        %dma_start3A_325 = tpu.memref_slice %arg6[%dma_start3A_323, %dma_start3A_324] : memref<1048576x64xf32, #tpu.memory_space<hbm>> -> memref<1048576x64xf32, #tpu.memory_space<hbm>>
        tpu.enqueue_indirect_dma source(%dma_start3A_325 : memref<1048576x64xf32, #tpu.memory_space<hbm>>) target(%arg12 : memref<32x64xf32, #tpu.memory_space<vmem>>) offsets(%arg9 : memref<32xi32, #tpu.memory_space<vmem>>) semaphore(%arg23 : memref<!tpu.dma_semaphore, #tpu.memory_space<semaphore_mem>>)
        %dma_start3A_326 = arith.constant 0 : i32
        %dma_start3A_327 = arith.constant 0 : i32
        %dma_start3A_328 = tpu.memref_slice %arg13[%dma_start3A_326, %dma_start3A_327] : memref<640x64xf32, #tpu.memory_space<vmem>> -> memref<128x64xf32, #tpu.memory_space<vmem>>
        %dma_start3A_329 = arith.constant 0 : i32
        %dma_start3A_330 = tpu.memref_slice %arg10[%dma_start3A_329] : memref<640xi32, #tpu.memory_space<vmem>> -> memref<128xi32, #tpu.memory_space<vmem>>
        %dma_start3A_331 = arith.constant 0 : i32
        %dma_start3A_332 = arith.constant 0 : i32
        %dma_start3A_333 = tpu.memref_slice %arg6[%dma_start3A_331, %dma_start3A_332] : memref<1048576x64xf32, #tpu.memory_space<hbm>> -> memref<1048576x64xf32, #tpu.memory_space<hbm>>
        tpu.enqueue_indirect_dma source(%dma_start3A_333 : memref<1048576x64xf32, #tpu.memory_space<hbm>>) target(%dma_start3A_328 : memref<128x64xf32, #tpu.memory_space<vmem>>) offsets(%dma_start3A_330 : memref<128xi32, #tpu.memory_space<vmem>>) semaphore(%arg23 : memref<!tpu.dma_semaphore, #tpu.memory_space<semaphore_mem>>)
        %dma_start3A_334 = arith.constant 128 : i32
        %dma_start3A_335 = arith.constant 0 : i32
        %dma_start3A_336 = tpu.memref_slice %arg13[%dma_start3A_334, %dma_start3A_335] : memref<640x64xf32, #tpu.memory_space<vmem>> -> memref<128x64xf32, #tpu.memory_space<vmem>>
        %dma_start3A_337 = arith.constant 128 : i32
        %dma_start3A_338 = tpu.memref_slice %arg10[%dma_start3A_337] : memref<640xi32, #tpu.memory_space<vmem>> -> memref<128xi32, #tpu.memory_space<vmem>>
        %dma_start3A_339 = arith.constant 0 : i32
        %dma_start3A_340 = arith.constant 0 : i32
        %dma_start3A_341 = tpu.memref_slice %arg6[%dma_start3A_339, %dma_start3A_340] : memref<1048576x64xf32, #tpu.memory_space<hbm>> -> memref<1048576x64xf32, #tpu.memory_space<hbm>>
        tpu.enqueue_indirect_dma source(%dma_start3A_341 : memref<1048576x64xf32, #tpu.memory_space<hbm>>) target(%dma_start3A_336 : memref<128x64xf32, #tpu.memory_space<vmem>>) offsets(%dma_start3A_338 : memref<128xi32, #tpu.memory_space<vmem>>) semaphore(%arg23 : memref<!tpu.dma_semaphore, #tpu.memory_space<semaphore_mem>>)
        %dma_start3A_342 = arith.constant 256 : i32
        %dma_start3A_343 = arith.constant 0 : i32
        %dma_start3A_344 = tpu.memref_slice %arg13[%dma_start3A_342, %dma_start3A_343] : memref<640x64xf32, #tpu.memory_space<vmem>> -> memref<128x64xf32, #tpu.memory_space<vmem>>
        %dma_start3A_345 = arith.constant 256 : i32
        %dma_start3A_346 = tpu.memref_slice %arg10[%dma_start3A_345] : memref<640xi32, #tpu.memory_space<vmem>> -> memref<128xi32, #tpu.memory_space<vmem>>
        %dma_start3A_347 = arith.constant 0 : i32
        %dma_start3A_348 = arith.constant 0 : i32
        %dma_start3A_349 = tpu.memref_slice %arg6[%dma_start3A_347, %dma_start3A_348] : memref<1048576x64xf32, #tpu.memory_space<hbm>> -> memref<1048576x64xf32, #tpu.memory_space<hbm>>
        tpu.enqueue_indirect_dma source(%dma_start3A_349 : memref<1048576x64xf32, #tpu.memory_space<hbm>>) target(%dma_start3A_344 : memref<128x64xf32, #tpu.memory_space<vmem>>) offsets(%dma_start3A_346 : memref<128xi32, #tpu.memory_space<vmem>>) semaphore(%arg23 : memref<!tpu.dma_semaphore, #tpu.memory_space<semaphore_mem>>)
        %dma_start3A_350 = arith.constant 384 : i32
        %dma_start3A_351 = arith.constant 0 : i32
        %dma_start3A_352 = tpu.memref_slice %arg13[%dma_start3A_350, %dma_start3A_351] : memref<640x64xf32, #tpu.memory_space<vmem>> -> memref<128x64xf32, #tpu.memory_space<vmem>>
        %dma_start3A_353 = arith.constant 384 : i32
        %dma_start3A_354 = tpu.memref_slice %arg10[%dma_start3A_353] : memref<640xi32, #tpu.memory_space<vmem>> -> memref<128xi32, #tpu.memory_space<vmem>>
        %dma_start3A_355 = arith.constant 0 : i32
        %dma_start3A_356 = arith.constant 0 : i32
        %dma_start3A_357 = tpu.memref_slice %arg6[%dma_start3A_355, %dma_start3A_356] : memref<1048576x64xf32, #tpu.memory_space<hbm>> -> memref<1048576x64xf32, #tpu.memory_space<hbm>>
        tpu.enqueue_indirect_dma source(%dma_start3A_357 : memref<1048576x64xf32, #tpu.memory_space<hbm>>) target(%dma_start3A_352 : memref<128x64xf32, #tpu.memory_space<vmem>>) offsets(%dma_start3A_354 : memref<128xi32, #tpu.memory_space<vmem>>) semaphore(%arg23 : memref<!tpu.dma_semaphore, #tpu.memory_space<semaphore_mem>>)
        %dma_start3A_358 = arith.constant 512 : i32
        %dma_start3A_359 = arith.constant 0 : i32
        %dma_start3A_360 = tpu.memref_slice %arg13[%dma_start3A_358, %dma_start3A_359] : memref<640x64xf32, #tpu.memory_space<vmem>> -> memref<128x64xf32, #tpu.memory_space<vmem>>
        %dma_start3A_361 = arith.constant 512 : i32
        %dma_start3A_362 = tpu.memref_slice %arg10[%dma_start3A_361] : memref<640xi32, #tpu.memory_space<vmem>> -> memref<128xi32, #tpu.memory_space<vmem>>
        %dma_start3A_363 = arith.constant 0 : i32
        %dma_start3A_364 = arith.constant 0 : i32
        %dma_start3A_365 = tpu.memref_slice %arg6[%dma_start3A_363, %dma_start3A_364] : memref<1048576x64xf32, #tpu.memory_space<hbm>> -> memref<1048576x64xf32, #tpu.memory_space<hbm>>
        tpu.enqueue_indirect_dma source(%dma_start3A_365 : memref<1048576x64xf32, #tpu.memory_space<hbm>>) target(%dma_start3A_360 : memref<128x64xf32, #tpu.memory_space<vmem>>) offsets(%dma_start3A_362 : memref<128xi32, #tpu.memory_space<vmem>>) semaphore(%arg23 : memref<!tpu.dma_semaphore, #tpu.memory_space<semaphore_mem>>)
      } else {
      }
      %dma_wait3A_243 = arith.constant 0 : i32
      %dma_wait3A_244 = arith.constant 0 : i32
      %dma_wait3A_245 = tpu.memref_slice %arg5[%dma_wait3A_243, %dma_wait3A_244] : memref<1048576x64xf32, #tpu.memory_space<hbm>> -> memref<32x64xf32, #tpu.memory_space<hbm>>
      %dma_wait3A_246 = arith.constant 0 : i32
      %dma_wait3A_247 = arith.constant 0 : i32
      %dma_wait3A_248 = tpu.memref_slice %arg5[%dma_wait3A_246, %dma_wait3A_247] : memref<1048576x64xf32, #tpu.memory_space<hbm>> -> memref<32x64xf32, #tpu.memory_space<hbm>>
      tpu.wait_dma2 semaphore(%arg26 : memref<!tpu.dma_semaphore, #tpu.memory_space<semaphore_mem>>) src(%dma_wait3A_248 : memref<32x64xf32, #tpu.memory_space<hbm>>) dst(%arg18 : memref<32x64xf32, #tpu.memory_space<vmem>>)
      %dma_wait3A_249 = arith.constant 0 : i32
      %dma_wait3A_250 = arith.constant 0 : i32
      %dma_wait3A_251 = tpu.memref_slice %arg6[%dma_wait3A_249, %dma_wait3A_250] : memref<1048576x64xf32, #tpu.memory_space<hbm>> -> memref<32x64xf32, #tpu.memory_space<hbm>>
      %dma_wait3A_252 = arith.constant 0 : i32
      %dma_wait3A_253 = arith.constant 0 : i32
      %dma_wait3A_254 = tpu.memref_slice %arg6[%dma_wait3A_252, %dma_wait3A_253] : memref<1048576x64xf32, #tpu.memory_space<hbm>> -> memref<32x64xf32, #tpu.memory_space<hbm>>
      tpu.wait_dma2 semaphore(%arg26 : memref<!tpu.dma_semaphore, #tpu.memory_space<semaphore_mem>>) src(%dma_wait3A_254 : memref<32x64xf32, #tpu.memory_space<hbm>>) dst(%arg19 : memref<32x64xf32, #tpu.memory_space<vmem>>)
      %dma_wait3A_255 = arith.constant 0 : i32
      %dma_wait3A_256 = arith.constant 0 : i32
      %dma_wait3A_257 = tpu.memref_slice %arg6[%dma_wait3A_255, %dma_wait3A_256] : memref<1048576x64xf32, #tpu.memory_space<hbm>> -> memref<640x64xf32, #tpu.memory_space<hbm>>
      %dma_wait3A_258 = arith.constant 0 : i32
      %dma_wait3A_259 = arith.constant 0 : i32
      %dma_wait3A_260 = tpu.memref_slice %arg6[%dma_wait3A_258, %dma_wait3A_259] : memref<1048576x64xf32, #tpu.memory_space<hbm>> -> memref<640x64xf32, #tpu.memory_space<hbm>>
      tpu.wait_dma2 semaphore(%arg26 : memref<!tpu.dma_semaphore, #tpu.memory_space<semaphore_mem>>) src(%dma_wait3A_260 : memref<640x64xf32, #tpu.memory_space<hbm>>) dst(%arg20 : memref<640x64xf32, #tpu.memory_space<vmem>>)
      %add3A_261 = arith.constant 1 : i32
      %add3A_262 = arith.addi %scan3A_116, %add3A_261 : i32
      %lt3A_263 = arith.constant 8 : i32
      %lt3A_264 = arith.cmpi slt, %add3A_262, %lt3A_263 : i32
      %convert_element_type3A_265 = arith.extui %lt3A_264 : i1 to i32
      %cond3A_266 = arith.constant 0 : i32
      %cond3A_267 = arith.cmpi ne, %convert_element_type3A_265, %cond3A_266 : i32
      scf.if %cond3A_267 {
        %add3A_290 = arith.constant 3 : i32
        %add3A_291 = arith.addi %mul3A_118, %add3A_290 : i32
        %mul3A_292 = arith.constant 16 : i32
        %mul3A_293 = arith.muli %add3A, %mul3A_292 : i32
        %add3A_294 = arith.addi %mul3A_293, %add3A_291 : i32
        %mul3A_295 = arith.constant 32 : i32
        %mul3A_296 = arith.muli %add3A_294, %mul3A_295 : i32
        %dma_start3A_297 = tpu.memref_slice %arg2[%mul3A_296] : memref<16384xi32, #tpu.memory_space<hbm>> -> memref<32xi32, #tpu.memory_space<hbm>>
        %dma_start3A_298 = tpu.memref_slice %arg2[%mul3A_296] : memref<16384xi32, #tpu.memory_space<hbm>> -> memref<32xi32, #tpu.memory_space<hbm>>
        tpu.enqueue_dma source(%dma_start3A_298 : memref<32xi32, #tpu.memory_space<hbm>>) target(%arg15 : memref<32xi32, #tpu.memory_space<vmem>>) target_semaphore(%arg25 : memref<!tpu.dma_semaphore, #tpu.memory_space<semaphore_mem>>)
        %dma_start3A_299 = tpu.memref_slice %arg3[%mul3A_296] : memref<16384xi32, #tpu.memory_space<hbm>> -> memref<32xi32, #tpu.memory_space<hbm>>
        %dma_start3A_300 = tpu.memref_slice %arg3[%mul3A_296] : memref<16384xi32, #tpu.memory_space<hbm>> -> memref<32xi32, #tpu.memory_space<hbm>>
        tpu.enqueue_dma source(%dma_start3A_300 : memref<32xi32, #tpu.memory_space<hbm>>) target(%arg16 : memref<32xi32, #tpu.memory_space<vmem>>) target_semaphore(%arg25 : memref<!tpu.dma_semaphore, #tpu.memory_space<semaphore_mem>>)
        %mul3A_301 = arith.constant 20 : i32
        %mul3A_302 = arith.muli %mul3A_296, %mul3A_301 : i32
        %dma_start3A_303 = tpu.memref_slice %arg4[%mul3A_302] : memref<327680xi32, #tpu.memory_space<hbm>> -> memref<640xi32, #tpu.memory_space<hbm>>
        %dma_start3A_304 = tpu.memref_slice %arg4[%mul3A_302] : memref<327680xi32, #tpu.memory_space<hbm>> -> memref<640xi32, #tpu.memory_space<hbm>>
        tpu.enqueue_dma source(%dma_start3A_304 : memref<640xi32, #tpu.memory_space<hbm>>) target(%arg17 : memref<640xi32, #tpu.memory_space<vmem>>) target_semaphore(%arg25 : memref<!tpu.dma_semaphore, #tpu.memory_space<semaphore_mem>>)
      } else {
      }
      %ge3A_268 = arith.constant 1 : i32
      %ge3A_269 = arith.cmpi sge, %scan3A_116, %ge3A_268 : i32
      %convert_element_type3A_270 = arith.extui %ge3A_269 : i1 to i32
      %cond3A_271 = arith.constant 0 : i32
      %cond3A_272 = arith.cmpi ne, %convert_element_type3A_270, %cond3A_271 : i32
      scf.if %cond3A_272 {
        %dma_wait3A_290 = arith.constant 0 : i32
        %dma_wait3A_291 = tpu.memref_slice %arg7[%dma_wait3A_290] : memref<5505024xf32, #tpu.memory_space<hbm>> -> memref<10752xf32, #tpu.memory_space<hbm>>
        %dma_wait3A_292 = arith.constant 0 : i32
        %dma_wait3A_293 = tpu.memref_slice %arg7[%dma_wait3A_292] : memref<5505024xf32, #tpu.memory_space<hbm>> -> memref<10752xf32, #tpu.memory_space<hbm>>
        tpu.wait_dma2 semaphore(%arg27 : memref<!tpu.dma_semaphore, #tpu.memory_space<semaphore_mem>>) src(%arg21 : memref<10752xf32, #tpu.memory_space<vmem>>) dst(%dma_wait3A_293 : memref<10752xf32, #tpu.memory_space<hbm>>)
      } else {
      }
      %add3A_273 = arith.constant 1 : i32
      %add3A_274 = arith.addi %mul3A_118, %add3A_273 : i32
      %scan3A_275 = arith.constant 0 : i32
      %scan3A_276 = arith.constant 0 : i32
      %scan3A_277 = arith.constant 32 : i32
      %scan3A_278 = arith.addi %scan3A_276, %scan3A_277 : i32
      %scan3A_279 = arith.constant 1 : i32
      scf.for %scan3A_290 = %scan3A_276 to %scan3A_278 step %scan3A_279  : i32 {
        %get3A = arith.index_cast %scan3A_290 : i32 to index
        %get3A_291 = arith.constant 0 : index
        %get3A_292 = tpu.vector_load %arg18[%get3A, %get3A_291] {strides = array<i32>} : memref<32x64xf32, #tpu.memory_space<vmem>>, vector<1x16xf32>,
        %get3A_293 = vector.shape_cast %get3A_292 : vector<1x16xf32> to vector<16xf32>
        %get3A_294 = arith.index_cast %scan3A_290 : i32 to index
        %get3A_295 = arith.constant 16 : index
        %get3A_296 = tpu.vector_load %arg18[%get3A_294, %get3A_295] {strides = array<i32>} : memref<32x64xf32, #tpu.memory_space<vmem>>, vector<1x16xf32>,
        %get3A_297 = vector.shape_cast %get3A_296 : vector<1x16xf32> to vector<16xf32>
        %get3A_298 = arith.index_cast %scan3A_290 : i32 to index
        %get3A_299 = arith.constant 32 : index
        %get3A_300 = tpu.vector_load %arg18[%get3A_298, %get3A_299] {strides = array<i32>} : memref<32x64xf32, #tpu.memory_space<vmem>>, vector<1x16xf32>,
        %get3A_301 = vector.shape_cast %get3A_300 : vector<1x16xf32> to vector<16xf32>
        %get3A_302 = arith.index_cast %scan3A_290 : i32 to index
        %get3A_303 = arith.constant 48 : index
        %get3A_304 = tpu.vector_load %arg18[%get3A_302, %get3A_303] {strides = array<i32>} : memref<32x64xf32, #tpu.memory_space<vmem>>, vector<1x16xf32>,
        %get3A_305 = vector.shape_cast %get3A_304 : vector<1x16xf32> to vector<16xf32>
        %get3A_306 = arith.index_cast %scan3A_290 : i32 to index
        %get3A_307 = arith.constant 0 : index
        %get3A_308 = tpu.vector_load %arg19[%get3A_306, %get3A_307] {strides = array<i32>} : memref<32x64xf32, #tpu.memory_space<vmem>>, vector<1x16xf32>,
        %get3A_309 = vector.shape_cast %get3A_308 : vector<1x16xf32> to vector<16xf32>
        %mul3A_310 = arith.mulf %get3A_293, %get3A_309 : vector<16xf32>
        %get3A_311 = arith.index_cast %scan3A_290 : i32 to index
        %get3A_312 = arith.constant 16 : index
        %get3A_313 = tpu.vector_load %arg19[%get3A_311, %get3A_312] {strides = array<i32>} : memref<32x64xf32, #tpu.memory_space<vmem>>, vector<1x16xf32>,
        %get3A_314 = vector.shape_cast %get3A_313 : vector<1x16xf32> to vector<16xf32>
        %mul3A_315 = arith.mulf %get3A_297, %get3A_314 : vector<16xf32>
        %add3A_316 = arith.addf %mul3A_310, %mul3A_315 : vector<16xf32>
        %get3A_317 = arith.index_cast %scan3A_290 : i32 to index
        %get3A_318 = arith.constant 32 : index
        %get3A_319 = tpu.vector_load %arg19[%get3A_317, %get3A_318] {strides = array<i32>} : memref<32x64xf32, #tpu.memory_space<vmem>>, vector<1x16xf32>,
        %get3A_320 = vector.shape_cast %get3A_319 : vector<1x16xf32> to vector<16xf32>
        %mul3A_321 = arith.mulf %get3A_301, %get3A_320 : vector<16xf32>
        %add3A_322 = arith.addf %add3A_316, %mul3A_321 : vector<16xf32>
        %get3A_323 = arith.index_cast %scan3A_290 : i32 to index
        %get3A_324 = arith.constant 48 : index
        %get3A_325 = tpu.vector_load %arg19[%get3A_323, %get3A_324] {strides = array<i32>} : memref<32x64xf32, #tpu.memory_space<vmem>>, vector<1x16xf32>,
        %get3A_326 = vector.shape_cast %get3A_325 : vector<1x16xf32> to vector<16xf32>
        %mul3A_327 = arith.mulf %get3A_305, %get3A_326 : vector<16xf32>
        %add3A_328 = arith.addf %add3A_322, %mul3A_327 : vector<16xf32>
        %mul3A_329 = arith.constant 336 : i32
        %mul3A_330 = arith.muli %scan3A_290, %mul3A_329 : i32
        %swap3A = arith.index_cast %mul3A_330 : i32 to index
        %swap3A_331 = tpu.vector_load %arg21[%swap3A] {strides = array<i32>} : memref<10752xf32, #tpu.memory_space<vmem>>, vector<16xf32>,
        %swap3A_332 = vector.shape_cast %swap3A_331 : vector<16xf32> to vector<16xf32>
        %swap3A_333 = vector.shape_cast %add3A_328 : vector<16xf32> to vector<16xf32>
        tpu.vector_store %arg21[%swap3A], %swap3A_333 {strides = array<i32>} : memref<10752xf32, #tpu.memory_space<vmem>>, vector<16xf32>,
        %mul3A_334 = arith.constant 20 : i32
        %mul3A_335 = arith.muli %scan3A_290, %mul3A_334 : i32
        %add3A_336 = arith.constant 0 : i32
        %add3A_337 = arith.addi %mul3A_335, %add3A_336 : i32
        %get3A_338 = arith.index_cast %add3A_337 : i32 to index
        %get3A_339 = arith.constant 0 : index
        %get3A_340 = tpu.vector_load %arg20[%get3A_338, %get3A_339] {strides = array<i32>} : memref<640x64xf32, #tpu.memory_space<vmem>>, vector<1x16xf32>,
        %get3A_341 = vector.shape_cast %get3A_340 : vector<1x16xf32> to vector<16xf32>
        %mul3A_342 = arith.mulf %get3A_293, %get3A_341 : vector<16xf32>
        %get3A_343 = arith.index_cast %add3A_337 : i32 to index
        %get3A_344 = arith.constant 16 : index
        %get3A_345 = tpu.vector_load %arg20[%get3A_343, %get3A_344] {strides = array<i32>} : memref<640x64xf32, #tpu.memory_space<vmem>>, vector<1x16xf32>,
        %get3A_346 = vector.shape_cast %get3A_345 : vector<1x16xf32> to vector<16xf32>
        %mul3A_347 = arith.mulf %get3A_297, %get3A_346 : vector<16xf32>
        %add3A_348 = arith.addf %mul3A_342, %mul3A_347 : vector<16xf32>
        %get3A_349 = arith.index_cast %add3A_337 : i32 to index
        %get3A_350 = arith.constant 32 : index
        %get3A_351 = tpu.vector_load %arg20[%get3A_349, %get3A_350] {strides = array<i32>} : memref<640x64xf32, #tpu.memory_space<vmem>>, vector<1x16xf32>,
        %get3A_352 = vector.shape_cast %get3A_351 : vector<1x16xf32> to vector<16xf32>
        %mul3A_353 = arith.mulf %get3A_301, %get3A_352 : vector<16xf32>
        %add3A_354 = arith.addf %add3A_348, %mul3A_353 : vector<16xf32>
        %get3A_355 = arith.index_cast %add3A_337 : i32 to index
        %get3A_356 = arith.constant 48 : index
        %get3A_357 = tpu.vector_load %arg20[%get3A_355, %get3A_356] {strides = array<i32>} : memref<640x64xf32, #tpu.memory_space<vmem>>, vector<1x16xf32>,
        %get3A_358 = vector.shape_cast %get3A_357 : vector<1x16xf32> to vector<16xf32>
        %mul3A_359 = arith.mulf %get3A_305, %get3A_358 : vector<16xf32>
        %add3A_360 = arith.addf %add3A_354, %mul3A_359 : vector<16xf32>
        %mul3A_361 = arith.constant 336 : i32
        %mul3A_362 = arith.muli %scan3A_290, %mul3A_361 : i32
        %add3A_363 = arith.constant 16 : i32
        %add3A_364 = arith.addi %mul3A_362, %add3A_363 : i32
        %swap3A_365 = arith.index_cast %add3A_364 : i32 to index
        %swap3A_366 = tpu.vector_load %arg21[%swap3A_365] {strides = array<i32>} : memref<10752xf32, #tpu.memory_space<vmem>>, vector<16xf32>,
        %swap3A_367 = vector.shape_cast %swap3A_366 : vector<16xf32> to vector<16xf32>
        %swap3A_368 = vector.shape_cast %add3A_360 : vector<16xf32> to vector<16xf32>
        tpu.vector_store %arg21[%swap3A_365], %swap3A_368 {strides = array<i32>} : memref<10752xf32, #tpu.memory_space<vmem>>, vector<16xf32>,
        %mul3A_369 = arith.constant 20 : i32
        %mul3A_370 = arith.muli %scan3A_290, %mul3A_369 : i32
        %add3A_371 = arith.constant 1 : i32
        %add3A_372 = arith.addi %mul3A_370, %add3A_371 : i32
        %get3A_373 = arith.index_cast %add3A_372 : i32 to index
        %get3A_374 = arith.constant 0 : index
        %get3A_375 = tpu.vector_load %arg20[%get3A_373, %get3A_374] {strides = array<i32>} : memref<640x64xf32, #tpu.memory_space<vmem>>, vector<1x16xf32>,
        %get3A_376 = vector.shape_cast %get3A_375 : vector<1x16xf32> to vector<16xf32>
        %mul3A_377 = arith.mulf %get3A_293, %get3A_376 : vector<16xf32>
        %get3A_378 = arith.index_cast %add3A_372 : i32 to index
        %get3A_379 = arith.constant 16 : index
        %get3A_380 = tpu.vector_load %arg20[%get3A_378, %get3A_379] {strides = array<i32>} : memref<640x64xf32, #tpu.memory_space<vmem>>, vector<1x16xf32>,
        %get3A_381 = vector.shape_cast %get3A_380 : vector<1x16xf32> to vector<16xf32>
        %mul3A_382 = arith.mulf %get3A_297, %get3A_381 : vector<16xf32>
        %add3A_383 = arith.addf %mul3A_377, %mul3A_382 : vector<16xf32>
        %get3A_384 = arith.index_cast %add3A_372 : i32 to index
        %get3A_385 = arith.constant 32 : index
        %get3A_386 = tpu.vector_load %arg20[%get3A_384, %get3A_385] {strides = array<i32>} : memref<640x64xf32, #tpu.memory_space<vmem>>, vector<1x16xf32>,
        %get3A_387 = vector.shape_cast %get3A_386 : vector<1x16xf32> to vector<16xf32>
        %mul3A_388 = arith.mulf %get3A_301, %get3A_387 : vector<16xf32>
        %add3A_389 = arith.addf %add3A_383, %mul3A_388 : vector<16xf32>
        %get3A_390 = arith.index_cast %add3A_372 : i32 to index
        %get3A_391 = arith.constant 48 : index
        %get3A_392 = tpu.vector_load %arg20[%get3A_390, %get3A_391] {strides = array<i32>} : memref<640x64xf32, #tpu.memory_space<vmem>>, vector<1x16xf32>,
        %get3A_393 = vector.shape_cast %get3A_392 : vector<1x16xf32> to vector<16xf32>
        %mul3A_394 = arith.mulf %get3A_305, %get3A_393 : vector<16xf32>
        %add3A_395 = arith.addf %add3A_389, %mul3A_394 : vector<16xf32>
        %mul3A_396 = arith.constant 336 : i32
        %mul3A_397 = arith.muli %scan3A_290, %mul3A_396 : i32
        %add3A_398 = arith.constant 32 : i32
        %add3A_399 = arith.addi %mul3A_397, %add3A_398 : i32
        %swap3A_400 = arith.index_cast %add3A_399 : i32 to index
        %swap3A_401 = tpu.vector_load %arg21[%swap3A_400] {strides = array<i32>} : memref<10752xf32, #tpu.memory_space<vmem>>, vector<16xf32>,
        %swap3A_402 = vector.shape_cast %swap3A_401 : vector<16xf32> to vector<16xf32>
        %swap3A_403 = vector.shape_cast %add3A_395 : vector<16xf32> to vector<16xf32>
        tpu.vector_store %arg21[%swap3A_400], %swap3A_403 {strides = array<i32>} : memref<10752xf32, #tpu.memory_space<vmem>>, vector<16xf32>,
        %mul3A_404 = arith.constant 20 : i32
        %mul3A_405 = arith.muli %scan3A_290, %mul3A_404 : i32
        %add3A_406 = arith.constant 2 : i32
        %add3A_407 = arith.addi %mul3A_405, %add3A_406 : i32
        %get3A_408 = arith.index_cast %add3A_407 : i32 to index
        %get3A_409 = arith.constant 0 : index
        %get3A_410 = tpu.vector_load %arg20[%get3A_408, %get3A_409] {strides = array<i32>} : memref<640x64xf32, #tpu.memory_space<vmem>>, vector<1x16xf32>,
        %get3A_411 = vector.shape_cast %get3A_410 : vector<1x16xf32> to vector<16xf32>
        %mul3A_412 = arith.mulf %get3A_293, %get3A_411 : vector<16xf32>
        %get3A_413 = arith.index_cast %add3A_407 : i32 to index
        %get3A_414 = arith.constant 16 : index
        %get3A_415 = tpu.vector_load %arg20[%get3A_413, %get3A_414] {strides = array<i32>} : memref<640x64xf32, #tpu.memory_space<vmem>>, vector<1x16xf32>,
        %get3A_416 = vector.shape_cast %get3A_415 : vector<1x16xf32> to vector<16xf32>
        %mul3A_417 = arith.mulf %get3A_297, %get3A_416 : vector<16xf32>
        %add3A_418 = arith.addf %mul3A_412, %mul3A_417 : vector<16xf32>
        %get3A_419 = arith.index_cast %add3A_407 : i32 to index
        %get3A_420 = arith.constant 32 : index
        %get3A_421 = tpu.vector_load %arg20[%get3A_419, %get3A_420] {strides = array<i32>} : memref<640x64xf32, #tpu.memory_space<vmem>>, vector<1x16xf32>,
        %get3A_422 = vector.shape_cast %get3A_421 : vector<1x16xf32> to vector<16xf32>
        %mul3A_423 = arith.mulf %get3A_301, %get3A_422 : vector<16xf32>
        %add3A_424 = arith.addf %add3A_418, %mul3A_423 : vector<16xf32>
        %get3A_425 = arith.index_cast %add3A_407 : i32 to index
        %get3A_426 = arith.constant 48 : index
        %get3A_427 = tpu.vector_load %arg20[%get3A_425, %get3A_426] {strides = array<i32>} : memref<640x64xf32, #tpu.memory_space<vmem>>, vector<1x16xf32>,
        %get3A_428 = vector.shape_cast %get3A_427 : vector<1x16xf32> to vector<16xf32>
        %mul3A_429 = arith.mulf %get3A_305, %get3A_428 : vector<16xf32>
        %add3A_430 = arith.addf %add3A_424, %mul3A_429 : vector<16xf32>
        %mul3A_431 = arith.constant 336 : i32
        %mul3A_432 = arith.muli %scan3A_290, %mul3A_431 : i32
        %add3A_433 = arith.constant 48 : i32
        %add3A_434 = arith.addi %mul3A_432, %add3A_433 : i32
        %swap3A_435 = arith.index_cast %add3A_434 : i32 to index
        %swap3A_436 = tpu.vector_load %arg21[%swap3A_435] {strides = array<i32>} : memref<10752xf32, #tpu.memory_space<vmem>>, vector<16xf32>,
        %swap3A_437 = vector.shape_cast %swap3A_436 : vector<16xf32> to vector<16xf32>
        %swap3A_438 = vector.shape_cast %add3A_430 : vector<16xf32> to vector<16xf32>
        tpu.vector_store %arg21[%swap3A_435], %swap3A_438 {strides = array<i32>} : memref<10752xf32, #tpu.memory_space<vmem>>, vector<16xf32>,
        %mul3A_439 = arith.constant 20 : i32
        %mul3A_440 = arith.muli %scan3A_290, %mul3A_439 : i32
        %add3A_441 = arith.constant 3 : i32
        %add3A_442 = arith.addi %mul3A_440, %add3A_441 : i32
        %get3A_443 = arith.index_cast %add3A_442 : i32 to index
        %get3A_444 = arith.constant 0 : index
        %get3A_445 = tpu.vector_load %arg20[%get3A_443, %get3A_444] {strides = array<i32>} : memref<640x64xf32, #tpu.memory_space<vmem>>, vector<1x16xf32>,
        %get3A_446 = vector.shape_cast %get3A_445 : vector<1x16xf32> to vector<16xf32>
        %mul3A_447 = arith.mulf %get3A_293, %get3A_446 : vector<16xf32>
        %get3A_448 = arith.index_cast %add3A_442 : i32 to index
        %get3A_449 = arith.constant 16 : index
        %get3A_450 = tpu.vector_load %arg20[%get3A_448, %get3A_449] {strides = array<i32>} : memref<640x64xf32, #tpu.memory_space<vmem>>, vector<1x16xf32>,
        %get3A_451 = vector.shape_cast %get3A_450 : vector<1x16xf32> to vector<16xf32>
        %mul3A_452 = arith.mulf %get3A_297, %get3A_451 : vector<16xf32>
        %add3A_453 = arith.addf %mul3A_447, %mul3A_452 : vector<16xf32>
        %get3A_454 = arith.index_cast %add3A_442 : i32 to index
        %get3A_455 = arith.constant 32 : index
        %get3A_456 = tpu.vector_load %arg20[%get3A_454, %get3A_455] {strides = array<i32>} : memref<640x64xf32, #tpu.memory_space<vmem>>, vector<1x16xf32>,
        %get3A_457 = vector.shape_cast %get3A_456 : vector<1x16xf32> to vector<16xf32>
        %mul3A_458 = arith.mulf %get3A_301, %get3A_457 : vector<16xf32>
        %add3A_459 = arith.addf %add3A_453, %mul3A_458 : vector<16xf32>
        %get3A_460 = arith.index_cast %add3A_442 : i32 to index
        %get3A_461 = arith.constant 48 : index
        %get3A_462 = tpu.vector_load %arg20[%get3A_460, %get3A_461] {strides = array<i32>} : memref<640x64xf32, #tpu.memory_space<vmem>>, vector<1x16xf32>,
        %get3A_463 = vector.shape_cast %get3A_462 : vector<1x16xf32> to vector<16xf32>
        %mul3A_464 = arith.mulf %get3A_305, %get3A_463 : vector<16xf32>
        %add3A_465 = arith.addf %add3A_459, %mul3A_464 : vector<16xf32>
        %mul3A_466 = arith.constant 336 : i32
        %mul3A_467 = arith.muli %scan3A_290, %mul3A_466 : i32
        %add3A_468 = arith.constant 64 : i32
        %add3A_469 = arith.addi %mul3A_467, %add3A_468 : i32
        %swap3A_470 = arith.index_cast %add3A_469 : i32 to index
        %swap3A_471 = tpu.vector_load %arg21[%swap3A_470] {strides = array<i32>} : memref<10752xf32, #tpu.memory_space<vmem>>, vector<16xf32>,
        %swap3A_472 = vector.shape_cast %swap3A_471 : vector<16xf32> to vector<16xf32>
        %swap3A_473 = vector.shape_cast %add3A_465 : vector<16xf32> to vector<16xf32>
        tpu.vector_store %arg21[%swap3A_470], %swap3A_473 {strides = array<i32>} : memref<10752xf32, #tpu.memory_space<vmem>>, vector<16xf32>,
        %mul3A_474 = arith.constant 20 : i32
        %mul3A_475 = arith.muli %scan3A_290, %mul3A_474 : i32
        %add3A_476 = arith.constant 4 : i32
        %add3A_477 = arith.addi %mul3A_475, %add3A_476 : i32
        %get3A_478 = arith.index_cast %add3A_477 : i32 to index
        %get3A_479 = arith.constant 0 : index
        %get3A_480 = tpu.vector_load %arg20[%get3A_478, %get3A_479] {strides = array<i32>} : memref<640x64xf32, #tpu.memory_space<vmem>>, vector<1x16xf32>,
        %get3A_481 = vector.shape_cast %get3A_480 : vector<1x16xf32> to vector<16xf32>
        %mul3A_482 = arith.mulf %get3A_293, %get3A_481 : vector<16xf32>
        %get3A_483 = arith.index_cast %add3A_477 : i32 to index
        %get3A_484 = arith.constant 16 : index
        %get3A_485 = tpu.vector_load %arg20[%get3A_483, %get3A_484] {strides = array<i32>} : memref<640x64xf32, #tpu.memory_space<vmem>>, vector<1x16xf32>,
        %get3A_486 = vector.shape_cast %get3A_485 : vector<1x16xf32> to vector<16xf32>
        %mul3A_487 = arith.mulf %get3A_297, %get3A_486 : vector<16xf32>
        %add3A_488 = arith.addf %mul3A_482, %mul3A_487 : vector<16xf32>
        %get3A_489 = arith.index_cast %add3A_477 : i32 to index
        %get3A_490 = arith.constant 32 : index
        %get3A_491 = tpu.vector_load %arg20[%get3A_489, %get3A_490] {strides = array<i32>} : memref<640x64xf32, #tpu.memory_space<vmem>>, vector<1x16xf32>,
        %get3A_492 = vector.shape_cast %get3A_491 : vector<1x16xf32> to vector<16xf32>
        %mul3A_493 = arith.mulf %get3A_301, %get3A_492 : vector<16xf32>
        %add3A_494 = arith.addf %add3A_488, %mul3A_493 : vector<16xf32>
        %get3A_495 = arith.index_cast %add3A_477 : i32 to index
        %get3A_496 = arith.constant 48 : index
        %get3A_497 = tpu.vector_load %arg20[%get3A_495, %get3A_496] {strides = array<i32>} : memref<640x64xf32, #tpu.memory_space<vmem>>, vector<1x16xf32>,
        %get3A_498 = vector.shape_cast %get3A_497 : vector<1x16xf32> to vector<16xf32>
        %mul3A_499 = arith.mulf %get3A_305, %get3A_498 : vector<16xf32>
        %add3A_500 = arith.addf %add3A_494, %mul3A_499 : vector<16xf32>
        %mul3A_501 = arith.constant 336 : i32
        %mul3A_502 = arith.muli %scan3A_290, %mul3A_501 : i32
        %add3A_503 = arith.constant 80 : i32
        %add3A_504 = arith.addi %mul3A_502, %add3A_503 : i32
        %swap3A_505 = arith.index_cast %add3A_504 : i32 to index
        %swap3A_506 = tpu.vector_load %arg21[%swap3A_505] {strides = array<i32>} : memref<10752xf32, #tpu.memory_space<vmem>>, vector<16xf32>,
        %swap3A_507 = vector.shape_cast %swap3A_506 : vector<16xf32> to vector<16xf32>
        %swap3A_508 = vector.shape_cast %add3A_500 : vector<16xf32> to vector<16xf32>
        tpu.vector_store %arg21[%swap3A_505], %swap3A_508 {strides = array<i32>} : memref<10752xf32, #tpu.memory_space<vmem>>, vector<16xf32>,
        %mul3A_509 = arith.constant 20 : i32
        %mul3A_510 = arith.muli %scan3A_290, %mul3A_509 : i32
        %add3A_511 = arith.constant 5 : i32
        %add3A_512 = arith.addi %mul3A_510, %add3A_511 : i32
        %get3A_513 = arith.index_cast %add3A_512 : i32 to index
        %get3A_514 = arith.constant 0 : index
        %get3A_515 = tpu.vector_load %arg20[%get3A_513, %get3A_514] {strides = array<i32>} : memref<640x64xf32, #tpu.memory_space<vmem>>, vector<1x16xf32>,
        %get3A_516 = vector.shape_cast %get3A_515 : vector<1x16xf32> to vector<16xf32>
        %mul3A_517 = arith.mulf %get3A_293, %get3A_516 : vector<16xf32>
        %get3A_518 = arith.index_cast %add3A_512 : i32 to index
        %get3A_519 = arith.constant 16 : index
        %get3A_520 = tpu.vector_load %arg20[%get3A_518, %get3A_519] {strides = array<i32>} : memref<640x64xf32, #tpu.memory_space<vmem>>, vector<1x16xf32>,
        %get3A_521 = vector.shape_cast %get3A_520 : vector<1x16xf32> to vector<16xf32>
        %mul3A_522 = arith.mulf %get3A_297, %get3A_521 : vector<16xf32>
        %add3A_523 = arith.addf %mul3A_517, %mul3A_522 : vector<16xf32>
        %get3A_524 = arith.index_cast %add3A_512 : i32 to index
        %get3A_525 = arith.constant 32 : index
        %get3A_526 = tpu.vector_load %arg20[%get3A_524, %get3A_525] {strides = array<i32>} : memref<640x64xf32, #tpu.memory_space<vmem>>, vector<1x16xf32>,
        %get3A_527 = vector.shape_cast %get3A_526 : vector<1x16xf32> to vector<16xf32>
        %mul3A_528 = arith.mulf %get3A_301, %get3A_527 : vector<16xf32>
        %add3A_529 = arith.addf %add3A_523, %mul3A_528 : vector<16xf32>
        %get3A_530 = arith.index_cast %add3A_512 : i32 to index
        %get3A_531 = arith.constant 48 : index
        %get3A_532 = tpu.vector_load %arg20[%get3A_530, %get3A_531] {strides = array<i32>} : memref<640x64xf32, #tpu.memory_space<vmem>>, vector<1x16xf32>,
        %get3A_533 = vector.shape_cast %get3A_532 : vector<1x16xf32> to vector<16xf32>
        %mul3A_534 = arith.mulf %get3A_305, %get3A_533 : vector<16xf32>
        %add3A_535 = arith.addf %add3A_529, %mul3A_534 : vector<16xf32>
        %mul3A_536 = arith.constant 336 : i32
        %mul3A_537 = arith.muli %scan3A_290, %mul3A_536 : i32
        %add3A_538 = arith.constant 96 : i32
        %add3A_539 = arith.addi %mul3A_537, %add3A_538 : i32
        %swap3A_540 = arith.index_cast %add3A_539 : i32 to index
        %swap3A_541 = tpu.vector_load %arg21[%swap3A_540] {strides = array<i32>} : memref<10752xf32, #tpu.memory_space<vmem>>, vector<16xf32>,
        %swap3A_542 = vector.shape_cast %swap3A_541 : vector<16xf32> to vector<16xf32>
        %swap3A_543 = vector.shape_cast %add3A_535 : vector<16xf32> to vector<16xf32>
        tpu.vector_store %arg21[%swap3A_540], %swap3A_543 {strides = array<i32>} : memref<10752xf32, #tpu.memory_space<vmem>>, vector<16xf32>,
        %mul3A_544 = arith.constant 20 : i32
        %mul3A_545 = arith.muli %scan3A_290, %mul3A_544 : i32
        %add3A_546 = arith.constant 6 : i32
        %add3A_547 = arith.addi %mul3A_545, %add3A_546 : i32
        %get3A_548 = arith.index_cast %add3A_547 : i32 to index
        %get3A_549 = arith.constant 0 : index
        %get3A_550 = tpu.vector_load %arg20[%get3A_548, %get3A_549] {strides = array<i32>} : memref<640x64xf32, #tpu.memory_space<vmem>>, vector<1x16xf32>,
        %get3A_551 = vector.shape_cast %get3A_550 : vector<1x16xf32> to vector<16xf32>
        %mul3A_552 = arith.mulf %get3A_293, %get3A_551 : vector<16xf32>
        %get3A_553 = arith.index_cast %add3A_547 : i32 to index
        %get3A_554 = arith.constant 16 : index
        %get3A_555 = tpu.vector_load %arg20[%get3A_553, %get3A_554] {strides = array<i32>} : memref<640x64xf32, #tpu.memory_space<vmem>>, vector<1x16xf32>,
        %get3A_556 = vector.shape_cast %get3A_555 : vector<1x16xf32> to vector<16xf32>
        %mul3A_557 = arith.mulf %get3A_297, %get3A_556 : vector<16xf32>
        %add3A_558 = arith.addf %mul3A_552, %mul3A_557 : vector<16xf32>
        %get3A_559 = arith.index_cast %add3A_547 : i32 to index
        %get3A_560 = arith.constant 32 : index
        %get3A_561 = tpu.vector_load %arg20[%get3A_559, %get3A_560] {strides = array<i32>} : memref<640x64xf32, #tpu.memory_space<vmem>>, vector<1x16xf32>,
        %get3A_562 = vector.shape_cast %get3A_561 : vector<1x16xf32> to vector<16xf32>
        %mul3A_563 = arith.mulf %get3A_301, %get3A_562 : vector<16xf32>
        %add3A_564 = arith.addf %add3A_558, %mul3A_563 : vector<16xf32>
        %get3A_565 = arith.index_cast %add3A_547 : i32 to index
        %get3A_566 = arith.constant 48 : index
        %get3A_567 = tpu.vector_load %arg20[%get3A_565, %get3A_566] {strides = array<i32>} : memref<640x64xf32, #tpu.memory_space<vmem>>, vector<1x16xf32>,
        %get3A_568 = vector.shape_cast %get3A_567 : vector<1x16xf32> to vector<16xf32>
        %mul3A_569 = arith.mulf %get3A_305, %get3A_568 : vector<16xf32>
        %add3A_570 = arith.addf %add3A_564, %mul3A_569 : vector<16xf32>
        %mul3A_571 = arith.constant 336 : i32
        %mul3A_572 = arith.muli %scan3A_290, %mul3A_571 : i32
        %add3A_573 = arith.constant 112 : i32
        %add3A_574 = arith.addi %mul3A_572, %add3A_573 : i32
        %swap3A_575 = arith.index_cast %add3A_574 : i32 to index
        %swap3A_576 = tpu.vector_load %arg21[%swap3A_575] {strides = array<i32>} : memref<10752xf32, #tpu.memory_space<vmem>>, vector<16xf32>,
        %swap3A_577 = vector.shape_cast %swap3A_576 : vector<16xf32> to vector<16xf32>
        %swap3A_578 = vector.shape_cast %add3A_570 : vector<16xf32> to vector<16xf32>
        tpu.vector_store %arg21[%swap3A_575], %swap3A_578 {strides = array<i32>} : memref<10752xf32, #tpu.memory_space<vmem>>, vector<16xf32>,
        %mul3A_579 = arith.constant 20 : i32
        %mul3A_580 = arith.muli %scan3A_290, %mul3A_579 : i32
        %add3A_581 = arith.constant 7 : i32
        %add3A_582 = arith.addi %mul3A_580, %add3A_581 : i32
        %get3A_583 = arith.index_cast %add3A_582 : i32 to index
        %get3A_584 = arith.constant 0 : index
        %get3A_585 = tpu.vector_load %arg20[%get3A_583, %get3A_584] {strides = array<i32>} : memref<640x64xf32, #tpu.memory_space<vmem>>, vector<1x16xf32>,
        %get3A_586 = vector.shape_cast %get3A_585 : vector<1x16xf32> to vector<16xf32>
        %mul3A_587 = arith.mulf %get3A_293, %get3A_586 : vector<16xf32>
        %get3A_588 = arith.index_cast %add3A_582 : i32 to index
        %get3A_589 = arith.constant 16 : index
        %get3A_590 = tpu.vector_load %arg20[%get3A_588, %get3A_589] {strides = array<i32>} : memref<640x64xf32, #tpu.memory_space<vmem>>, vector<1x16xf32>,
        %get3A_591 = vector.shape_cast %get3A_590 : vector<1x16xf32> to vector<16xf32>
        %mul3A_592 = arith.mulf %get3A_297, %get3A_591 : vector<16xf32>
        %add3A_593 = arith.addf %mul3A_587, %mul3A_592 : vector<16xf32>
        %get3A_594 = arith.index_cast %add3A_582 : i32 to index
        %get3A_595 = arith.constant 32 : index
        %get3A_596 = tpu.vector_load %arg20[%get3A_594, %get3A_595] {strides = array<i32>} : memref<640x64xf32, #tpu.memory_space<vmem>>, vector<1x16xf32>,
        %get3A_597 = vector.shape_cast %get3A_596 : vector<1x16xf32> to vector<16xf32>
        %mul3A_598 = arith.mulf %get3A_301, %get3A_597 : vector<16xf32>
        %add3A_599 = arith.addf %add3A_593, %mul3A_598 : vector<16xf32>
        %get3A_600 = arith.index_cast %add3A_582 : i32 to index
        %get3A_601 = arith.constant 48 : index
        %get3A_602 = tpu.vector_load %arg20[%get3A_600, %get3A_601] {strides = array<i32>} : memref<640x64xf32, #tpu.memory_space<vmem>>, vector<1x16xf32>,
        %get3A_603 = vector.shape_cast %get3A_602 : vector<1x16xf32> to vector<16xf32>
        %mul3A_604 = arith.mulf %get3A_305, %get3A_603 : vector<16xf32>
        %add3A_605 = arith.addf %add3A_599, %mul3A_604 : vector<16xf32>
        %mul3A_606 = arith.constant 336 : i32
        %mul3A_607 = arith.muli %scan3A_290, %mul3A_606 : i32
        %add3A_608 = arith.constant 128 : i32
        %add3A_609 = arith.addi %mul3A_607, %add3A_608 : i32
        %swap3A_610 = arith.index_cast %add3A_609 : i32 to index
        %swap3A_611 = tpu.vector_load %arg21[%swap3A_610] {strides = array<i32>} : memref<10752xf32, #tpu.memory_space<vmem>>, vector<16xf32>,
        %swap3A_612 = vector.shape_cast %swap3A_611 : vector<16xf32> to vector<16xf32>
        %swap3A_613 = vector.shape_cast %add3A_605 : vector<16xf32> to vector<16xf32>
        tpu.vector_store %arg21[%swap3A_610], %swap3A_613 {strides = array<i32>} : memref<10752xf32, #tpu.memory_space<vmem>>, vector<16xf32>,
        %mul3A_614 = arith.constant 20 : i32
        %mul3A_615 = arith.muli %scan3A_290, %mul3A_614 : i32
        %add3A_616 = arith.constant 8 : i32
        %add3A_617 = arith.addi %mul3A_615, %add3A_616 : i32
        %get3A_618 = arith.index_cast %add3A_617 : i32 to index
        %get3A_619 = arith.constant 0 : index
        %get3A_620 = tpu.vector_load %arg20[%get3A_618, %get3A_619] {strides = array<i32>} : memref<640x64xf32, #tpu.memory_space<vmem>>, vector<1x16xf32>,
        %get3A_621 = vector.shape_cast %get3A_620 : vector<1x16xf32> to vector<16xf32>
        %mul3A_622 = arith.mulf %get3A_293, %get3A_621 : vector<16xf32>
        %get3A_623 = arith.index_cast %add3A_617 : i32 to index
        %get3A_624 = arith.constant 16 : index
        %get3A_625 = tpu.vector_load %arg20[%get3A_623, %get3A_624] {strides = array<i32>} : memref<640x64xf32, #tpu.memory_space<vmem>>, vector<1x16xf32>,
        %get3A_626 = vector.shape_cast %get3A_625 : vector<1x16xf32> to vector<16xf32>
        %mul3A_627 = arith.mulf %get3A_297, %get3A_626 : vector<16xf32>
        %add3A_628 = arith.addf %mul3A_622, %mul3A_627 : vector<16xf32>
        %get3A_629 = arith.index_cast %add3A_617 : i32 to index
        %get3A_630 = arith.constant 32 : index
        %get3A_631 = tpu.vector_load %arg20[%get3A_629, %get3A_630] {strides = array<i32>} : memref<640x64xf32, #tpu.memory_space<vmem>>, vector<1x16xf32>,
        %get3A_632 = vector.shape_cast %get3A_631 : vector<1x16xf32> to vector<16xf32>
        %mul3A_633 = arith.mulf %get3A_301, %get3A_632 : vector<16xf32>
        %add3A_634 = arith.addf %add3A_628, %mul3A_633 : vector<16xf32>
        %get3A_635 = arith.index_cast %add3A_617 : i32 to index
        %get3A_636 = arith.constant 48 : index
        %get3A_637 = tpu.vector_load %arg20[%get3A_635, %get3A_636] {strides = array<i32>} : memref<640x64xf32, #tpu.memory_space<vmem>>, vector<1x16xf32>,
        %get3A_638 = vector.shape_cast %get3A_637 : vector<1x16xf32> to vector<16xf32>
        %mul3A_639 = arith.mulf %get3A_305, %get3A_638 : vector<16xf32>
        %add3A_640 = arith.addf %add3A_634, %mul3A_639 : vector<16xf32>
        %mul3A_641 = arith.constant 336 : i32
        %mul3A_642 = arith.muli %scan3A_290, %mul3A_641 : i32
        %add3A_643 = arith.constant 144 : i32
        %add3A_644 = arith.addi %mul3A_642, %add3A_643 : i32
        %swap3A_645 = arith.index_cast %add3A_644 : i32 to index
        %swap3A_646 = tpu.vector_load %arg21[%swap3A_645] {strides = array<i32>} : memref<10752xf32, #tpu.memory_space<vmem>>, vector<16xf32>,
        %swap3A_647 = vector.shape_cast %swap3A_646 : vector<16xf32> to vector<16xf32>
        %swap3A_648 = vector.shape_cast %add3A_640 : vector<16xf32> to vector<16xf32>
        tpu.vector_store %arg21[%swap3A_645], %swap3A_648 {strides = array<i32>} : memref<10752xf32, #tpu.memory_space<vmem>>, vector<16xf32>,
        %mul3A_649 = arith.constant 20 : i32
        %mul3A_650 = arith.muli %scan3A_290, %mul3A_649 : i32
        %add3A_651 = arith.constant 9 : i32
        %add3A_652 = arith.addi %mul3A_650, %add3A_651 : i32
        %get3A_653 = arith.index_cast %add3A_652 : i32 to index
        %get3A_654 = arith.constant 0 : index
        %get3A_655 = tpu.vector_load %arg20[%get3A_653, %get3A_654] {strides = array<i32>} : memref<640x64xf32, #tpu.memory_space<vmem>>, vector<1x16xf32>,
        %get3A_656 = vector.shape_cast %get3A_655 : vector<1x16xf32> to vector<16xf32>
        %mul3A_657 = arith.mulf %get3A_293, %get3A_656 : vector<16xf32>
        %get3A_658 = arith.index_cast %add3A_652 : i32 to index
        %get3A_659 = arith.constant 16 : index
        %get3A_660 = tpu.vector_load %arg20[%get3A_658, %get3A_659] {strides = array<i32>} : memref<640x64xf32, #tpu.memory_space<vmem>>, vector<1x16xf32>,
        %get3A_661 = vector.shape_cast %get3A_660 : vector<1x16xf32> to vector<16xf32>
        %mul3A_662 = arith.mulf %get3A_297, %get3A_661 : vector<16xf32>
        %add3A_663 = arith.addf %mul3A_657, %mul3A_662 : vector<16xf32>
        %get3A_664 = arith.index_cast %add3A_652 : i32 to index
        %get3A_665 = arith.constant 32 : index
        %get3A_666 = tpu.vector_load %arg20[%get3A_664, %get3A_665] {strides = array<i32>} : memref<640x64xf32, #tpu.memory_space<vmem>>, vector<1x16xf32>,
        %get3A_667 = vector.shape_cast %get3A_666 : vector<1x16xf32> to vector<16xf32>
        %mul3A_668 = arith.mulf %get3A_301, %get3A_667 : vector<16xf32>
        %add3A_669 = arith.addf %add3A_663, %mul3A_668 : vector<16xf32>
        %get3A_670 = arith.index_cast %add3A_652 : i32 to index
        %get3A_671 = arith.constant 48 : index
        %get3A_672 = tpu.vector_load %arg20[%get3A_670, %get3A_671] {strides = array<i32>} : memref<640x64xf32, #tpu.memory_space<vmem>>, vector<1x16xf32>,
        %get3A_673 = vector.shape_cast %get3A_672 : vector<1x16xf32> to vector<16xf32>
        %mul3A_674 = arith.mulf %get3A_305, %get3A_673 : vector<16xf32>
        %add3A_675 = arith.addf %add3A_669, %mul3A_674 : vector<16xf32>
        %mul3A_676 = arith.constant 336 : i32
        %mul3A_677 = arith.muli %scan3A_290, %mul3A_676 : i32
        %add3A_678 = arith.constant 160 : i32
        %add3A_679 = arith.addi %mul3A_677, %add3A_678 : i32
        %swap3A_680 = arith.index_cast %add3A_679 : i32 to index
        %swap3A_681 = tpu.vector_load %arg21[%swap3A_680] {strides = array<i32>} : memref<10752xf32, #tpu.memory_space<vmem>>, vector<16xf32>,
        %swap3A_682 = vector.shape_cast %swap3A_681 : vector<16xf32> to vector<16xf32>
        %swap3A_683 = vector.shape_cast %add3A_675 : vector<16xf32> to vector<16xf32>
        tpu.vector_store %arg21[%swap3A_680], %swap3A_683 {strides = array<i32>} : memref<10752xf32, #tpu.memory_space<vmem>>, vector<16xf32>,
        %mul3A_684 = arith.constant 20 : i32
        %mul3A_685 = arith.muli %scan3A_290, %mul3A_684 : i32
        %add3A_686 = arith.constant 10 : i32
        %add3A_687 = arith.addi %mul3A_685, %add3A_686 : i32
        %get3A_688 = arith.index_cast %add3A_687 : i32 to index
        %get3A_689 = arith.constant 0 : index
        %get3A_690 = tpu.vector_load %arg20[%get3A_688, %get3A_689] {strides = array<i32>} : memref<640x64xf32, #tpu.memory_space<vmem>>, vector<1x16xf32>,
        %get3A_691 = vector.shape_cast %get3A_690 : vector<1x16xf32> to vector<16xf32>
        %mul3A_692 = arith.mulf %get3A_293, %get3A_691 : vector<16xf32>
        %get3A_693 = arith.index_cast %add3A_687 : i32 to index
        %get3A_694 = arith.constant 16 : index
        %get3A_695 = tpu.vector_load %arg20[%get3A_693, %get3A_694] {strides = array<i32>} : memref<640x64xf32, #tpu.memory_space<vmem>>, vector<1x16xf32>,
        %get3A_696 = vector.shape_cast %get3A_695 : vector<1x16xf32> to vector<16xf32>
        %mul3A_697 = arith.mulf %get3A_297, %get3A_696 : vector<16xf32>
        %add3A_698 = arith.addf %mul3A_692, %mul3A_697 : vector<16xf32>
        %get3A_699 = arith.index_cast %add3A_687 : i32 to index
        %get3A_700 = arith.constant 32 : index
        %get3A_701 = tpu.vector_load %arg20[%get3A_699, %get3A_700] {strides = array<i32>} : memref<640x64xf32, #tpu.memory_space<vmem>>, vector<1x16xf32>,
        %get3A_702 = vector.shape_cast %get3A_701 : vector<1x16xf32> to vector<16xf32>
        %mul3A_703 = arith.mulf %get3A_301, %get3A_702 : vector<16xf32>
        %add3A_704 = arith.addf %add3A_698, %mul3A_703 : vector<16xf32>
        %get3A_705 = arith.index_cast %add3A_687 : i32 to index
        %get3A_706 = arith.constant 48 : index
        %get3A_707 = tpu.vector_load %arg20[%get3A_705, %get3A_706] {strides = array<i32>} : memref<640x64xf32, #tpu.memory_space<vmem>>, vector<1x16xf32>,
        %get3A_708 = vector.shape_cast %get3A_707 : vector<1x16xf32> to vector<16xf32>
        %mul3A_709 = arith.mulf %get3A_305, %get3A_708 : vector<16xf32>
        %add3A_710 = arith.addf %add3A_704, %mul3A_709 : vector<16xf32>
        %mul3A_711 = arith.constant 336 : i32
        %mul3A_712 = arith.muli %scan3A_290, %mul3A_711 : i32
        %add3A_713 = arith.constant 176 : i32
        %add3A_714 = arith.addi %mul3A_712, %add3A_713 : i32
        %swap3A_715 = arith.index_cast %add3A_714 : i32 to index
        %swap3A_716 = tpu.vector_load %arg21[%swap3A_715] {strides = array<i32>} : memref<10752xf32, #tpu.memory_space<vmem>>, vector<16xf32>,
        %swap3A_717 = vector.shape_cast %swap3A_716 : vector<16xf32> to vector<16xf32>
        %swap3A_718 = vector.shape_cast %add3A_710 : vector<16xf32> to vector<16xf32>
        tpu.vector_store %arg21[%swap3A_715], %swap3A_718 {strides = array<i32>} : memref<10752xf32, #tpu.memory_space<vmem>>, vector<16xf32>,
        %mul3A_719 = arith.constant 20 : i32
        %mul3A_720 = arith.muli %scan3A_290, %mul3A_719 : i32
        %add3A_721 = arith.constant 11 : i32
        %add3A_722 = arith.addi %mul3A_720, %add3A_721 : i32
        %get3A_723 = arith.index_cast %add3A_722 : i32 to index
        %get3A_724 = arith.constant 0 : index
        %get3A_725 = tpu.vector_load %arg20[%get3A_723, %get3A_724] {strides = array<i32>} : memref<640x64xf32, #tpu.memory_space<vmem>>, vector<1x16xf32>,
        %get3A_726 = vector.shape_cast %get3A_725 : vector<1x16xf32> to vector<16xf32>
        %mul3A_727 = arith.mulf %get3A_293, %get3A_726 : vector<16xf32>
        %get3A_728 = arith.index_cast %add3A_722 : i32 to index
        %get3A_729 = arith.constant 16 : index
        %get3A_730 = tpu.vector_load %arg20[%get3A_728, %get3A_729] {strides = array<i32>} : memref<640x64xf32, #tpu.memory_space<vmem>>, vector<1x16xf32>,
        %get3A_731 = vector.shape_cast %get3A_730 : vector<1x16xf32> to vector<16xf32>
        %mul3A_732 = arith.mulf %get3A_297, %get3A_731 : vector<16xf32>
        %add3A_733 = arith.addf %mul3A_727, %mul3A_732 : vector<16xf32>
        %get3A_734 = arith.index_cast %add3A_722 : i32 to index
        %get3A_735 = arith.constant 32 : index
        %get3A_736 = tpu.vector_load %arg20[%get3A_734, %get3A_735] {strides = array<i32>} : memref<640x64xf32, #tpu.memory_space<vmem>>, vector<1x16xf32>,
        %get3A_737 = vector.shape_cast %get3A_736 : vector<1x16xf32> to vector<16xf32>
        %mul3A_738 = arith.mulf %get3A_301, %get3A_737 : vector<16xf32>
        %add3A_739 = arith.addf %add3A_733, %mul3A_738 : vector<16xf32>
        %get3A_740 = arith.index_cast %add3A_722 : i32 to index
        %get3A_741 = arith.constant 48 : index
        %get3A_742 = tpu.vector_load %arg20[%get3A_740, %get3A_741] {strides = array<i32>} : memref<640x64xf32, #tpu.memory_space<vmem>>, vector<1x16xf32>,
        %get3A_743 = vector.shape_cast %get3A_742 : vector<1x16xf32> to vector<16xf32>
        %mul3A_744 = arith.mulf %get3A_305, %get3A_743 : vector<16xf32>
        %add3A_745 = arith.addf %add3A_739, %mul3A_744 : vector<16xf32>
        %mul3A_746 = arith.constant 336 : i32
        %mul3A_747 = arith.muli %scan3A_290, %mul3A_746 : i32
        %add3A_748 = arith.constant 192 : i32
        %add3A_749 = arith.addi %mul3A_747, %add3A_748 : i32
        %swap3A_750 = arith.index_cast %add3A_749 : i32 to index
        %swap3A_751 = tpu.vector_load %arg21[%swap3A_750] {strides = array<i32>} : memref<10752xf32, #tpu.memory_space<vmem>>, vector<16xf32>,
        %swap3A_752 = vector.shape_cast %swap3A_751 : vector<16xf32> to vector<16xf32>
        %swap3A_753 = vector.shape_cast %add3A_745 : vector<16xf32> to vector<16xf32>
        tpu.vector_store %arg21[%swap3A_750], %swap3A_753 {strides = array<i32>} : memref<10752xf32, #tpu.memory_space<vmem>>, vector<16xf32>,
        %mul3A_754 = arith.constant 20 : i32
        %mul3A_755 = arith.muli %scan3A_290, %mul3A_754 : i32
        %add3A_756 = arith.constant 12 : i32
        %add3A_757 = arith.addi %mul3A_755, %add3A_756 : i32
        %get3A_758 = arith.index_cast %add3A_757 : i32 to index
        %get3A_759 = arith.constant 0 : index
        %get3A_760 = tpu.vector_load %arg20[%get3A_758, %get3A_759] {strides = array<i32>} : memref<640x64xf32, #tpu.memory_space<vmem>>, vector<1x16xf32>,
        %get3A_761 = vector.shape_cast %get3A_760 : vector<1x16xf32> to vector<16xf32>
        %mul3A_762 = arith.mulf %get3A_293, %get3A_761 : vector<16xf32>
        %get3A_763 = arith.index_cast %add3A_757 : i32 to index
        %get3A_764 = arith.constant 16 : index
        %get3A_765 = tpu.vector_load %arg20[%get3A_763, %get3A_764] {strides = array<i32>} : memref<640x64xf32, #tpu.memory_space<vmem>>, vector<1x16xf32>,
        %get3A_766 = vector.shape_cast %get3A_765 : vector<1x16xf32> to vector<16xf32>
        %mul3A_767 = arith.mulf %get3A_297, %get3A_766 : vector<16xf32>
        %add3A_768 = arith.addf %mul3A_762, %mul3A_767 : vector<16xf32>
        %get3A_769 = arith.index_cast %add3A_757 : i32 to index
        %get3A_770 = arith.constant 32 : index
        %get3A_771 = tpu.vector_load %arg20[%get3A_769, %get3A_770] {strides = array<i32>} : memref<640x64xf32, #tpu.memory_space<vmem>>, vector<1x16xf32>,
        %get3A_772 = vector.shape_cast %get3A_771 : vector<1x16xf32> to vector<16xf32>
        %mul3A_773 = arith.mulf %get3A_301, %get3A_772 : vector<16xf32>
        %add3A_774 = arith.addf %add3A_768, %mul3A_773 : vector<16xf32>
        %get3A_775 = arith.index_cast %add3A_757 : i32 to index
        %get3A_776 = arith.constant 48 : index
        %get3A_777 = tpu.vector_load %arg20[%get3A_775, %get3A_776] {strides = array<i32>} : memref<640x64xf32, #tpu.memory_space<vmem>>, vector<1x16xf32>,
        %get3A_778 = vector.shape_cast %get3A_777 : vector<1x16xf32> to vector<16xf32>
        %mul3A_779 = arith.mulf %get3A_305, %get3A_778 : vector<16xf32>
        %add3A_780 = arith.addf %add3A_774, %mul3A_779 : vector<16xf32>
        %mul3A_781 = arith.constant 336 : i32
        %mul3A_782 = arith.muli %scan3A_290, %mul3A_781 : i32
        %add3A_783 = arith.constant 208 : i32
        %add3A_784 = arith.addi %mul3A_782, %add3A_783 : i32
        %swap3A_785 = arith.index_cast %add3A_784 : i32 to index
        %swap3A_786 = tpu.vector_load %arg21[%swap3A_785] {strides = array<i32>} : memref<10752xf32, #tpu.memory_space<vmem>>, vector<16xf32>,
        %swap3A_787 = vector.shape_cast %swap3A_786 : vector<16xf32> to vector<16xf32>
        %swap3A_788 = vector.shape_cast %add3A_780 : vector<16xf32> to vector<16xf32>
        tpu.vector_store %arg21[%swap3A_785], %swap3A_788 {strides = array<i32>} : memref<10752xf32, #tpu.memory_space<vmem>>, vector<16xf32>,
        %mul3A_789 = arith.constant 20 : i32
        %mul3A_790 = arith.muli %scan3A_290, %mul3A_789 : i32
        %add3A_791 = arith.constant 13 : i32
        %add3A_792 = arith.addi %mul3A_790, %add3A_791 : i32
        %get3A_793 = arith.index_cast %add3A_792 : i32 to index
        %get3A_794 = arith.constant 0 : index
        %get3A_795 = tpu.vector_load %arg20[%get3A_793, %get3A_794] {strides = array<i32>} : memref<640x64xf32, #tpu.memory_space<vmem>>, vector<1x16xf32>,
        %get3A_796 = vector.shape_cast %get3A_795 : vector<1x16xf32> to vector<16xf32>
        %mul3A_797 = arith.mulf %get3A_293, %get3A_796 : vector<16xf32>
        %get3A_798 = arith.index_cast %add3A_792 : i32 to index
        %get3A_799 = arith.constant 16 : index
        %get3A_800 = tpu.vector_load %arg20[%get3A_798, %get3A_799] {strides = array<i32>} : memref<640x64xf32, #tpu.memory_space<vmem>>, vector<1x16xf32>,
        %get3A_801 = vector.shape_cast %get3A_800 : vector<1x16xf32> to vector<16xf32>
        %mul3A_802 = arith.mulf %get3A_297, %get3A_801 : vector<16xf32>
        %add3A_803 = arith.addf %mul3A_797, %mul3A_802 : vector<16xf32>
        %get3A_804 = arith.index_cast %add3A_792 : i32 to index
        %get3A_805 = arith.constant 32 : index
        %get3A_806 = tpu.vector_load %arg20[%get3A_804, %get3A_805] {strides = array<i32>} : memref<640x64xf32, #tpu.memory_space<vmem>>, vector<1x16xf32>,
        %get3A_807 = vector.shape_cast %get3A_806 : vector<1x16xf32> to vector<16xf32>
        %mul3A_808 = arith.mulf %get3A_301, %get3A_807 : vector<16xf32>
        %add3A_809 = arith.addf %add3A_803, %mul3A_808 : vector<16xf32>
        %get3A_810 = arith.index_cast %add3A_792 : i32 to index
        %get3A_811 = arith.constant 48 : index
        %get3A_812 = tpu.vector_load %arg20[%get3A_810, %get3A_811] {strides = array<i32>} : memref<640x64xf32, #tpu.memory_space<vmem>>, vector<1x16xf32>,
        %get3A_813 = vector.shape_cast %get3A_812 : vector<1x16xf32> to vector<16xf32>
        %mul3A_814 = arith.mulf %get3A_305, %get3A_813 : vector<16xf32>
        %add3A_815 = arith.addf %add3A_809, %mul3A_814 : vector<16xf32>
        %mul3A_816 = arith.constant 336 : i32
        %mul3A_817 = arith.muli %scan3A_290, %mul3A_816 : i32
        %add3A_818 = arith.constant 224 : i32
        %add3A_819 = arith.addi %mul3A_817, %add3A_818 : i32
        %swap3A_820 = arith.index_cast %add3A_819 : i32 to index
        %swap3A_821 = tpu.vector_load %arg21[%swap3A_820] {strides = array<i32>} : memref<10752xf32, #tpu.memory_space<vmem>>, vector<16xf32>,
        %swap3A_822 = vector.shape_cast %swap3A_821 : vector<16xf32> to vector<16xf32>
        %swap3A_823 = vector.shape_cast %add3A_815 : vector<16xf32> to vector<16xf32>
        tpu.vector_store %arg21[%swap3A_820], %swap3A_823 {strides = array<i32>} : memref<10752xf32, #tpu.memory_space<vmem>>, vector<16xf32>,
        %mul3A_824 = arith.constant 20 : i32
        %mul3A_825 = arith.muli %scan3A_290, %mul3A_824 : i32
        %add3A_826 = arith.constant 14 : i32
        %add3A_827 = arith.addi %mul3A_825, %add3A_826 : i32
        %get3A_828 = arith.index_cast %add3A_827 : i32 to index
        %get3A_829 = arith.constant 0 : index
        %get3A_830 = tpu.vector_load %arg20[%get3A_828, %get3A_829] {strides = array<i32>} : memref<640x64xf32, #tpu.memory_space<vmem>>, vector<1x16xf32>,
        %get3A_831 = vector.shape_cast %get3A_830 : vector<1x16xf32> to vector<16xf32>
        %mul3A_832 = arith.mulf %get3A_293, %get3A_831 : vector<16xf32>
        %get3A_833 = arith.index_cast %add3A_827 : i32 to index
        %get3A_834 = arith.constant 16 : index
        %get3A_835 = tpu.vector_load %arg20[%get3A_833, %get3A_834] {strides = array<i32>} : memref<640x64xf32, #tpu.memory_space<vmem>>, vector<1x16xf32>,
        %get3A_836 = vector.shape_cast %get3A_835 : vector<1x16xf32> to vector<16xf32>
        %mul3A_837 = arith.mulf %get3A_297, %get3A_836 : vector<16xf32>
        %add3A_838 = arith.addf %mul3A_832, %mul3A_837 : vector<16xf32>
        %get3A_839 = arith.index_cast %add3A_827 : i32 to index
        %get3A_840 = arith.constant 32 : index
        %get3A_841 = tpu.vector_load %arg20[%get3A_839, %get3A_840] {strides = array<i32>} : memref<640x64xf32, #tpu.memory_space<vmem>>, vector<1x16xf32>,
        %get3A_842 = vector.shape_cast %get3A_841 : vector<1x16xf32> to vector<16xf32>
        %mul3A_843 = arith.mulf %get3A_301, %get3A_842 : vector<16xf32>
        %add3A_844 = arith.addf %add3A_838, %mul3A_843 : vector<16xf32>
        %get3A_845 = arith.index_cast %add3A_827 : i32 to index
        %get3A_846 = arith.constant 48 : index
        %get3A_847 = tpu.vector_load %arg20[%get3A_845, %get3A_846] {strides = array<i32>} : memref<640x64xf32, #tpu.memory_space<vmem>>, vector<1x16xf32>,
        %get3A_848 = vector.shape_cast %get3A_847 : vector<1x16xf32> to vector<16xf32>
        %mul3A_849 = arith.mulf %get3A_305, %get3A_848 : vector<16xf32>
        %add3A_850 = arith.addf %add3A_844, %mul3A_849 : vector<16xf32>
        %mul3A_851 = arith.constant 336 : i32
        %mul3A_852 = arith.muli %scan3A_290, %mul3A_851 : i32
        %add3A_853 = arith.constant 240 : i32
        %add3A_854 = arith.addi %mul3A_852, %add3A_853 : i32
        %swap3A_855 = arith.index_cast %add3A_854 : i32 to index
        %swap3A_856 = tpu.vector_load %arg21[%swap3A_855] {strides = array<i32>} : memref<10752xf32, #tpu.memory_space<vmem>>, vector<16xf32>,
        %swap3A_857 = vector.shape_cast %swap3A_856 : vector<16xf32> to vector<16xf32>
        %swap3A_858 = vector.shape_cast %add3A_850 : vector<16xf32> to vector<16xf32>
        tpu.vector_store %arg21[%swap3A_855], %swap3A_858 {strides = array<i32>} : memref<10752xf32, #tpu.memory_space<vmem>>, vector<16xf32>,
        %mul3A_859 = arith.constant 20 : i32
        %mul3A_860 = arith.muli %scan3A_290, %mul3A_859 : i32
        %add3A_861 = arith.constant 15 : i32
        %add3A_862 = arith.addi %mul3A_860, %add3A_861 : i32
        %get3A_863 = arith.index_cast %add3A_862 : i32 to index
        %get3A_864 = arith.constant 0 : index
        %get3A_865 = tpu.vector_load %arg20[%get3A_863, %get3A_864] {strides = array<i32>} : memref<640x64xf32, #tpu.memory_space<vmem>>, vector<1x16xf32>,
        %get3A_866 = vector.shape_cast %get3A_865 : vector<1x16xf32> to vector<16xf32>
        %mul3A_867 = arith.mulf %get3A_293, %get3A_866 : vector<16xf32>
        %get3A_868 = arith.index_cast %add3A_862 : i32 to index
        %get3A_869 = arith.constant 16 : index
        %get3A_870 = tpu.vector_load %arg20[%get3A_868, %get3A_869] {strides = array<i32>} : memref<640x64xf32, #tpu.memory_space<vmem>>, vector<1x16xf32>,
        %get3A_871 = vector.shape_cast %get3A_870 : vector<1x16xf32> to vector<16xf32>
        %mul3A_872 = arith.mulf %get3A_297, %get3A_871 : vector<16xf32>
        %add3A_873 = arith.addf %mul3A_867, %mul3A_872 : vector<16xf32>
        %get3A_874 = arith.index_cast %add3A_862 : i32 to index
        %get3A_875 = arith.constant 32 : index
        %get3A_876 = tpu.vector_load %arg20[%get3A_874, %get3A_875] {strides = array<i32>} : memref<640x64xf32, #tpu.memory_space<vmem>>, vector<1x16xf32>,
        %get3A_877 = vector.shape_cast %get3A_876 : vector<1x16xf32> to vector<16xf32>
        %mul3A_878 = arith.mulf %get3A_301, %get3A_877 : vector<16xf32>
        %add3A_879 = arith.addf %add3A_873, %mul3A_878 : vector<16xf32>
        %get3A_880 = arith.index_cast %add3A_862 : i32 to index
        %get3A_881 = arith.constant 48 : index
        %get3A_882 = tpu.vector_load %arg20[%get3A_880, %get3A_881] {strides = array<i32>} : memref<640x64xf32, #tpu.memory_space<vmem>>, vector<1x16xf32>,
        %get3A_883 = vector.shape_cast %get3A_882 : vector<1x16xf32> to vector<16xf32>
        %mul3A_884 = arith.mulf %get3A_305, %get3A_883 : vector<16xf32>
        %add3A_885 = arith.addf %add3A_879, %mul3A_884 : vector<16xf32>
        %mul3A_886 = arith.constant 336 : i32
        %mul3A_887 = arith.muli %scan3A_290, %mul3A_886 : i32
        %add3A_888 = arith.constant 256 : i32
        %add3A_889 = arith.addi %mul3A_887, %add3A_888 : i32
        %swap3A_890 = arith.index_cast %add3A_889 : i32 to index
        %swap3A_891 = tpu.vector_load %arg21[%swap3A_890] {strides = array<i32>} : memref<10752xf32, #tpu.memory_space<vmem>>, vector<16xf32>,
        %swap3A_892 = vector.shape_cast %swap3A_891 : vector<16xf32> to vector<16xf32>
        %swap3A_893 = vector.shape_cast %add3A_885 : vector<16xf32> to vector<16xf32>
        tpu.vector_store %arg21[%swap3A_890], %swap3A_893 {strides = array<i32>} : memref<10752xf32, #tpu.memory_space<vmem>>, vector<16xf32>,
        %mul3A_894 = arith.constant 20 : i32
        %mul3A_895 = arith.muli %scan3A_290, %mul3A_894 : i32
        %add3A_896 = arith.constant 16 : i32
        %add3A_897 = arith.addi %mul3A_895, %add3A_896 : i32
        %get3A_898 = arith.index_cast %add3A_897 : i32 to index
        %get3A_899 = arith.constant 0 : index
        %get3A_900 = tpu.vector_load %arg20[%get3A_898, %get3A_899] {strides = array<i32>} : memref<640x64xf32, #tpu.memory_space<vmem>>, vector<1x16xf32>,
        %get3A_901 = vector.shape_cast %get3A_900 : vector<1x16xf32> to vector<16xf32>
        %mul3A_902 = arith.mulf %get3A_293, %get3A_901 : vector<16xf32>
        %get3A_903 = arith.index_cast %add3A_897 : i32 to index
        %get3A_904 = arith.constant 16 : index
        %get3A_905 = tpu.vector_load %arg20[%get3A_903, %get3A_904] {strides = array<i32>} : memref<640x64xf32, #tpu.memory_space<vmem>>, vector<1x16xf32>,
        %get3A_906 = vector.shape_cast %get3A_905 : vector<1x16xf32> to vector<16xf32>
        %mul3A_907 = arith.mulf %get3A_297, %get3A_906 : vector<16xf32>
        %add3A_908 = arith.addf %mul3A_902, %mul3A_907 : vector<16xf32>
        %get3A_909 = arith.index_cast %add3A_897 : i32 to index
        %get3A_910 = arith.constant 32 : index
        %get3A_911 = tpu.vector_load %arg20[%get3A_909, %get3A_910] {strides = array<i32>} : memref<640x64xf32, #tpu.memory_space<vmem>>, vector<1x16xf32>,
        %get3A_912 = vector.shape_cast %get3A_911 : vector<1x16xf32> to vector<16xf32>
        %mul3A_913 = arith.mulf %get3A_301, %get3A_912 : vector<16xf32>
        %add3A_914 = arith.addf %add3A_908, %mul3A_913 : vector<16xf32>
        %get3A_915 = arith.index_cast %add3A_897 : i32 to index
        %get3A_916 = arith.constant 48 : index
        %get3A_917 = tpu.vector_load %arg20[%get3A_915, %get3A_916] {strides = array<i32>} : memref<640x64xf32, #tpu.memory_space<vmem>>, vector<1x16xf32>,
        %get3A_918 = vector.shape_cast %get3A_917 : vector<1x16xf32> to vector<16xf32>
        %mul3A_919 = arith.mulf %get3A_305, %get3A_918 : vector<16xf32>
        %add3A_920 = arith.addf %add3A_914, %mul3A_919 : vector<16xf32>
        %mul3A_921 = arith.constant 336 : i32
        %mul3A_922 = arith.muli %scan3A_290, %mul3A_921 : i32
        %add3A_923 = arith.constant 272 : i32
        %add3A_924 = arith.addi %mul3A_922, %add3A_923 : i32
        %swap3A_925 = arith.index_cast %add3A_924 : i32 to index
        %swap3A_926 = tpu.vector_load %arg21[%swap3A_925] {strides = array<i32>} : memref<10752xf32, #tpu.memory_space<vmem>>, vector<16xf32>,
        %swap3A_927 = vector.shape_cast %swap3A_926 : vector<16xf32> to vector<16xf32>
        %swap3A_928 = vector.shape_cast %add3A_920 : vector<16xf32> to vector<16xf32>
        tpu.vector_store %arg21[%swap3A_925], %swap3A_928 {strides = array<i32>} : memref<10752xf32, #tpu.memory_space<vmem>>, vector<16xf32>,
        %mul3A_929 = arith.constant 20 : i32
        %mul3A_930 = arith.muli %scan3A_290, %mul3A_929 : i32
        %add3A_931 = arith.constant 17 : i32
        %add3A_932 = arith.addi %mul3A_930, %add3A_931 : i32
        %get3A_933 = arith.index_cast %add3A_932 : i32 to index
        %get3A_934 = arith.constant 0 : index
        %get3A_935 = tpu.vector_load %arg20[%get3A_933, %get3A_934] {strides = array<i32>} : memref<640x64xf32, #tpu.memory_space<vmem>>, vector<1x16xf32>,
        %get3A_936 = vector.shape_cast %get3A_935 : vector<1x16xf32> to vector<16xf32>
        %mul3A_937 = arith.mulf %get3A_293, %get3A_936 : vector<16xf32>
        %get3A_938 = arith.index_cast %add3A_932 : i32 to index
        %get3A_939 = arith.constant 16 : index
        %get3A_940 = tpu.vector_load %arg20[%get3A_938, %get3A_939] {strides = array<i32>} : memref<640x64xf32, #tpu.memory_space<vmem>>, vector<1x16xf32>,
        %get3A_941 = vector.shape_cast %get3A_940 : vector<1x16xf32> to vector<16xf32>
        %mul3A_942 = arith.mulf %get3A_297, %get3A_941 : vector<16xf32>
        %add3A_943 = arith.addf %mul3A_937, %mul3A_942 : vector<16xf32>
        %get3A_944 = arith.index_cast %add3A_932 : i32 to index
        %get3A_945 = arith.constant 32 : index
        %get3A_946 = tpu.vector_load %arg20[%get3A_944, %get3A_945] {strides = array<i32>} : memref<640x64xf32, #tpu.memory_space<vmem>>, vector<1x16xf32>,
        %get3A_947 = vector.shape_cast %get3A_946 : vector<1x16xf32> to vector<16xf32>
        %mul3A_948 = arith.mulf %get3A_301, %get3A_947 : vector<16xf32>
        %add3A_949 = arith.addf %add3A_943, %mul3A_948 : vector<16xf32>
        %get3A_950 = arith.index_cast %add3A_932 : i32 to index
        %get3A_951 = arith.constant 48 : index
        %get3A_952 = tpu.vector_load %arg20[%get3A_950, %get3A_951] {strides = array<i32>} : memref<640x64xf32, #tpu.memory_space<vmem>>, vector<1x16xf32>,
        %get3A_953 = vector.shape_cast %get3A_952 : vector<1x16xf32> to vector<16xf32>
        %mul3A_954 = arith.mulf %get3A_305, %get3A_953 : vector<16xf32>
        %add3A_955 = arith.addf %add3A_949, %mul3A_954 : vector<16xf32>
        %mul3A_956 = arith.constant 336 : i32
        %mul3A_957 = arith.muli %scan3A_290, %mul3A_956 : i32
        %add3A_958 = arith.constant 288 : i32
        %add3A_959 = arith.addi %mul3A_957, %add3A_958 : i32
        %swap3A_960 = arith.index_cast %add3A_959 : i32 to index
        %swap3A_961 = tpu.vector_load %arg21[%swap3A_960] {strides = array<i32>} : memref<10752xf32, #tpu.memory_space<vmem>>, vector<16xf32>,
        %swap3A_962 = vector.shape_cast %swap3A_961 : vector<16xf32> to vector<16xf32>
        %swap3A_963 = vector.shape_cast %add3A_955 : vector<16xf32> to vector<16xf32>
        tpu.vector_store %arg21[%swap3A_960], %swap3A_963 {strides = array<i32>} : memref<10752xf32, #tpu.memory_space<vmem>>, vector<16xf32>,
        %mul3A_964 = arith.constant 20 : i32
        %mul3A_965 = arith.muli %scan3A_290, %mul3A_964 : i32
        %add3A_966 = arith.constant 18 : i32
        %add3A_967 = arith.addi %mul3A_965, %add3A_966 : i32
        %get3A_968 = arith.index_cast %add3A_967 : i32 to index
        %get3A_969 = arith.constant 0 : index
        %get3A_970 = tpu.vector_load %arg20[%get3A_968, %get3A_969] {strides = array<i32>} : memref<640x64xf32, #tpu.memory_space<vmem>>, vector<1x16xf32>,
        %get3A_971 = vector.shape_cast %get3A_970 : vector<1x16xf32> to vector<16xf32>
        %mul3A_972 = arith.mulf %get3A_293, %get3A_971 : vector<16xf32>
        %get3A_973 = arith.index_cast %add3A_967 : i32 to index
        %get3A_974 = arith.constant 16 : index
        %get3A_975 = tpu.vector_load %arg20[%get3A_973, %get3A_974] {strides = array<i32>} : memref<640x64xf32, #tpu.memory_space<vmem>>, vector<1x16xf32>,
        %get3A_976 = vector.shape_cast %get3A_975 : vector<1x16xf32> to vector<16xf32>
        %mul3A_977 = arith.mulf %get3A_297, %get3A_976 : vector<16xf32>
        %add3A_978 = arith.addf %mul3A_972, %mul3A_977 : vector<16xf32>
        %get3A_979 = arith.index_cast %add3A_967 : i32 to index
        %get3A_980 = arith.constant 32 : index
        %get3A_981 = tpu.vector_load %arg20[%get3A_979, %get3A_980] {strides = array<i32>} : memref<640x64xf32, #tpu.memory_space<vmem>>, vector<1x16xf32>,
        %get3A_982 = vector.shape_cast %get3A_981 : vector<1x16xf32> to vector<16xf32>
        %mul3A_983 = arith.mulf %get3A_301, %get3A_982 : vector<16xf32>
        %add3A_984 = arith.addf %add3A_978, %mul3A_983 : vector<16xf32>
        %get3A_985 = arith.index_cast %add3A_967 : i32 to index
        %get3A_986 = arith.constant 48 : index
        %get3A_987 = tpu.vector_load %arg20[%get3A_985, %get3A_986] {strides = array<i32>} : memref<640x64xf32, #tpu.memory_space<vmem>>, vector<1x16xf32>,
        %get3A_988 = vector.shape_cast %get3A_987 : vector<1x16xf32> to vector<16xf32>
        %mul3A_989 = arith.mulf %get3A_305, %get3A_988 : vector<16xf32>
        %add3A_990 = arith.addf %add3A_984, %mul3A_989 : vector<16xf32>
        %mul3A_991 = arith.constant 336 : i32
        %mul3A_992 = arith.muli %scan3A_290, %mul3A_991 : i32
        %add3A_993 = arith.constant 304 : i32
        %add3A_994 = arith.addi %mul3A_992, %add3A_993 : i32
        %swap3A_995 = arith.index_cast %add3A_994 : i32 to index
        %swap3A_996 = tpu.vector_load %arg21[%swap3A_995] {strides = array<i32>} : memref<10752xf32, #tpu.memory_space<vmem>>, vector<16xf32>,
        %swap3A_997 = vector.shape_cast %swap3A_996 : vector<16xf32> to vector<16xf32>
        %swap3A_998 = vector.shape_cast %add3A_990 : vector<16xf32> to vector<16xf32>
        tpu.vector_store %arg21[%swap3A_995], %swap3A_998 {strides = array<i32>} : memref<10752xf32, #tpu.memory_space<vmem>>, vector<16xf32>,
        %mul3A_999 = arith.constant 20 : i32
        %mul3A_1000 = arith.muli %scan3A_290, %mul3A_999 : i32
        %add3A_1001 = arith.constant 19 : i32
        %add3A_1002 = arith.addi %mul3A_1000, %add3A_1001 : i32
        %get3A_1003 = arith.index_cast %add3A_1002 : i32 to index
        %get3A_1004 = arith.constant 0 : index
        %get3A_1005 = tpu.vector_load %arg20[%get3A_1003, %get3A_1004] {strides = array<i32>} : memref<640x64xf32, #tpu.memory_space<vmem>>, vector<1x16xf32>,
        %get3A_1006 = vector.shape_cast %get3A_1005 : vector<1x16xf32> to vector<16xf32>
        %mul3A_1007 = arith.mulf %get3A_293, %get3A_1006 : vector<16xf32>
        %get3A_1008 = arith.index_cast %add3A_1002 : i32 to index
        %get3A_1009 = arith.constant 16 : index
        %get3A_1010 = tpu.vector_load %arg20[%get3A_1008, %get3A_1009] {strides = array<i32>} : memref<640x64xf32, #tpu.memory_space<vmem>>, vector<1x16xf32>,
        %get3A_1011 = vector.shape_cast %get3A_1010 : vector<1x16xf32> to vector<16xf32>
        %mul3A_1012 = arith.mulf %get3A_297, %get3A_1011 : vector<16xf32>
        %add3A_1013 = arith.addf %mul3A_1007, %mul3A_1012 : vector<16xf32>
        %get3A_1014 = arith.index_cast %add3A_1002 : i32 to index
        %get3A_1015 = arith.constant 32 : index
        %get3A_1016 = tpu.vector_load %arg20[%get3A_1014, %get3A_1015] {strides = array<i32>} : memref<640x64xf32, #tpu.memory_space<vmem>>, vector<1x16xf32>,
        %get3A_1017 = vector.shape_cast %get3A_1016 : vector<1x16xf32> to vector<16xf32>
        %mul3A_1018 = arith.mulf %get3A_301, %get3A_1017 : vector<16xf32>
        %add3A_1019 = arith.addf %add3A_1013, %mul3A_1018 : vector<16xf32>
        %get3A_1020 = arith.index_cast %add3A_1002 : i32 to index
        %get3A_1021 = arith.constant 48 : index
        %get3A_1022 = tpu.vector_load %arg20[%get3A_1020, %get3A_1021] {strides = array<i32>} : memref<640x64xf32, #tpu.memory_space<vmem>>, vector<1x16xf32>,
        %get3A_1023 = vector.shape_cast %get3A_1022 : vector<1x16xf32> to vector<16xf32>
        %mul3A_1024 = arith.mulf %get3A_305, %get3A_1023 : vector<16xf32>
        %add3A_1025 = arith.addf %add3A_1019, %mul3A_1024 : vector<16xf32>
        %mul3A_1026 = arith.constant 336 : i32
        %mul3A_1027 = arith.muli %scan3A_290, %mul3A_1026 : i32
        %add3A_1028 = arith.constant 320 : i32
        %add3A_1029 = arith.addi %mul3A_1027, %add3A_1028 : i32
        %swap3A_1030 = arith.index_cast %add3A_1029 : i32 to index
        %swap3A_1031 = tpu.vector_load %arg21[%swap3A_1030] {strides = array<i32>} : memref<10752xf32, #tpu.memory_space<vmem>>, vector<16xf32>,
        %swap3A_1032 = vector.shape_cast %swap3A_1031 : vector<16xf32> to vector<16xf32>
        %swap3A_1033 = vector.shape_cast %add3A_1025 : vector<16xf32> to vector<16xf32>
        tpu.vector_store %arg21[%swap3A_1030], %swap3A_1033 {strides = array<i32>} : memref<10752xf32, #tpu.memory_space<vmem>>, vector<16xf32>,
      }
      %scan3A_280 = arith.constant 32 : i32
      %mul3A_281 = arith.constant 16 : i32
      %mul3A_282 = arith.muli %add3A, %mul3A_281 : i32
      %add3A_283 = arith.addi %mul3A_282, %add3A_274 : i32
      %mul3A_284 = arith.constant 32 : i32
      %mul3A_285 = arith.muli %add3A_283, %mul3A_284 : i32
      %mul3A_286 = arith.constant 336 : i32
      %mul3A_287 = arith.muli %mul3A_285, %mul3A_286 : i32
      %dma_start3A_288 = tpu.memref_slice %arg7[%mul3A_287] : memref<5505024xf32, #tpu.memory_space<hbm>> -> memref<10752xf32, #tpu.memory_space<hbm>>
      %dma_start3A_289 = tpu.memref_slice %arg7[%mul3A_287] : memref<5505024xf32, #tpu.memory_space<hbm>> -> memref<10752xf32, #tpu.memory_space<hbm>>
      tpu.enqueue_dma source(%arg21 : memref<10752xf32, #tpu.memory_space<vmem>>) target(%dma_start3A_289 : memref<10752xf32, #tpu.memory_space<hbm>>) target_semaphore(%arg27 : memref<!tpu.dma_semaphore, #tpu.memory_space<semaphore_mem>>)
    }
    %scan3A_107 = arith.constant 8 : i32
    %dma_wait3A_108 = arith.constant 0 : i32
    %dma_wait3A_109 = tpu.memref_slice %arg7[%dma_wait3A_108] : memref<5505024xf32, #tpu.memory_space<hbm>> -> memref<10752xf32, #tpu.memory_space<hbm>>
    %dma_wait3A_110 = arith.constant 0 : i32
    %dma_wait3A_111 = tpu.memref_slice %arg7[%dma_wait3A_110] : memref<5505024xf32, #tpu.memory_space<hbm>> -> memref<10752xf32, #tpu.memory_space<hbm>>
    tpu.wait_dma2 semaphore(%arg24 : memref<!tpu.dma_semaphore, #tpu.memory_space<semaphore_mem>>) src(%arg14 : memref<10752xf32, #tpu.memory_space<vmem>>) dst(%dma_wait3A_111 : memref<10752xf32, #tpu.memory_space<hbm>>)
    %dma_wait3A_112 = arith.constant 0 : i32
    %dma_wait3A_113 = tpu.memref_slice %arg7[%dma_wait3A_112] : memref<5505024xf32, #tpu.memory_space<hbm>> -> memref<10752xf32, #tpu.memory_space<hbm>>
    %dma_wait3A_114 = arith.constant 0 : i32
    %dma_wait3A_115 = tpu.memref_slice %arg7[%dma_wait3A_114] : memref<5505024xf32, #tpu.memory_space<hbm>> -> memref<10752xf32, #tpu.memory_space<hbm>>
    tpu.wait_dma2 semaphore(%arg27 : memref<!tpu.dma_semaphore, #tpu.memory_space<semaphore_mem>>) src(%arg21 : memref<10752xf32, #tpu.memory_space<vmem>>) dst(%dma_wait3A_115 : memref<10752xf32, #tpu.memory_space<hbm>>)
    return
  }
}

module attributes {stable_mosaic.version = 14 : i64} {
  func.func @body(%arg0: i32, %arg1: memref<5376x128xf32, #tpu.memory_space<vmem>>, %arg2: memref<1x1xf32, #tpu.memory_space<smem>>) attributes {dimension_semantics = [#tpu.dimension_semantics<arbitrary>], iteration_bounds = array<i64: 8>, scalar_prefetch = 0 : i64, scratch_operands = 0 : i64, tpu.core_type = #tpu.core_type<tc>, window_params = [{transform_indices = @transform_0, window_bounds = array<i64: 5376, 128>}, {transform_indices = @transform_1, window_bounds = array<i64: 1, 1>}]} {
    %get3A = arith.constant 0 : index
    %get3A_0 = arith.constant 0 : index
    %get3A_1 = vector.load %arg1[%get3A, %get3A_0] : memref<5376x128xf32, #tpu.memory_space<vmem>>, vector<5376x128xf32>
    %iota3A = tpu.iota {dimensions = array<i32: 0>} : vector<128x8xi32>
    %iota3A_2 = tpu.iota {dimensions = array<i32: 1>} : vector<128x8xi32>
    %jit3A = arith.constant 16 : i32
    %div3A = vector.broadcast %jit3A : i32 to vector<128x8xi32>
    %div3A_3 = arith.divsi %iota3A, %div3A : vector<128x8xi32>
    %sign3A = arith.constant 0 : i32
    %sign3A_4 = vector.broadcast %sign3A : i32 to vector<128x8xi32>
    %sign3A_5 = arith.cmpi sgt, %iota3A, %sign3A_4 : vector<128x8xi32>
    %sign3A_6 = arith.extui %sign3A_5 : vector<128x8xi1> to vector<128x8xi32>
    %sign3A_7 = arith.constant 0 : i32
    %sign3A_8 = vector.broadcast %sign3A_7 : i32 to vector<128x8xi32>
    %sign3A_9 = arith.cmpi slt, %iota3A, %sign3A_8 : vector<128x8xi32>
    %sign3A_10 = arith.extui %sign3A_9 : vector<128x8xi1> to vector<128x8xi32>
    %sign3A_11 = arith.subi %sign3A_6, %sign3A_10 : vector<128x8xi32>
    %sign3A_12 = arith.constant 0 : i32
    %sign3A_13 = arith.cmpi sgt, %jit3A, %sign3A_12 : i32
    %sign3A_14 = arith.extui %sign3A_13 : i1 to i32
    %sign3A_15 = arith.constant 0 : i32
    %sign3A_16 = arith.cmpi slt, %jit3A, %sign3A_15 : i32
    %sign3A_17 = arith.extui %sign3A_16 : i1 to i32
    %sign3A_18 = arith.subi %sign3A_14, %sign3A_17 : i32
    %ne3A = vector.broadcast %sign3A_18 : i32 to vector<128x8xi32>
    %ne3A_19 = arith.cmpi ne, %sign3A_11, %ne3A : vector<128x8xi32>
    %rem3A = vector.broadcast %jit3A : i32 to vector<128x8xi32>
    %rem3A_20 = arith.remsi %iota3A, %rem3A : vector<128x8xi32>
    %ne3A_21 = arith.constant 0 : i32
    %ne3A_22 = vector.broadcast %ne3A_21 : i32 to vector<128x8xi32>
    %ne3A_23 = arith.cmpi ne, %rem3A_20, %ne3A_22 : vector<128x8xi32>
    %and3A = arith.andi %ne3A_19, %ne3A_23 : vector<128x8xi1>
    %sub3A = arith.constant 1 : i32
    %sub3A_24 = vector.broadcast %sub3A : i32 to vector<128x8xi32>
    %sub3A_25 = arith.subi %div3A_3, %sub3A_24 : vector<128x8xi32>
    %select_n3A = arith.select %and3A, %sub3A_25, %div3A_3 : vector<128x8xi1>, vector<128x8xi32>
    %eq3A = arith.cmpi eq, %select_n3A, %iota3A_2 : vector<128x8xi32>
    %convert_element_type3A = arith.extui %eq3A : vector<128x8xi1> to vector<128x8xi32>
    %convert_element_type3A_26 = arith.sitofp %convert_element_type3A : vector<128x8xi32> to vector<128x8xf32>
    %dot_general3A = arith.constant dense<0.000000e+00> : vector<5376x8xf32>
    %dot_general3A_27 = tpu.matmul %get3A_1, %convert_element_type3A_26, %dot_general3A {dimension_numbers = #tpu.dot_dimension_numbers<[1], [0], [0], [1], [0, 0, 1, 1], [], []>, transpose_lhs_hint = false} : vector<5376x128xf32>, vector<128x8xf32>, vector<5376x8xf32> -> vector<5376x8xf32>
    %iota3A_28 = tpu.iota {dimensions = array<i32: 0>} : vector<5376x8xi32>
    %iota3A_29 = tpu.iota {dimensions = array<i32: 1>} : vector<5376x8xi32>
    %mul3A = arith.constant 5376 : i32
    %mul3A_30 = arith.muli %arg0, %mul3A : i32
    %add3A = vector.broadcast %mul3A_30 : i32 to vector<5376x8xi32>
    %add3A_31 = arith.addi %add3A, %iota3A_28 : vector<5376x8xi32>
    %mul3A_32 = arith.constant 8 : i32
    %mul3A_33 = vector.broadcast %mul3A_32 : i32 to vector<5376x8xi32>
    %mul3A_34 = arith.muli %add3A_31, %mul3A_33 : vector<5376x8xi32>
    %add3A_35 = arith.addi %mul3A_34, %iota3A_29 : vector<5376x8xi32>
    %jit3A_36 = arith.constant 21 : i32
    %eq3A_37 = arith.constant 0 : i32
    %eq3A_38 = arith.cmpi eq, %jit3A_36, %eq3A_37 : i32
    %jit3A_39 = arith.constant 1 : i32
    %select_n3A_40 = arith.select %eq3A_38, %jit3A_39, %jit3A_36 : i32
    %rem3A_41 = vector.broadcast %select_n3A_40 : i32 to vector<5376x8xi32>
    %rem3A_42 = arith.remsi %add3A_35, %rem3A_41 : vector<5376x8xi32>
    %ne3A_43 = arith.constant 0 : i32
    %ne3A_44 = vector.broadcast %ne3A_43 : i32 to vector<5376x8xi32>
    %ne3A_45 = arith.cmpi ne, %rem3A_42, %ne3A_44 : vector<5376x8xi32>
    %lt3A = arith.constant 0 : i32
    %lt3A_46 = vector.broadcast %lt3A : i32 to vector<5376x8xi32>
    %lt3A_47 = arith.cmpi slt, %rem3A_42, %lt3A_46 : vector<5376x8xi32>
    %lt3A_48 = arith.constant 0 : i32
    %lt3A_49 = arith.cmpi slt, %select_n3A_40, %lt3A_48 : i32
    %ne3A_50 = vector.broadcast %lt3A_49 : i1 to vector<5376x8xi1>
    %ne3A_51 = vector.broadcast %ne3A_50 : vector<5376x8xi1> to vector<5376x8xi1>
    %ne3A_52 = arith.xori %lt3A_47, %ne3A_51 : vector<5376x8xi1>
    %and3A_53 = arith.andi %ne3A_52, %ne3A_45 : vector<5376x8xi1>
    %add3A_54 = vector.broadcast %select_n3A_40 : i32 to vector<5376x8xi32>
    %add3A_55 = arith.addi %rem3A_42, %add3A_54 : vector<5376x8xi32>
    %select_n3A_56 = arith.select %and3A_53, %add3A_55, %rem3A_42 : vector<5376x8xi1>, vector<5376x8xi32>
    %eq3A_57 = arith.constant 0 : i32
    %eq3A_58 = vector.broadcast %eq3A_57 : i32 to vector<5376x8xi32>
    %eq3A_59 = arith.cmpi eq, %select_n3A_56, %eq3A_58 : vector<5376x8xi32>
    %neg3A = arith.constant 0.000000e+00 : f32
    %neg3A_60 = vector.broadcast %neg3A : f32 to vector<5376x8xf32>
    %neg3A_61 = arith.subf %neg3A_60, %dot_general3A_27 : vector<5376x8xf32>
    %select_n3A_62 = arith.select %eq3A_59, %dot_general3A_27, %neg3A_61 : vector<5376x8xi1>, vector<5376x8xf32>
    %neg3A_63 = arith.constant 0.000000e+00 : f32
    %neg3A_64 = vector.broadcast %neg3A_63 : f32 to vector<5376x8xf32>
    %neg3A_65 = arith.subf %neg3A_64, %select_n3A_62 : vector<5376x8xf32>
    %custom_jvp_call3A = arith.constant 0.000000e+00 : f32
    %max3A = vector.broadcast %custom_jvp_call3A : f32 to vector<5376x8xf32>
    %max3A_66 = arith.maximumf %neg3A_65, %max3A : vector<5376x8xf32>
    %sub3A_67 = vector.broadcast %custom_jvp_call3A : f32 to vector<5376x8xf32>
    %sub3A_68 = arith.subf %neg3A_65, %sub3A_67 : vector<5376x8xf32>
    %ne3A_69 = arith.cmpf one, %sub3A_68, %sub3A_68 : vector<5376x8xf32>
    %add3A_70 = vector.broadcast %custom_jvp_call3A : f32 to vector<5376x8xf32>
    %add3A_71 = arith.addf %neg3A_65, %add3A_70 : vector<5376x8xf32>
    %abs3A = math.absf %sub3A_68 : vector<5376x8xf32>
    %neg3A_72 = arith.constant 0.000000e+00 : f32
    %neg3A_73 = vector.broadcast %neg3A_72 : f32 to vector<5376x8xf32>
    %neg3A_74 = arith.subf %neg3A_73, %abs3A : vector<5376x8xf32>
    %exp3A = math.exp %neg3A_74 : vector<5376x8xf32>
    %log1p3A = math.log1p %exp3A : vector<5376x8xf32>
    %add3A_75 = arith.addf %max3A_66, %log1p3A : vector<5376x8xf32>
    %select_n3A_76 = arith.select %ne3A_69, %add3A_71, %add3A_75 : vector<5376x8xi1>, vector<5376x8xf32>
    %neg3A_77 = arith.constant 0.000000e+00 : f32
    %neg3A_78 = vector.broadcast %neg3A_77 : f32 to vector<5376x8xf32>
    %neg3A_79 = arith.subf %neg3A_78, %select_n3A_76 : vector<5376x8xf32>
    %reduce_sum3A = vector.shape_cast %neg3A_79 : vector<5376x8xf32> to vector<1x5376x8xf32>
    %reduce_sum3A_80 = arith.constant dense<0.000000e+00> : vector<1xf32>
    %reduce_sum3A_81 = vector.multi_reduction <add>, %reduce_sum3A, %reduce_sum3A_80 [1, 2] : vector<1x5376x8xf32> to vector<1xf32>
    %reduce_sum3A_82 = vector.shape_cast %reduce_sum3A_81 : vector<1xf32> to vector<1x1x1xf32>
    %reduce_sum3A_83 = vector.extract %reduce_sum3A_82[0, 0, 0] : f32 from vector<1x1x1xf32>
    %eq3A_84 = arith.constant 0 : i32
    %eq3A_85 = arith.cmpi eq, %arg0, %eq3A_84 : i32
    %convert_element_type3A_86 = arith.extui %eq3A_85 : i1 to i32
    %cond3A = arith.constant 0 : i32
    %cond3A_87 = arith.cmpi ne, %convert_element_type3A_86, %cond3A : i32
    scf.if %cond3A_87 {
      %swap3A_96 = arith.constant 0.000000e+00 : f32
      %swap3A_97 = arith.constant 0 : index
      %swap3A_98 = arith.constant 0 : index
      %swap3A_99 = memref.load %arg2[%swap3A_97, %swap3A_98] : memref<1x1xf32, #tpu.memory_space<smem>>
      memref.store %swap3A_96, %arg2[%swap3A_97, %swap3A_98] : memref<1x1xf32, #tpu.memory_space<smem>>
    } else {
    }
    %get3A_88 = arith.constant 0 : index
    %get3A_89 = arith.constant 0 : index
    %get3A_90 = memref.load %arg2[%get3A_88, %get3A_89] : memref<1x1xf32, #tpu.memory_space<smem>>
    %mul3A_91 = arith.constant -6.10351563E-5 : f32
    %mul3A_92 = arith.mulf %reduce_sum3A_83, %mul3A_91 : f32
    %add3A_93 = arith.addf %get3A_90, %mul3A_92 : f32
    %swap3A = arith.constant 0 : index
    %swap3A_94 = arith.constant 0 : index
    %swap3A_95 = memref.load %arg2[%swap3A, %swap3A_94] : memref<1x1xf32, #tpu.memory_space<smem>>
    memref.store %add3A_93, %arg2[%swap3A, %swap3A_94] : memref<1x1xf32, #tpu.memory_space<smem>>
    return
  }
  func.func @transform_0(%arg0: i32) -> (i32, i32) {
    %c0_i32 = arith.constant 0 : i32
    %c0_i32_0 = arith.constant 0 : i32
    return %arg0, %c0_i32 : i32, i32
  }
  func.func @transform_1(%arg0: i32) -> (i32, i32) {
    %c0_i32 = arith.constant 0 : i32
    %c0_i32_0 = arith.constant 0 : i32
    %c0_i32_1 = arith.constant 0 : i32
    return %c0_i32, %c0_i32_0 : i32, i32
  }
}

module attributes {stable_mosaic.version = 14 : i64} {
  func.func @body(%arg0: i32, %arg1: memref<64x16384xf32, #tpu.memory_space<vmem>>, %arg2: memref<64x16384xf32, #tpu.memory_space<vmem>>, %arg3: memref<16384x128xf32, #tpu.memory_space<vmem>>) attributes {dimension_semantics = [#tpu.dimension_semantics<arbitrary>], iteration_bounds = array<i64: 32>, scalar_prefetch = 0 : i64, scratch_operands = 0 : i64, tpu.core_type = #tpu.core_type<tc>, window_params = [{transform_indices = @transform_0, window_bounds = array<i64: 64, 16384>}, {transform_indices = @transform_1, window_bounds = array<i64: 64, 16384>}, {transform_indices = @transform_2, window_bounds = array<i64: 16384, 128>}]} {
    %get3A = arith.constant 0 : index
    %get3A_0 = arith.constant 0 : index
    %get3A_1 = vector.load %arg1[%get3A, %get3A_0] : memref<64x16384xf32, #tpu.memory_space<vmem>>, vector<64x16384xf32>
    %transpose3A = tpu.transpose %get3A_1, [1, 0] : vector<64x16384xf32> -> vector<16384x64xf32>
    %get3A_2 = arith.constant 0 : index
    %get3A_3 = arith.constant 0 : index
    %get3A_4 = vector.load %arg2[%get3A_2, %get3A_3] : memref<64x16384xf32, #tpu.memory_space<vmem>>, vector<64x16384xf32>
    %transpose3A_5 = tpu.transpose %get3A_4, [1, 0] : vector<64x16384xf32> -> vector<16384x64xf32>
    %concatenate3A = tpu.concatenate %transpose3A, %transpose3A_5 in 1 : vector<16384x64xf32>, vector<16384x64xf32> -> vector<16384x128xf32>
    %swap3A = arith.constant 0 : index
    %swap3A_6 = arith.constant 0 : index
    %swap3A_7 = vector.load %arg3[%swap3A, %swap3A_6] : memref<16384x128xf32, #tpu.memory_space<vmem>>, vector<16384x128xf32>
    tpu.vector_store %arg3[%swap3A, %swap3A_6], %concatenate3A {strides = array<i32>} : memref<16384x128xf32, #tpu.memory_space<vmem>>, vector<16384x128xf32>,
    return
  }
  func.func @transform_0(%arg0: i32) -> (i32, i32) {
    %c0_i32 = arith.constant 0 : i32
    %c0_i32_0 = arith.constant 0 : i32
    return %c0_i32, %arg0 : i32, i32
  }
  func.func @transform_1(%arg0: i32) -> (i32, i32) {
    %add3A = arith.constant 30 : i32
    %add3A_0 = arith.addi %arg0, %add3A : i32
    %c0_i32 = arith.constant 0 : i32
    %c0_i32_1 = arith.constant 0 : i32
    return %c0_i32, %add3A_0 : i32, i32
  }
  func.func @transform_2(%arg0: i32) -> (i32, i32) {
    %c0_i32 = arith.constant 0 : i32
    %c0_i32_0 = arith.constant 0 : i32
    return %arg0, %c0_i32 : i32, i32
  }
}

</mosaic_0001>

<sc_bundles>
// kernel: kernel.6.cloned.1.call-start
scs
__scs_entry_jumppad:
0x0: {  	(pc) =	sbr.rel $0x88, $3  }
0x1: {  	(tag) =	ssettag $0x0;
	lr =	simm.s32 $0x1  }
0x2: {  	[smem:$0x3F9C] =	sst lr;
	_ =	strace $0xD0000000  }
0x3: {  	_ = 	snop  }
0x4: {  	_ = 	snop  }
0x5: {  	_ = 	snop  }
0x6: {  	_ = 	snop  }
0x7: {  	_ = 	snop  }
__scs_overlays_trampoline_lowered:
0x8: {  	[smem:$0x3FAB] =	sst s0  }
0x9: {  	[smem:$0x3FAC] =	sst s1  }
0xa: {  	[smem:$0x3FAD] =	sst s2  }
0xb: {  	[smem:$0x3FAE] =	sst s3  }
0xc: {  	[smem:$0x3FAF] =	sst s4  }
0xd: {  	[smem:$0x3FB0] =	sst s5  }
0xe: {  	[smem:$0x3FB1] =	sst s6  }
0xf: {  	[smem:$0x3FB2] =	sst s7  }
0x10: {  	[smem:$0x3FB3] =	sst s8  }
0x11: {  	[smem:$0x3FB4] =	sst s9;
	s0 =	simm.s32 @!p0 $0x0  }
0x12: {  	s1 =	sld [smem:$0x3F9A];
	s0 =	simm.s32 @p0 $0x1  }
0x13: {  	[smem:$0x3FB5] =	sst s0;
	s0 =	simm.s32 @!p1 $0x0  }
0x14: {  	s2 =	sld [smem:$0x3F99];
	s0 =	simm.s32 @p1 $0x1  }
0x15: {  	[smem:$0x3FB6] =	sst s0;
	s0 =	simm.s32 @!p2 $0x0  }
0x16: {  	s3 =	sld [smem:$0x3FDB];
	s0 =	simm.s32 @p2 $0x1  }
0x17: {  	s4 =	simm.s32 $0x1BF5;
	[smem:$0x3FB8] =	sst s0  }
0x18: {  	s0 =	sld [smem:$0x3F9B];
	_ =	swait.ge [sflag:s4], $0x0  }
0x19: {  	s7 =	sld [smem:$0x3F9C]  }
0x1a: {  	s8 =	sadd.s32 $0xFFFFE003, lr  }
0x1b: {  	s9 =	sadd.s32 $0xFFFFFEF7, lr;
	s5 =	simm.s32 $0xFFFFFFFF;
	p2 =	slt.u32 s8, $0xFFFFF086  }
0x1c: {  	p1 =	slt.u32 s9, $0xF7A;
	s5 =	simm.s32 @!p2 $0x0  }
0x1d: {  	s5 =	simm.s32 @p1 $0x1;
	p0 =	seq.s32 s7, s2  }
0x1e: {  	s7 =	smul.u32 @!p0 $0xF7A, s2;
	p2 =	seq.s32 @!p0 s5, $0x0  }
0x1f: {  	s9 =	smul.u32 $0xF7A, s1;
	s8 =	simm.s32 @!p0 $0x1BF5;
	p2 =	por !p2, p0  }
0x20: {  	[sflag:s8] =	ssyncset.s32 @!p0 $0xFFFFF086;
	s6 =	sadd.s32 @!p0 s3, s7;
	s7 =	simm.s32 @!p0 $0x108  }
0x21: {  	s3 =	sadd.s32 s3, s9;
	s6 =	sadd.s32 @!p0 $0x88, s6;
	s7 =	simm.s32 @p2 $0x1082  }
0x22: {  	[simem:s7], [sflag:s8] =	dma.local @!p0 [hbm:s6], $0xF7A  }
0x23: {  	s9 =	sor.u32 $0xD0000000, s2;
	s6 =	simm.s32 $0x108;
	_ =	swait.ge @!p0 [sflag:s8], $0x0  }
0x24: {  	s3 =	sadd.s32 $0x88, s3;
	s6 =	simm.s32 @!p1 $0x1082;
	[sflag:s4] =	ssyncset.s32 $0xFFFFF086  }
0x25: {  	[simem:s6], [sflag:s4] =	dma.local [hbm:s3], $0xF7A  }
0x26: {  	[smem:$0x3F9C] =	sst s1;
	(tag) =	ssettag s2;
	_ =	strace s9  }
0x27: {  	s1 =	sld [smem:$0x3FAC]  }
0x28: {  	s2 =	sld [smem:$0x3FAD]  }
0x29: {  	s4 =	sld [smem:$0x3FAF]  }
0x2a: {  	p0 =	seq.s32 s5, $0x0;
	s5 =	sld [smem:$0x3FB0]  }
0x2b: {  	s6 =	sld [smem:$0x3FB1]  }
0x2c: {  	s7 =	sld [smem:$0x3FB2]  }
0x2d: {  	s3 =	simm.s32 $0x108;
	s8 =	sld [smem:$0x3FB3]  }
0x2e: {  	s3 =	simm.s32 @!p0 $0x1082;
	s9 =	sld [smem:$0x3FB4]  }
0x2f: {  	lr =	sadd.s32 s0, s3;
	s0 =	sld [smem:$0x3FAB]  }
0x30: {  	s3 =	sld [smem:$0x3FAE]  }
0x31: {  	[smem:$0x3FB7] =	sst s10  }
0x32: {  	s10 =	sld [smem:$0x3FB5];
	_ =	sdelay $0x3  }
0x33: {  	p0 =	seq.s32 s10, $0x1;
	s10 =	sld [smem:$0x3FB7];
	_ =	sdelay $0x3  }
0x34: {  	[smem:$0x3FB7] =	sst s10  }
0x35: {  	s10 =	sld [smem:$0x3FB6];
	_ =	sdelay $0x3  }
0x36: {  	p1 =	seq.s32 s10, $0x1;
	s10 =	sld [smem:$0x3FB7];
	_ =	sdelay $0x3  }
0x37: {  	[smem:$0x3FB7] =	sst s10  }
0x38: {  	s10 =	sld [smem:$0x3FB8]  }
0x39: {  	_ = 	snop;
	(pc) =	sbr.ind lr, $3  }
0x3a: {  	_ = 	snop  }
0x3b: {  	_ = 	snop  }
0x3c: {  	p2 =	seq.s32 s10, $0x1;
	s10 =	sld [smem:$0x3FB7]  }
0x3d: {  	_ =	shalt  }
0x3e: {  	_ =	shalt  }
0x3f: {  	_ =	shalt  }
0x40: {  	_ =	shalt  }
0x41: {  	_ =	shalt  }
0x42: {  	_ =	shalt  }
0x43: {  	_ =	shalt  }
0x44: {  	_ =	shalt  }
0x45: {  	_ =	shalt  }
0x46: {  	_ =	shalt  }
0x47: {  	_ =	shalt  }
0x48: {  	_ =	shalt  }
0x49: {  	_ =	shalt  }
0x4a: {  	_ =	shalt  }
0x4b: {  	_ =	shalt  }
0x4c: {  	_ =	shalt  }
0x4d: {  	_ =	shalt  }
0x4e: {  	_ =	shalt  }
0x4f: {  	_ =	shalt  }
0x50: {  	_ =	shalt  }
0x51: {  	_ =	shalt  }
0x52: {  	_ =	shalt  }
0x53: {  	_ =	shalt  }
0x54: {  	_ =	shalt  }
0x55: {  	_ =	shalt  }
0x56: {  	_ =	shalt  }
0x57: {  	_ =	shalt  }
0x58: {  	_ =	shalt  }
0x59: {  	_ =	shalt  }
0x5a: {  	_ =	shalt  }
0x5b: {  	_ =	shalt  }
0x5c: {  	_ =	shalt  }
0x5d: {  	_ =	shalt  }
0x5e: {  	_ =	shalt  }
0x5f: {  	_ =	shalt  }
0x60: {  	_ =	shalt  }
0x61: {  	_ =	shalt  }
0x62: {  	_ =	shalt  }
0x63: {  	_ =	shalt  }
0x64: {  	_ =	shalt  }
0x65: {  	_ =	shalt  }
0x66: {  	_ =	shalt  }
0x67: {  	_ =	shalt  }
0x68: {  	_ =	shalt  }
0x69: {  	_ =	shalt  }
0x6a: {  	_ =	shalt  }
0x6b: {  	_ =	shalt  }
0x6c: {  	_ =	shalt  }
0x6d: {  	_ =	shalt  }
0x6e: {  	_ =	shalt  }
0x6f: {  	_ =	shalt  }
0x70: {  	_ =	shalt  }
0x71: {  	_ =	shalt  }
0x72: {  	_ =	shalt  }
0x73: {  	_ =	shalt  }
0x74: {  	_ =	shalt  }
0x75: {  	_ =	shalt  }
0x76: {  	_ =	shalt  }
0x77: {  	_ =	shalt  }
0x78: {  	_ =	shalt  }
0x79: {  	_ =	shalt  }
0x7a: {  	_ =	shalt  }
0x7b: {  	_ =	shalt  }
0x7c: {  	_ =	shalt  }
0x7d: {  	_ =	shalt  }
0x7e: {  	_ =	shalt  }
0x7f: {  	_ =	shalt  }
0x80: {  	_ =	shalt  }
0x81: {  	_ =	shalt  }
0x82: {  	_ =	shalt  }
0x83: {  	_ =	shalt  }
0x84: {  	_ =	shalt  }
0x85: {  	_ =	shalt  }
0x86: {  	_ =	shalt  }
0x87: {  	_ =	shalt  }
.Lfunc_end0:
.L_simem_size_0:
called_computation_lowered:
.L_overlay_start_0:
0x88: {  	s2 =	sld [smem:$0x3FD9]  }
0x89: {  	s3 =	sld [smem:$0x3FFE];
	_ =	sdelay $0x1  }
0x8a: {  	s1 =	srdreg.scid  }
0x8b: {  	s0 =	sand.u32 $0x1, s1  }
0x8c: {  	s17 =	sshll.u32 s0, $0xA;
	s2 =	sadd.s32 s3, s2  }
0x8d: {  	s2 =	sadd.s32 s2, s17  }
0x8e: {  	[smem:$0x3FC3] =	sst s2  }
0x8f: {  	_ = 	snop  }
0x90: {  	s2 =	sld [smem:$0x3FC9]  }
0x91: {  	s18 =	sld [smem:$0x3FC8];
	(tm) =	ssettm $0x1  }
0x92: {  	s4 =	sld [smem:$0x3FFB];
	_ =	sdelay $0x3  }
0x93: {  	_ =	strace s4  }
0x94: {  	s4 =	sld [smem:$0x3FFC];
	_ =	sdelay $0x3  }
0x95: {  	_ =	strace s4  }
0x96: {  	s4 =	sld [smem:$0x3FFD];
	_ =	sdelay $0x3  }
0x97: {  	_ =	strace s4  }
0x98: {  	_ =	strace $0x8FFFFFFF  }
0x99: {  	s19 =	sld [smem:$0x3FDB];
	_ =	sdelay $0x1  }
0x9a: {  	s5 =	simm.s32 $_scs_section_size  }
0x9b: {  	s6 =	simm.s32 $_size__tile_overlayer_lowered;
	s7 =	simm.s32 $_tile_overlayer_lowered  }
0x9c: {  	s22 =	simm.s32 $0x1BFF;
	s21 =	sshll.u32 s7, $0x1;
	s4 =	sadd.s32 s5, s19  }
0x9d: {  	s8 =	simm.s32 $0x0;
	s20 =	sshll.u32 s6, $0x1;
	s6 =	sadd.s32 s21, s4  }
0x9e: {  	[timem:s8], [sflag:s22] =	dma.local [hbm:s6], s20  }
0x9f: {  	_ =	swait.ge [sflag:s22], s20  }
0xa0: {  	s5 =	ssub.s32 $0x0, s20;
	[sflag:s22] =	ssyncset.done $0x0  }
0xa1: {  	[sflag:s22] =	ssyncadd.s32 s5;
	_ =	sdelay $0x1  }
0xa2: {  	s23 =	simm.s32 $0x1B8B  }
0xa3: {  	_ =	swait.ge [sflag:s23], $0x1  }
0xa4: {  	[sflag:s23] =	ssyncset.done $0x0  }
0xa5: {  	s25 =	simm.s32 $0x1B8E;
	s24 =	sld [smem:$0x3FFE];
	[sflag:s23] =	ssyncadd.s32 $0xFFFFFFFF  }
0xa6: {  	s26 =	simm.s32 $execute0_lowered;
	[smem:$0x3FD2] =	sst s25  }
0xa7: {  	s6 =	sshll.u32 s26, $0x1;
	_ =	strace $0x80000046;
	[dreg:$0x1] =	wrdreg $0xFFFFFFFF  }
0xa8: {  	s28 =	simm.s32 $_size_execute0_lowered;
	s4 =	sadd.s32 s4, s6;
	[dreg:$0x0] =	wrdreg $0x0  }
0xa9: {  	s6 =	sshll.u32 s28, $0x1;
	[dreg:$0x2] =	wrdreg s4  }
0xaa: {  	[dreg:$0x3] =	wrdreg s6  }
0xab: {  	[dreg:$0x4] =	wrdreg $0xC0  }
0xac: {  	_ =	task [dreg:s8], $0x5FFFF  }
0xad: {  	[dreg:$0x1] =	wrdreg $0xFFFFFFFF  }
0xae: {  	[dreg:$0x0] =	wrdreg $0x60  }
0xaf: {  	[dreg:$0x2] =	wrdreg s2  }
0xb0: {  	[dreg:$0x3] =	wrdreg s18  }
0xb1: {  	[dreg:$0x4] =	wrdreg s24  }
0xb2: {  	[dreg:$0x5] =	wrdreg $0x9  }
0xb3: {  	_ =	task.clear_ibuf [dreg:s8], $0x6FFFF;
	_ =	strace $0x90000046  }
0xb4: {  	s29 =	simm.s32 $0x9;
	_ =	strace $0x80000048  }
0xb5: {  	_ =	swait.ge [sflag:s29], $0x1  }
0xb6: {  	[sflag:s29] =	ssyncadd.s32 $0xFFFFFFFF  }
0xb7: {  	_ =	strace $0x90000048  }
0xb8: {  	_ =	sfence  }
0xb9: {  	s30 =	sld [smem:$0x0];
	_ =	sdelay $0x2  }
0xba: {  	s31 =	sshll.u32 s1, $0xD;
	s1 =	sshrl.u32 s1, $0x2  }
0xbb: {  	s3 =	sand.u32 $0x4000, s31;
	s1 =	sadd.s32 s1, s30  }
0xbc: {  	s0 =	sor.u32 s3, s0;
	s1 =	sshll.u32 s1, $0x11  }
0xbd: {  	s0 =	sor.u32 s1, s0  }
0xbe: {  	s0 =	sadd.s32 $0x8F2B, s0  }
0xbf: {  	[sflag:s0] =	ssyncadd.remote.s32 $0x1  }
0xc0: {  	_ =	sfence.sel $0xFFFF  }
0xc1: {  	[dreg:$0x0] =	wrdreg $0xFFFFFFFF;
	(pc) =	sbr.abs _section_cstart, $3  }
0xc2: {  	[dreg:$0x1] =	wrdreg $0xFFFFFFFF  }
0xc3: {  	_ =	task.clear_ibuf [dreg:s8], $0x2FFFF;
	_ =	strace $0x9FFFFFFF  }
0xc4: {  	(tm) =	ssettm $0x7FFFFFFF  }
0xc5: {  	_ =	shalt  }
tec
execute0_lowered:
.L_overlay_start_1:
0x0: {  	(tag) =	ssettag $0x1  }
0x1: {  	s1 =	rddreg [dreg:$0x0]  }
0x2: {  	s2 =	rddreg [dreg:$0x1]  }
0x3: {  	s0 =	rddreg [dreg:$0x2];
	s3 =	simm.s32 $0x0;
	s4 =	srdreg.scid  }
0x4: {  	s7 =	stileid.u32;
	s19 =	simm.s32 $0x20;
	s21 =	simm.s32 $0xDCC0  }
0x5: {  	s22 =	simm.s32 $0xDCE0;
	s28 =	simm.s32 $0x80;
	s14 =	simm.s32 $0x4  }
0x6: {  	s13 =	simm.s32 $0xB2C0;
	s20 =	simm.s32 $0x5;
	s17 =	simm.s32 $0x18F80  }
0x7: {  	s15 =	simm.s32 $0x3;
	s18 =	simm.s32 $0x0;
	[smem:$0x7FF] =	sst s3  }
0x8: {  	s5 =	sadd.s32 $0x600, s0;
	s4 =	sand.u32 $0x1, s4;
	s6 =	sadd.s32 $0xA600, s0  }
0x9: {  	s8 =	sshll.u32 s7, $0x1;
	s7 =	sadd.s32 $0x80A600, s0;
	s9 =	ssub.s32 $0x2, s4  }
0xa: {  	_ =	strace $0x80000047;
	s4 =	sor.u32 s4, s8;
	s10 =	sshrl.u32 s9, $0x1  }
0xb: {  	s8 =	sadd.s32 $0x100A600, s0;
	s24 =	sshll.u32 s4, $0x6;
	s23 =	ssub.s32 s9, s10  }
0xc: {  	s9 =	sshll.u32 s4, $0x4;
	s4 =	smul.u32 $0x500, s4;
	s12 =	sadd.s32 s1, s24  }
0xd: {  	s10 =	sadd.s32 s2, s24;
	s24 =	simm.s32 $0x1;
	[dreg:$0x4] =	wrdreg s12  }
0xe: {  	s11 =	sor.u32 $0x1, s9;
	[dreg:$0x5] =	wrdreg s10;
	s31 =	sor.u32 $0x3, s9  }
0xf: {  	s16 =	sor.u32 $0x2, s9;
	s0 =	smax.u32 s23, $0x1;
	[dreg:$0xa] =	wrdreg s31  }
0x10: {  	s25 =	sshll.u32 s11, $0x2;
	s4 =	sadd.s32 s5, s4;
	[dreg:$0xb] =	wrdreg s0  }
0x11: {  	s11 =	smul.u32 $0x50, s11;
	[dreg:$0x6] =	wrdreg s4;
	s26 =	sadd.s32 s1, s25  }
0x12: {  	s23 =	simm.s32 $0xDD00;
	s29 =	sadd.s32 s2, s25;
	[dreg:$0x7] =	wrdreg s26  }
0x13: {  	s10 =	simm.s32 $0xDF00;
	[dreg:$0x8] =	wrdreg s29;
	s30 =	sadd.s32 s5, s11  }
0x14: {  	s12 =	simm.s32 $0x2;
	s11 =	simm.s32 $0x16F80;
	[dreg:$0x9] =	wrdreg s30  }
.LBB2_1:
0x15: {  	[dreg:$0xc] =	wrdreg s18  }
0x16: {  	s0 =	rddreg [dreg:$0x4]  }
0x17: {  	[tilespmem:s3], [sflag:$0x1] =	stream.linear.gather [hbm4b:s0+s3], $0x20, $0x38;
	[tilespmem:$0x1B980] =	vst v63  }
0x18: {  	s25 =	rddreg [dreg:$0x5]  }
0x19: {  	[tilespmem:s19], [sflag:$0x1] =	stream.linear.gather [hbm4b:s25+s3], $0x20, $0x38;
	[tilespmem:$0x1B980] =	vst v63  }
0x1a: {  	s26 =	rddreg [dreg:$0x6];
	s4 =	simm.s32 $0x40  }
0x1b: {  	[tilespmem:s4], [sflag:$0x1] =	stream.linear.gather [hbm4b:s26+s3], $0x280, $0x38;
	[tilespmem:$0x1B980] =	vst v63  }
0x1c: {  	s29 =	rddreg [dreg:$0x7]  }
0x1d: {  	[tilespmem:s21], [sflag:$0x4] =	stream.linear.gather [hbm4b:s29+s3], $0x20, $0x38;
	[tilespmem:$0x1B980] =	vst v63  }
0x1e: {  	s30 =	rddreg [dreg:$0x8]  }
0x1f: {  	[tilespmem:s22], [sflag:$0x4] =	stream.linear.gather [hbm4b:s30+s3], $0x20, $0x38;
	[tilespmem:$0x1B980] =	vst v63  }
0x20: {  	s31 =	rddreg [dreg:$0x9]  }
0x21: {  	[tilespmem:s23], [sflag:$0x4] =	stream.linear.gather [hbm4b:s31+s3], $0x280, $0x38;
	[tilespmem:$0x1B980] =	vst v63  }
0x22: {  	_ =	swait.ge [sflag:s24], $0x20  }
0x23: {  	[sflag:s24] =	ssyncset.done $0x0  }
0x24: {  	[sflag:s24] =	ssyncadd.s32 $0xFFFFFFE0  }
0x25: {  	_ =	swait.ge [sflag:s24], $0x20  }
0x26: {  	[sflag:s24] =	ssyncset.done $0x0  }
0x27: {  	[sflag:s24] =	ssyncadd.s32 $0xFFFFFFE0  }
0x28: {  	_ =	swait.ge [sflag:s24], $0x280  }
0x29: {  	[sflag:s24] =	ssyncset.done $0x0  }
0x2a: {  	[sflag:s24] =	ssyncadd.s32 $0xFFFFFD80  }
0x2b: {  	v0 =	vld [tilespmem:$0x0]  }
0x2c: {  	v1 =	vld [tilespmem:$0x10]  }
0x2d: {  	v2 =	vld [tilespmem:$0x20]  }
0x2e: {  	v3 =	vld [tilespmem:$0x30];
	_ =	sdelay $0x2  }
0x2f: {  	vm0 =	vlt.s32 v0, $0x78000;
	v0 =	vshll.u32 v0, $0x1;
	v4 =	vshll.u32 v1, $0x1  }
0x30: {  	vm1 =	vlt.s32 v1, $0x78000;
	v59 =	vshll.u32 v2, $0x1;
	v5 =	vadd.s32 $0xFFF10001, v0  }
0x31: {  	v61 =	vshll.u32 v3, $0x1;
	v58 =	vadd.s32 $0xFFF10001, v4;
	v0 =	vsel vm0, v0, v5  }
0x32: {  	vm15 =	vlt.s32 v3, $0x78000;
	v62 =	vadd.s32 $0xFFF10001, v61;
	v1 =	vsel vm1, v4, v58;
	[tilespmem:$0x0] =	vst v0  }
0x33: {  	vm14 =	vlt.s32 v2, $0x78000;
	v60 =	vadd.s32 $0xFFF10001, v59;
	v63 =	vsel vm15, v61, v62;
	[tilespmem:$0x10] =	vst v1  }
0x34: {  	v0 =	vsel vm14, v59, v60;
	[tilespmem:$0x30] =	vst v63  }
0x35: {  	s18 =	simm.s32 $0x40;
	s0 =	simm.s32 $0x0;
	[tilespmem:$0x20] =	vst v0  }
.LBB2_2:
0x36: {  	p0 =	sne.s32 s18, $0x9C0;
	v0 =	vld [tilespmem:s0+$0x40];
	_ =	sdelay $0x3  }
.Ltmp0:
0x37: {  	(pc) =	sbr.rel @p0 .LBB2_2-.Ltmp0, $4  }
0x38: {  	v1 =	vshll.u32 v0, $0x1  }
0x39: {  	vm0 =	vlt.s32 v0, $0x78000;
	v0 =	vadd.s32 $0xFFF10001, v1  }
0x3a: {  	v0 =	vsel vm0, v1, v0  }
0x3b: {  	[tilespmem:s0+$0x40] =	vst v0;
	s0 =	sshra.s32 s18, $0x2;
	s18 =	sadd.s32 $0x40, s18  }
0x3c: {  	v0 =	vld [tilespmem:s0+$0x40];
	_ =	sdelay $0x4  }
0x3d: {  	v1 =	vshll.u32 v0, $0x1  }
0x3e: {  	vm0 =	vlt.s32 v0, $0x78000;
	v63 =	vadd.s32 $0xFFF10001, v1  }
0x3f: {  	v0 =	vsel vm0, v1, v63  }
0x40: {  	s18 =	simm.s32 $0x0;
	s25 =	simm.s32 $0x2C0;
	[tilespmem:s0+$0x40] =	vst v0  }
0x41: {  	[tilespmem:s25], [sflag:$0x2] =	stream.indirect.gather [hbm4b:s6+s19], $0x40, s18, s19, $0xb8;
	[tilespmem:$0x1B980] =	vst v63  }
0x42: {  	s26 =	simm.s32 $0xAC0  }
0x43: {  	[tilespmem:s26], [sflag:$0x2] =	stream.indirect.gather [hbm4b:s7+s19], $0x40, s19, s19, $0xb8;
	[tilespmem:$0x1B980] =	vst v63  }
0x44: {  	s29 =	simm.s32 $0x40;
	s4 =	simm.s32 $0x12C0  }
0x45: {  	[tilespmem:s4], [sflag:$0x2] =	stream.indirect.gather [hbm4b:s7+s28], $0x40, s29, s28, $0xb8;
	[tilespmem:$0x1B980] =	vst v63  }
0x46: {  	s30 =	simm.s32 $0xC0;
	s31 =	simm.s32 $0x32C0  }
0x47: {  	[tilespmem:s31], [sflag:$0x2] =	stream.indirect.gather [hbm4b:s7+s28], $0x40, s30, s28, $0xb8;
	[tilespmem:$0x1B980] =	vst v63  }
0x48: {  	s25 =	simm.s32 $0x52C0;
	s4 =	simm.s32 $0x140  }
0x49: {  	[tilespmem:s25], [sflag:$0x2] =	stream.indirect.gather [hbm4b:s7+s28], $0x40, s4, s28, $0xb8;
	[tilespmem:$0x1B980] =	vst v63  }
0x4a: {  	s26 =	simm.s32 $0x1C0;
	s29 =	simm.s32 $0x72C0  }
0x4b: {  	[tilespmem:s29], [sflag:$0x2] =	stream.indirect.gather [hbm4b:s7+s28], $0x40, s26, s28, $0xb8;
	[tilespmem:$0x1B980] =	vst v63  }
0x4c: {  	s30 =	simm.s32 $0x240;
	s31 =	simm.s32 $0x92C0  }
0x4d: {  	[tilespmem:s31], [sflag:$0x2] =	stream.indirect.gather [hbm4b:s7+s28], $0x40, s30, s28, $0xb8;
	[tilespmem:$0x1B980] =	vst v63  }
.LBB2_4:
0x4e: {  	_ =	swait.ge [sflag:s14], $0x20  }
0x4f: {  	[sflag:s14] =	ssyncset.done $0x0  }
0x50: {  	[sflag:s14] =	ssyncadd.s32 $0xFFFFFFE0  }
0x51: {  	_ =	swait.ge [sflag:s14], $0x20  }
0x52: {  	[sflag:s14] =	ssyncset.done $0x0  }
0x53: {  	[sflag:s14] =	ssyncadd.s32 $0xFFFFFFE0  }
0x54: {  	_ =	swait.ge [sflag:s14], $0x280  }
0x55: {  	[sflag:s14] =	ssyncset.done $0x0  }
0x56: {  	[sflag:s14] =	ssyncadd.s32 $0xFFFFFD80  }
0x57: {  	v0 =	vld [tilespmem:$0xDCC0]  }
0x58: {  	v1 =	vld [tilespmem:$0xDCD0]  }
0x59: {  	v2 =	vld [tilespmem:$0xDCE0]  }
0x5a: {  	v3 =	vld [tilespmem:$0xDCF0];
	_ =	sdelay $0x2  }
0x5b: {  	vm0 =	vlt.s32 v0, $0x78000;
	v0 =	vshll.u32 v0, $0x1;
	v4 =	vshll.u32 v1, $0x1  }
0x5c: {  	vm1 =	vlt.s32 v1, $0x78000;
	v59 =	vshll.u32 v2, $0x1;
	v5 =	vadd.s32 $0xFFF10001, v0  }
0x5d: {  	v61 =	vshll.u32 v3, $0x1;
	v58 =	vadd.s32 $0xFFF10001, v4;
	v0 =	vsel vm0, v0, v5  }
0x5e: {  	vm15 =	vlt.s32 v3, $0x78000;
	v62 =	vadd.s32 $0xFFF10001, v61;
	v1 =	vsel vm1, v4, v58;
	[tilespmem:$0xDCC0] =	vst v0  }
0x5f: {  	vm14 =	vlt.s32 v2, $0x78000;
	v60 =	vadd.s32 $0xFFF10001, v59;
	v63 =	vsel vm15, v61, v62;
	[tilespmem:$0xDCD0] =	vst v1  }
0x60: {  	v0 =	vsel vm14, v59, v60;
	[tilespmem:$0xDCF0] =	vst v63  }
0x61: {  	s0 =	simm.s32 $0x0;
	s25 =	simm.s32 $0x40;
	[tilespmem:$0xDCE0] =	vst v0  }
.LBB2_5:
0x62: {  	p0 =	sne.s32 s25, $0x9C0;
	v0 =	vld [tilespmem:s0+$0xDD00];
	_ =	sdelay $0x3  }
.Ltmp1:
0x63: {  	(pc) =	sbr.rel @p0 .LBB2_5-.Ltmp1, $4  }
0x64: {  	v1 =	vshll.u32 v0, $0x1  }
0x65: {  	vm0 =	vlt.s32 v0, $0x78000;
	v0 =	vadd.s32 $0xFFF10001, v1  }
0x66: {  	v0 =	vsel vm0, v1, v0  }
0x67: {  	[tilespmem:s0+$0xDD00] =	vst v0;
	s0 =	sshra.s32 s25, $0x2;
	s25 =	sadd.s32 $0x40, s25  }
0x68: {  	v0 =	vld [tilespmem:s0+$0xDD00];
	_ =	sdelay $0x4  }
0x69: {  	v1 =	vshll.u32 v0, $0x1  }
0x6a: {  	vm0 =	vlt.s32 v0, $0x78000;
	v63 =	vadd.s32 $0xFFF10001, v1  }
0x6b: {  	v0 =	vsel vm0, v1, v63  }
0x6c: {  	s30 =	simm.s32 $0xDF80;
	[tilespmem:s0+$0xDD00] =	vst v0  }
0x6d: {  	[tilespmem:s30], [sflag:$0x5] =	stream.indirect.gather [hbm4b:s6+s19], $0x40, s21, s19, $0xb8;
	[tilespmem:$0x1B980] =	vst v63  }
0x6e: {  	s31 =	simm.s32 $0xE780  }
0x6f: {  	[tilespmem:s31], [sflag:$0x5] =	stream.indirect.gather [hbm4b:s7+s19], $0x40, s22, s19, $0xb8;
	[tilespmem:$0x1B980] =	vst v63  }
0x70: {  	s4 =	simm.s32 $0xEF80  }
0x71: {  	[tilespmem:s4], [sflag:$0x5] =	stream.indirect.gather [hbm4b:s7+s28], $0x40, s23, s28, $0xb8;
	[tilespmem:$0x1B980] =	vst v63  }
0x72: {  	s25 =	simm.s32 $0xDD80;
	s4 =	simm.s32 $0x10F80  }
0x73: {  	[tilespmem:s4], [sflag:$0x5] =	stream.indirect.gather [hbm4b:s7+s28], $0x40, s25, s28, $0xb8;
	[tilespmem:$0x1B980] =	vst v63  }
0x74: {  	s26 =	simm.s32 $0xDE00;
	s29 =	simm.s32 $0x12F80  }
0x75: {  	[tilespmem:s29], [sflag:$0x5] =	stream.indirect.gather [hbm4b:s7+s28], $0x40, s26, s28, $0xb8;
	[tilespmem:$0x1B980] =	vst v63  }
0x76: {  	s30 =	simm.s32 $0xDE80;
	s31 =	simm.s32 $0x14F80  }
0x77: {  	[tilespmem:s31], [sflag:$0x5] =	stream.indirect.gather [hbm4b:s7+s28], $0x40, s30, s28, $0xb8;
	[tilespmem:$0x1B980] =	vst v63  }
0x78: {  	_ = 	snop  }
0x79: {  	[tilespmem:s11], [sflag:$0x5] =	stream.indirect.gather [hbm4b:s7+s28], $0x40, s10, s28, $0xb8;
	[tilespmem:$0x1B980] =	vst v63  }
0x7a: {  	_ =	swait.ge [sflag:s12], $0x800  }
0x7b: {  	[sflag:s12] =	ssyncset.done $0x0  }
0x7c: {  	[sflag:s12] =	ssyncadd.s32 $0xFFFFF800  }
0x7d: {  	_ =	swait.ge [sflag:s12], $0x800  }
0x7e: {  	p1 =	seq.s32 s18, $0x7;
	s25 =	sshll.u32 s18, $0x1;
	[sflag:s12] =	ssyncset.done $0x0  }
0x7f: {  	s0 =	sadd.s32 @!p1 s25, s16;
	[sflag:s12] =	ssyncadd.s32 $0xFFFFF800  }
0x80: {  	p0 =	seq.s32 @!p1 s18, $0x0;
	s26 =	sshll.u32 @!p1 s0, $0x2;
	_ =	swait.ge [sflag:s12], $0xA000  }
0x81: {  	p0 =	por p1, !p0;
	s26 =	sand.u32 @!p1 $0x1FFFFFF8, s26;
	[sflag:s12] =	ssyncset.done $0x0  }
0x82: {  	s29 =	sadd.s32 @!p1 s1, s26;
	s30 =	simm.s32 @!p1 $0x0;
	[sflag:s12] =	ssyncadd.s32 $0xFFFF6000  }
0x83: {  	[tilespmem:s30], [sflag:$0x1] =	stream.linear.gather @!p1 [hbm4b:s29+s30], $0x20, $0x38;
	[tilespmem:$0x1B980] =	vst v63  }
.Ltmp2:
0x84: {  	_ = 	snop;
	(pc) =	sbr.rel @!p0 .LBB2_7-.Ltmp2, $4  }
0x85: {  	s0 =	smul.u32 @!p1 $0x50, s0;
	s26 =	sadd.s32 @!p1 s2, s26;
	s29 =	simm.s32 @!p1 $0x20  }
0x86: {  	[tilespmem:s29], [sflag:$0x1] =	stream.linear.gather @!p1 [hbm4b:s26+s30], $0x20, $0x38;
	[tilespmem:$0x1B980] =	vst v63  }
0x87: {  	s0 =	sadd.s32 @!p1 s5, s0;
	s26 =	simm.s32 @!p1 $0x40  }
0x88: {  	[tilespmem:s26], [sflag:$0x1] =	stream.linear.gather @!p1 [hbm4b:s0+s30], $0x280, $0x38;
	[tilespmem:$0x1B980] =	vst v63  }
.Ltmp3:
0x89: {  	(pc) =	sbr.rel .LBB2_9-.Ltmp3, $4  }
0x8a: {  	_ = 	snop  }
0x8b: {  	_ =	swait.ge [sflag:s15], $0x2A00  }
0x8c: {  	[sflag:s15] =	ssyncset.done $0x0  }
0x8d: {  	p0 =	por $0x0, $0x0;
	[sflag:s15] =	ssyncadd.s32 $0xFFFFD600  }
.LBB2_7:
0x8e: {  	p0 =	por @!p1 $0x1, $0x1  }
.LBB2_9:
0x8f: {  	s0 =	simm.s32 $0x0  }
0x90: {  	v4 =	vld [tilespmem:s0+$0xAC0]  }
0x91: {  	v0 =	vld [tilespmem:s0+$0x2D0]  }
0x92: {  	v5 =	vld [tilespmem:s0+$0xAD0]  }
0x93: {  	v2 =	vld [tilespmem:s0+$0x2C0]  }
0x94: {  	v6 =	vld [tilespmem:s0+$0xAE0]  }
0x95: {  	v1 =	vld [tilespmem:s0+$0x2E0]  }
0x96: {  	v7 =	vld [tilespmem:s0+$0xAF0]  }
0x97: {  	v3 =	vld [tilespmem:s0+$0x2F0]  }
0x98: {  	v4 =	vmul.f32 v4, v2;
	v5 =	vmul.f32 v5, v0;
	_ =	sdelay $0x1  }
0x99: {  	v4 =	vadd.f32 v5, v4;
	v5 =	vmul.f32 v6, v1;
	_ =	sdelay $0x1  }
0x9a: {  	v4 =	vadd.f32 v5, v4;
	v5 =	vmul.f32 v7, v3;
	_ =	sdelay $0x1  }
0x9b: {  	v4 =	vadd.f32 v5, v4  }
0x9c: {  	s26 =	simm.s32 $0xB360  }
0x9d: {  	s29 =	simm.s32 $0x1540;
	[tilespmem:s26+$0xFFFFFF60] =	vst v4  }
0x9e: {  	v4 =	vld [tilespmem:s29+$0xFFFFFD80]  }
0x9f: {  	v5 =	vld [tilespmem:s29+$0xFFFFFD90];
	_ =	sdelay $0x1  }
0xa0: {  	v6 =	vld [tilespmem:s29+$0xFFFFFDA0];
	_ =	sdelay $0x1  }
0xa1: {  	v7 =	vld [tilespmem:s29+$0xFFFFFDB0]  }
0xa2: {  	v4 =	vmul.f32 v4, v2;
	v5 =	vmul.f32 v5, v0;
	_ =	sdelay $0x1  }
0xa3: {  	v4 =	vadd.f32 v5, v4;
	v5 =	vmul.f32 v6, v1;
	_ =	sdelay $0x1  }
0xa4: {  	v4 =	vadd.f32 v5, v4;
	v5 =	vmul.f32 v7, v3;
	_ =	sdelay $0x1  }
0xa5: {  	v4 =	vadd.f32 v5, v4;
	_ =	sdelay $0x1  }
0xa6: {  	[tilespmem:s26+$0xFFFFFF70] =	vst v4  }
0xa7: {  	v4 =	vld [tilespmem:s29+$0xFFFFFDC0]  }
0xa8: {  	v5 =	vld [tilespmem:s29+$0xFFFFFDD0];
	_ =	sdelay $0x1  }
0xa9: {  	v6 =	vld [tilespmem:s29+$0xFFFFFDE0];
	_ =	sdelay $0x1  }
0xaa: {  	v7 =	vld [tilespmem:s29+$0xFFFFFDF0]  }
0xab: {  	v4 =	vmul.f32 v4, v2;
	v5 =	vmul.f32 v5, v0;
	_ =	sdelay $0x1  }
0xac: {  	v4 =	vadd.f32 v5, v4;
	v5 =	vmul.f32 v6, v1;
	_ =	sdelay $0x1  }
0xad: {  	v4 =	vadd.f32 v5, v4;
	v5 =	vmul.f32 v7, v3;
	_ =	sdelay $0x1  }
0xae: {  	v4 =	vadd.f32 v5, v4;
	_ =	sdelay $0x1  }
0xaf: {  	[tilespmem:s26+$0xFFFFFF80] =	vst v4  }
0xb0: {  	v4 =	vld [tilespmem:s29+$0xFFFFFE00]  }
0xb1: {  	v5 =	vld [tilespmem:s29+$0xFFFFFE10];
	_ =	sdelay $0x1  }
0xb2: {  	v6 =	vld [tilespmem:s29+$0xFFFFFE20];
	_ =	sdelay $0x1  }
0xb3: {  	v7 =	vld [tilespmem:s29+$0xFFFFFE30]  }
0xb4: {  	v4 =	vmul.f32 v4, v2;
	v5 =	vmul.f32 v5, v0;
	_ =	sdelay $0x1  }
0xb5: {  	v6 =	vmul.f32 v6, v1;
	v4 =	vadd.f32 v5, v4;
	_ =	sdelay $0x1  }
0xb6: {  	v5 =	vmul.f32 v7, v3;
	v4 =	vadd.f32 v6, v4;
	_ =	sdelay $0x1  }
0xb7: {  	v4 =	vadd.f32 v5, v4;
	_ =	sdelay $0x1  }
0xb8: {  	[tilespmem:s26+$0xFFFFFF90] =	vst v4  }
0xb9: {  	v4 =	vld [tilespmem:s29+$0xFFFFFE40]  }
0xba: {  	v5 =	vld [tilespmem:s29+$0xFFFFFE50];
	_ =	sdelay $0x1  }
0xbb: {  	v6 =	vld [tilespmem:s29+$0xFFFFFE60];
	_ =	sdelay $0x1  }
0xbc: {  	v7 =	vld [tilespmem:s29+$0xFFFFFE70]  }
0xbd: {  	v4 =	vmul.f32 v4, v2;
	v5 =	vmul.f32 v5, v0;
	_ =	sdelay $0x1  }
0xbe: {  	v4 =	vadd.f32 v5, v4;
	v5 =	vmul.f32 v6, v1;
	_ =	sdelay $0x1  }
0xbf: {  	v4 =	vadd.f32 v5, v4;
	v5 =	vmul.f32 v7, v3;
	_ =	sdelay $0x1  }
0xc0: {  	v4 =	vadd.f32 v5, v4;
	_ =	sdelay $0x1  }
0xc1: {  	[tilespmem:s26+$0xFFFFFFA0] =	vst v4  }
0xc2: {  	v4 =	vld [tilespmem:s29+$0xFFFFFE80]  }
0xc3: {  	v5 =	vld [tilespmem:s29+$0xFFFFFE90];
	_ =	sdelay $0x1  }
0xc4: {  	v6 =	vld [tilespmem:s29+$0xFFFFFEA0];
	_ =	sdelay $0x1  }
0xc5: {  	v7 =	vld [tilespmem:s29+$0xFFFFFEB0]  }
0xc6: {  	v4 =	vmul.f32 v4, v2;
	v5 =	vmul.f32 v5, v0;
	_ =	sdelay $0x1  }
0xc7: {  	v6 =	vmul.f32 v6, v1;
	v4 =	vadd.f32 v5, v4;
	_ =	sdelay $0x1  }
0xc8: {  	v5 =	vmul.f32 v7, v3;
	v4 =	vadd.f32 v6, v4;
	_ =	sdelay $0x1  }
0xc9: {  	v4 =	vadd.f32 v5, v4;
	_ =	sdelay $0x1  }
0xca: {  	[tilespmem:s26+$0xFFFFFFB0] =	vst v4  }
0xcb: {  	v4 =	vld [tilespmem:s29+$0xFFFFFEC0]  }
0xcc: {  	v5 =	vld [tilespmem:s29+$0xFFFFFED0];
	_ =	sdelay $0x1  }
0xcd: {  	v6 =	vld [tilespmem:s29+$0xFFFFFEE0];
	_ =	sdelay $0x1  }
0xce: {  	v7 =	vld [tilespmem:s29+$0xFFFFFEF0]  }
0xcf: {  	v4 =	vmul.f32 v4, v2;
	v5 =	vmul.f32 v5, v0;
	_ =	sdelay $0x1  }
0xd0: {  	v6 =	vmul.f32 v6, v1;
	v4 =	vadd.f32 v5, v4;
	_ =	sdelay $0x1  }
0xd1: {  	v5 =	vmul.f32 v7, v3;
	v4 =	vadd.f32 v6, v4;
	_ =	sdelay $0x1  }
0xd2: {  	v4 =	vadd.f32 v5, v4;
	_ =	sdelay $0x1  }
0xd3: {  	[tilespmem:s26+$0xFFFFFFC0] =	vst v4  }
0xd4: {  	v4 =	vld [tilespmem:s29+$0xFFFFFF00]  }
0xd5: {  	v5 =	vld [tilespmem:s29+$0xFFFFFF10];
	_ =	sdelay $0x1  }
0xd6: {  	v6 =	vld [tilespmem:s29+$0xFFFFFF20];
	_ =	sdelay $0x1  }
0xd7: {  	v7 =	vld [tilespmem:s29+$0xFFFFFF30]  }
0xd8: {  	v4 =	vmul.f32 v4, v2;
	v5 =	vmul.f32 v5, v0;
	_ =	sdelay $0x1  }
0xd9: {  	v6 =	vmul.f32 v6, v1;
	v4 =	vadd.f32 v5, v4;
	_ =	sdelay $0x1  }
0xda: {  	v5 =	vmul.f32 v7, v3;
	v4 =	vadd.f32 v6, v4;
	_ =	sdelay $0x1  }
0xdb: {  	v4 =	vadd.f32 v5, v4;
	_ =	sdelay $0x1  }
0xdc: {  	[tilespmem:s26+$0xFFFFFFD0] =	vst v4  }
0xdd: {  	v4 =	vld [tilespmem:s29+$0xFFFFFF40]  }
0xde: {  	v5 =	vld [tilespmem:s29+$0xFFFFFF50];
	_ =	sdelay $0x1  }
0xdf: {  	v6 =	vld [tilespmem:s29+$0xFFFFFF60];
	_ =	sdelay $0x1  }
0xe0: {  	v7 =	vld [tilespmem:s29+$0xFFFFFF70]  }
0xe1: {  	v4 =	vmul.f32 v4, v2;
	v5 =	vmul.f32 v5, v0;
	_ =	sdelay $0x1  }
0xe2: {  	v6 =	vmul.f32 v6, v1;
	v4 =	vadd.f32 v5, v4;
	_ =	sdelay $0x1  }
0xe3: {  	v5 =	vmul.f32 v7, v3;
	v4 =	vadd.f32 v6, v4;
	_ =	sdelay $0x1  }
0xe4: {  	v4 =	vadd.f32 v5, v4;
	_ =	sdelay $0x1  }
0xe5: {  	[tilespmem:s26+$0xFFFFFFE0] =	vst v4  }
0xe6: {  	v4 =	vld [tilespmem:s29+$0xFFFFFF80]  }
0xe7: {  	v5 =	vld [tilespmem:s29+$0xFFFFFF90];
	_ =	sdelay $0x1  }
0xe8: {  	v6 =	vld [tilespmem:s29+$0xFFFFFFA0];
	_ =	sdelay $0x1  }
0xe9: {  	v7 =	vld [tilespmem:s29+$0xFFFFFFB0]  }
0xea: {  	v4 =	vmul.f32 v4, v2;
	v5 =	vmul.f32 v5, v0;
	_ =	sdelay $0x1  }
0xeb: {  	v4 =	vadd.f32 v5, v4;
	v5 =	vmul.f32 v6, v1;
	_ =	sdelay $0x1  }
0xec: {  	v6 =	vmul.f32 v7, v3;
	v4 =	vadd.f32 v5, v4;
	_ =	sdelay $0x1  }
0xed: {  	v4 =	vadd.f32 v6, v4;
	_ =	sdelay $0x1  }
0xee: {  	[tilespmem:s26+$0xFFFFFFF0] =	vst v4  }
0xef: {  	v4 =	vld [tilespmem:s29+$0xFFFFFFC0]  }
0xf0: {  	v5 =	vld [tilespmem:s29+$0xFFFFFFD0];
	_ =	sdelay $0x1  }
0xf1: {  	v6 =	vld [tilespmem:s29+$0xFFFFFFE0];
	_ =	sdelay $0x1  }
0xf2: {  	v7 =	vld [tilespmem:s29+$0xFFFFFFF0]  }
0xf3: {  	v4 =	vmul.f32 v4, v2;
	v5 =	vmul.f32 v5, v0;
	_ =	sdelay $0x1  }
0xf4: {  	v6 =	vmul.f32 v6, v1;
	v4 =	vadd.f32 v5, v4;
	_ =	sdelay $0x1  }
0xf5: {  	v5 =	vmul.f32 v7, v3;
	v4 =	vadd.f32 v6, v4;
	_ =	sdelay $0x1  }
0xf6: {  	v4 =	vadd.f32 v5, v4;
	_ =	sdelay $0x1  }
0xf7: {  	[tilespmem:s26+$0x0] =	vst v4  }
0xf8: {  	v4 =	vld [tilespmem:s29+$0x0]  }
0xf9: {  	v5 =	vld [tilespmem:s29+$0x10];
	_ =	sdelay $0x1  }
0xfa: {  	v6 =	vld [tilespmem:s29+$0x20];
	_ =	sdelay $0x1  }
0xfb: {  	v7 =	vld [tilespmem:s29+$0x30]  }
0xfc: {  	v4 =	vmul.f32 v4, v2;
	v5 =	vmul.f32 v5, v0;
	_ =	sdelay $0x1  }
0xfd: {  	v6 =	vmul.f32 v6, v1;
	v4 =	vadd.f32 v5, v4;
	_ =	sdelay $0x1  }
0xfe: {  	v5 =	vmul.f32 v7, v3;
	v4 =	vadd.f32 v6, v4;
	_ =	sdelay $0x1  }
0xff: {  	v4 =	vadd.f32 v5, v4;
	_ =	sdelay $0x1  }
0x100: {  	[tilespmem:s26+$0x10] =	vst v4  }
0x101: {  	v4 =	vld [tilespmem:s29+$0x40]  }
0x102: {  	v5 =	vld [tilespmem:s29+$0x50];
	_ =	sdelay $0x1  }
0x103: {  	v6 =	vld [tilespmem:s29+$0x60];
	_ =	sdelay $0x1  }
0x104: {  	v7 =	vld [tilespmem:s29+$0x70]  }
0x105: {  	v4 =	vmul.f32 v4, v2;
	v5 =	vmul.f32 v5, v0;
	_ =	sdelay $0x1  }
0x106: {  	v6 =	vmul.f32 v6, v1;
	v4 =	vadd.f32 v5, v4;
	_ =	sdelay $0x1  }
0x107: {  	v5 =	vmul.f32 v7, v3;
	v4 =	vadd.f32 v6, v4;
	_ =	sdelay $0x1  }
0x108: {  	v4 =	vadd.f32 v5, v4;
	_ =	sdelay $0x1  }
0x109: {  	[tilespmem:s26+$0x20] =	vst v4  }
0x10a: {  	v4 =	vld [tilespmem:s29+$0x80]  }
0x10b: {  	v5 =	vld [tilespmem:s29+$0x90];
	_ =	sdelay $0x1  }
0x10c: {  	v6 =	vld [tilespmem:s29+$0xA0];
	_ =	sdelay $0x1  }
0x10d: {  	v7 =	vld [tilespmem:s29+$0xB0]  }
0x10e: {  	v4 =	vmul.f32 v4, v2;
	v5 =	vmul.f32 v5, v0;
	_ =	sdelay $0x1  }
0x10f: {  	v4 =	vadd.f32 v5, v4;
	v5 =	vmul.f32 v6, v1;
	_ =	sdelay $0x1  }
0x110: {  	v6 =	vmul.f32 v7, v3;
	v4 =	vadd.f32 v5, v4;
	_ =	sdelay $0x1  }
0x111: {  	v4 =	vadd.f32 v6, v4;
	_ =	sdelay $0x1  }
0x112: {  	[tilespmem:s26+$0x30] =	vst v4  }
0x113: {  	v4 =	vld [tilespmem:s29+$0xC0]  }
0x114: {  	v5 =	vld [tilespmem:s29+$0xD0];
	_ =	sdelay $0x1  }
0x115: {  	v6 =	vld [tilespmem:s29+$0xE0];
	_ =	sdelay $0x1  }
0x116: {  	v7 =	vld [tilespmem:s29+$0xF0]  }
0x117: {  	v4 =	vmul.f32 v4, v2;
	v5 =	vmul.f32 v5, v0;
	_ =	sdelay $0x1  }
0x118: {  	v4 =	vadd.f32 v5, v4;
	v5 =	vmul.f32 v6, v1;
	_ =	sdelay $0x1  }
0x119: {  	v4 =	vadd.f32 v5, v4;
	v5 =	vmul.f32 v7, v3;
	_ =	sdelay $0x1  }
0x11a: {  	v4 =	vadd.f32 v5, v4;
	_ =	sdelay $0x1  }
0x11b: {  	[tilespmem:s26+$0x40] =	vst v4  }
0x11c: {  	v4 =	vld [tilespmem:s29+$0x100]  }
0x11d: {  	v5 =	vld [tilespmem:s29+$0x110];
	_ =	sdelay $0x1  }
0x11e: {  	v6 =	vld [tilespmem:s29+$0x120];
	_ =	sdelay $0x1  }
0x11f: {  	v7 =	vld [tilespmem:s29+$0x130]  }
0x120: {  	v4 =	vmul.f32 v4, v2;
	v5 =	vmul.f32 v5, v0;
	_ =	sdelay $0x1  }
0x121: {  	v6 =	vmul.f32 v6, v1;
	v4 =	vadd.f32 v5, v4;
	_ =	sdelay $0x1  }
0x122: {  	v5 =	vmul.f32 v7, v3;
	v4 =	vadd.f32 v6, v4;
	_ =	sdelay $0x1  }
0x123: {  	v4 =	vadd.f32 v5, v4;
	_ =	sdelay $0x1  }
0x124: {  	[tilespmem:s26+$0x50] =	vst v4  }
0x125: {  	v4 =	vld [tilespmem:s29+$0x140]  }
0x126: {  	v5 =	vld [tilespmem:s29+$0x150];
	_ =	sdelay $0x1  }
0x127: {  	v6 =	vld [tilespmem:s29+$0x160];
	_ =	sdelay $0x1  }
0x128: {  	v7 =	vld [tilespmem:s29+$0x170]  }
0x129: {  	v4 =	vmul.f32 v4, v2;
	v5 =	vmul.f32 v5, v0;
	_ =	sdelay $0x1  }
0x12a: {  	v6 =	vmul.f32 v6, v1;
	v4 =	vadd.f32 v5, v4;
	_ =	sdelay $0x1  }
0x12b: {  	v5 =	vmul.f32 v7, v3;
	v4 =	vadd.f32 v6, v4;
	_ =	sdelay $0x1  }
0x12c: {  	v4 =	vadd.f32 v5, v4;
	_ =	sdelay $0x1  }
0x12d: {  	[tilespmem:s26+$0x60] =	vst v4  }
0x12e: {  	v4 =	vld [tilespmem:s29+$0x180]  }
0x12f: {  	v5 =	vld [tilespmem:s29+$0x190];
	_ =	sdelay $0x1  }
0x130: {  	v6 =	vld [tilespmem:s29+$0x1A0];
	_ =	sdelay $0x1  }
0x131: {  	v7 =	vld [tilespmem:s29+$0x1B0]  }
0x132: {  	v4 =	vmul.f32 v4, v2;
	v5 =	vmul.f32 v5, v0;
	_ =	sdelay $0x1  }
0x133: {  	v6 =	vmul.f32 v6, v1;
	v4 =	vadd.f32 v5, v4;
	_ =	sdelay $0x1  }
0x134: {  	v5 =	vmul.f32 v7, v3;
	v4 =	vadd.f32 v6, v4;
	_ =	sdelay $0x1  }
0x135: {  	v4 =	vadd.f32 v5, v4;
	_ =	sdelay $0x1  }
0x136: {  	[tilespmem:s26+$0x70] =	vst v4  }
0x137: {  	v4 =	vld [tilespmem:s29+$0x1C0]  }
0x138: {  	v5 =	vld [tilespmem:s29+$0x1D0];
	_ =	sdelay $0x1  }
0x139: {  	v6 =	vld [tilespmem:s29+$0x1E0];
	_ =	sdelay $0x1  }
0x13a: {  	v7 =	vld [tilespmem:s29+$0x1F0]  }
0x13b: {  	v4 =	vmul.f32 v4, v2;
	v5 =	vmul.f32 v5, v0;
	_ =	sdelay $0x1  }
0x13c: {  	v6 =	vmul.f32 v6, v1;
	v4 =	vadd.f32 v5, v4;
	_ =	sdelay $0x1  }
0x13d: {  	v5 =	vmul.f32 v7, v3;
	v4 =	vadd.f32 v6, v4;
	_ =	sdelay $0x1  }
0x13e: {  	v4 =	vadd.f32 v5, v4;
	_ =	sdelay $0x1  }
0x13f: {  	[tilespmem:s26+$0x80] =	vst v4  }
0x140: {  	v7 =	vld [tilespmem:s29+$0x200]  }
0x141: {  	v6 =	vld [tilespmem:s29+$0x210]  }
0x142: {  	v5 =	vld [tilespmem:s29+$0x220]  }
0x143: {  	v4 =	vld [tilespmem:s29+$0x230]  }
0x144: {  	s18 =	sadd.s32 $0x1, s18  }
0x145: {  	s30 =	simm.s32 $0xB360;
	s31 =	simm.s32 $0x1540;
	s0 =	simm.s32 $0x100;
	v7 =	vmul.f32 v7, v2  }
.LBB2_10:
0x146: {  	p2 =	sne.s32 s0, $0x1F00;
	v6 =	vmul.f32 v6, v0;
	s29 =	sadd.s32 $0x500, s29;
	s26 =	sadd.s32 $0x150, s26  }
0x147: {  	s4 =	smov.u32 s0;
	s0 =	sadd.s32 $0x100, s0;
	v5 =	vmul.f32 v5, v1  }
0x148: {  	v6 =	vadd.f32 v6, v7;
	v4 =	vmul.f32 v4, v3;
	_ =	sdelay $0x1  }
0x149: {  	v5 =	vadd.f32 v5, v6;
	_ =	sdelay $0x1  }
0x14a: {  	v4 =	vadd.f32 v4, v5;
	_ =	sdelay $0x1  }
0x14b: {  	[tilespmem:s30+$0x90] =	vst v4  }
0x14c: {  	v4 =	vld [tilespmem:s31+$0x240]  }
0x14d: {  	v5 =	vld [tilespmem:s31+$0x250]  }
0x14e: {  	v6 =	vld [tilespmem:s31+$0x260]  }
0x14f: {  	v7 =	vld [tilespmem:s31+$0x270];
	s31 =	smov.u32 s29;
	_ =	sdelay $0x1  }
0x150: {  	v2 =	vmul.f32 v4, v2  }
0x151: {  	v0 =	vmul.f32 v5, v0  }
0x152: {  	v1 =	vmul.f32 v6, v1  }
0x153: {  	v0 =	vadd.f32 v0, v2;
	v2 =	vmul.f32 v7, v3;
	_ =	sdelay $0x1  }
0x154: {  	v0 =	vadd.f32 v1, v0;
	_ =	sdelay $0x1  }
0x155: {  	v0 =	vadd.f32 v2, v0;
	_ =	sdelay $0x1  }
0x156: {  	s4 =	sshra.s32 s4, $0x2;
	[tilespmem:s30+$0xA0] =	vst v0;
	s30 =	smov.u32 s26  }
0x157: {  	v4 =	vld [tilespmem:s4+$0xAC0]  }
0x158: {  	v0 =	vld [tilespmem:s4+$0x2D0]  }
0x159: {  	v5 =	vld [tilespmem:s4+$0xAD0]  }
0x15a: {  	v2 =	vld [tilespmem:s4+$0x2C0]  }
0x15b: {  	v6 =	vld [tilespmem:s4+$0xAE0]  }
0x15c: {  	v1 =	vld [tilespmem:s4+$0x2E0]  }
0x15d: {  	v7 =	vld [tilespmem:s4+$0xAF0]  }
0x15e: {  	v3 =	vld [tilespmem:s4+$0x2F0]  }
0x15f: {  	v5 =	vmul.f32 v5, v0;
	v4 =	vmul.f32 v4, v2;
	_ =	sdelay $0x1  }
0x160: {  	v4 =	vadd.f32 v5, v4;
	v5 =	vmul.f32 v6, v1;
	_ =	sdelay $0x1  }
0x161: {  	v4 =	vadd.f32 v5, v4;
	v5 =	vmul.f32 v7, v3;
	_ =	sdelay $0x1  }
0x162: {  	v4 =	vadd.f32 v5, v4;
	_ =	sdelay $0x1  }
0x163: {  	[tilespmem:s26+$0xFFFFFF60] =	vst v4  }
0x164: {  	v4 =	vld [tilespmem:s29+$0xFFFFFD80]  }
0x165: {  	v5 =	vld [tilespmem:s29+$0xFFFFFD90];
	_ =	sdelay $0x1  }
0x166: {  	v6 =	vld [tilespmem:s29+$0xFFFFFDA0];
	_ =	sdelay $0x1  }
0x167: {  	v4 =	vmul.f32 v4, v2;
	v7 =	vld [tilespmem:s29+$0xFFFFFDB0]  }
0x168: {  	v5 =	vmul.f32 v5, v0;
	_ =	sdelay $0x1  }
0x169: {  	v4 =	vadd.f32 v5, v4;
	v5 =	vmul.f32 v6, v1;
	_ =	sdelay $0x1  }
0x16a: {  	v4 =	vadd.f32 v5, v4;
	v5 =	vmul.f32 v7, v3;
	_ =	sdelay $0x1  }
0x16b: {  	v4 =	vadd.f32 v5, v4;
	_ =	sdelay $0x1  }
0x16c: {  	[tilespmem:s26+$0xFFFFFF70] =	vst v4  }
0x16d: {  	v4 =	vld [tilespmem:s29+$0xFFFFFDC0]  }
0x16e: {  	v5 =	vld [tilespmem:s29+$0xFFFFFDD0];
	_ =	sdelay $0x1  }
0x16f: {  	v6 =	vld [tilespmem:s29+$0xFFFFFDE0];
	_ =	sdelay $0x1  }
0x170: {  	v4 =	vmul.f32 v4, v2;
	v7 =	vld [tilespmem:s29+$0xFFFFFDF0]  }
0x171: {  	v5 =	vmul.f32 v5, v0;
	_ =	sdelay $0x1  }
0x172: {  	v4 =	vadd.f32 v5, v4;
	v5 =	vmul.f32 v6, v1;
	_ =	sdelay $0x1  }
0x173: {  	v4 =	vadd.f32 v5, v4;
	v5 =	vmul.f32 v7, v3;
	_ =	sdelay $0x1  }
0x174: {  	v4 =	vadd.f32 v5, v4;
	_ =	sdelay $0x1  }
0x175: {  	[tilespmem:s26+$0xFFFFFF80] =	vst v4  }
0x176: {  	v4 =	vld [tilespmem:s29+$0xFFFFFE00]  }
0x177: {  	v5 =	vld [tilespmem:s29+$0xFFFFFE10]  }
0x178: {  	v6 =	vld [tilespmem:s29+$0xFFFFFE20]  }
0x179: {  	v7 =	vld [tilespmem:s29+$0xFFFFFE30];
	_ =	sdelay $0x1  }
0x17a: {  	v4 =	vmul.f32 v4, v2  }
0x17b: {  	v5 =	vmul.f32 v5, v0  }
0x17c: {  	v6 =	vmul.f32 v6, v1  }
0x17d: {  	v4 =	vadd.f32 v5, v4;
	v5 =	vmul.f32 v7, v3;
	_ =	sdelay $0x1  }
0x17e: {  	v4 =	vadd.f32 v6, v4;
	_ =	sdelay $0x1  }
0x17f: {  	v4 =	vadd.f32 v5, v4;
	_ =	sdelay $0x1  }
0x180: {  	[tilespmem:s26+$0xFFFFFF90] =	vst v4  }
0x181: {  	v4 =	vld [tilespmem:s29+$0xFFFFFE40]  }
0x182: {  	v5 =	vld [tilespmem:s29+$0xFFFFFE50];
	_ =	sdelay $0x1  }
0x183: {  	v6 =	vld [tilespmem:s29+$0xFFFFFE60];
	_ =	sdelay $0x1  }
0x184: {  	v4 =	vmul.f32 v4, v2;
	v7 =	vld [tilespmem:s29+$0xFFFFFE70]  }
0x185: {  	v5 =	vmul.f32 v5, v0;
	_ =	sdelay $0x1  }
0x186: {  	v4 =	vadd.f32 v5, v4;
	v5 =	vmul.f32 v6, v1;
	_ =	sdelay $0x1  }
0x187: {  	v4 =	vadd.f32 v5, v4;
	v5 =	vmul.f32 v7, v3;
	_ =	sdelay $0x1  }
0x188: {  	v4 =	vadd.f32 v5, v4;
	_ =	sdelay $0x1  }
0x189: {  	[tilespmem:s26+$0xFFFFFFA0] =	vst v4  }
0x18a: {  	v4 =	vld [tilespmem:s29+$0xFFFFFE80]  }
0x18b: {  	v5 =	vld [tilespmem:s29+$0xFFFFFE90]  }
0x18c: {  	v6 =	vld [tilespmem:s29+$0xFFFFFEA0]  }
0x18d: {  	v7 =	vld [tilespmem:s29+$0xFFFFFEB0];
	_ =	sdelay $0x1  }
0x18e: {  	v4 =	vmul.f32 v4, v2  }
0x18f: {  	v5 =	vmul.f32 v5, v0  }
0x190: {  	v6 =	vmul.f32 v6, v1  }
0x191: {  	v4 =	vadd.f32 v5, v4;
	v5 =	vmul.f32 v7, v3;
	_ =	sdelay $0x1  }
0x192: {  	v4 =	vadd.f32 v6, v4;
	_ =	sdelay $0x1  }
0x193: {  	v4 =	vadd.f32 v5, v4;
	_ =	sdelay $0x1  }
0x194: {  	[tilespmem:s26+$0xFFFFFFB0] =	vst v4  }
0x195: {  	v4 =	vld [tilespmem:s29+$0xFFFFFEC0]  }
0x196: {  	v5 =	vld [tilespmem:s29+$0xFFFFFED0]  }
0x197: {  	v6 =	vld [tilespmem:s29+$0xFFFFFEE0]  }
0x198: {  	v7 =	vld [tilespmem:s29+$0xFFFFFEF0];
	_ =	sdelay $0x1  }
0x199: {  	v4 =	vmul.f32 v4, v2  }
0x19a: {  	v5 =	vmul.f32 v5, v0  }
0x19b: {  	v6 =	vmul.f32 v6, v1  }
0x19c: {  	v4 =	vadd.f32 v5, v4;
	v5 =	vmul.f32 v7, v3;
	_ =	sdelay $0x1  }
0x19d: {  	v4 =	vadd.f32 v6, v4;
	_ =	sdelay $0x1  }
0x19e: {  	v4 =	vadd.f32 v5, v4;
	_ =	sdelay $0x1  }
0x19f: {  	[tilespmem:s26+$0xFFFFFFC0] =	vst v4  }
0x1a0: {  	v4 =	vld [tilespmem:s29+$0xFFFFFF00]  }
0x1a1: {  	v5 =	vld [tilespmem:s29+$0xFFFFFF10]  }
0x1a2: {  	v6 =	vld [tilespmem:s29+$0xFFFFFF20]  }
0x1a3: {  	v7 =	vld [tilespmem:s29+$0xFFFFFF30];
	_ =	sdelay $0x1  }
0x1a4: {  	v4 =	vmul.f32 v4, v2  }
0x1a5: {  	v5 =	vmul.f32 v5, v0  }
0x1a6: {  	v6 =	vmul.f32 v6, v1  }
0x1a7: {  	v4 =	vadd.f32 v5, v4;
	v5 =	vmul.f32 v7, v3;
	_ =	sdelay $0x1  }
0x1a8: {  	v4 =	vadd.f32 v6, v4;
	_ =	sdelay $0x1  }
0x1a9: {  	v4 =	vadd.f32 v5, v4;
	_ =	sdelay $0x1  }
0x1aa: {  	[tilespmem:s26+$0xFFFFFFD0] =	vst v4  }
0x1ab: {  	v4 =	vld [tilespmem:s29+$0xFFFFFF40]  }
0x1ac: {  	v5 =	vld [tilespmem:s29+$0xFFFFFF50]  }
0x1ad: {  	v6 =	vld [tilespmem:s29+$0xFFFFFF60]  }
0x1ae: {  	v7 =	vld [tilespmem:s29+$0xFFFFFF70];
	_ =	sdelay $0x1  }
0x1af: {  	v4 =	vmul.f32 v4, v2  }
0x1b0: {  	v5 =	vmul.f32 v5, v0  }
0x1b1: {  	v6 =	vmul.f32 v6, v1  }
0x1b2: {  	v4 =	vadd.f32 v5, v4;
	v5 =	vmul.f32 v7, v3;
	_ =	sdelay $0x1  }
0x1b3: {  	v4 =	vadd.f32 v6, v4;
	_ =	sdelay $0x1  }
0x1b4: {  	v4 =	vadd.f32 v5, v4;
	_ =	sdelay $0x1  }
0x1b5: {  	[tilespmem:s26+$0xFFFFFFE0] =	vst v4  }
0x1b6: {  	v4 =	vld [tilespmem:s29+$0xFFFFFF80]  }
0x1b7: {  	v5 =	vld [tilespmem:s29+$0xFFFFFF90]  }
0x1b8: {  	v6 =	vld [tilespmem:s29+$0xFFFFFFB0]  }
0x1b9: {  	v7 =	vld [tilespmem:s29+$0xFFFFFFA0];
	_ =	sdelay $0x1  }
0x1ba: {  	v4 =	vmul.f32 v4, v2  }
0x1bb: {  	v5 =	vmul.f32 v5, v0  }
0x1bc: {  	v6 =	vmul.f32 v6, v3  }
0x1bd: {  	v4 =	vadd.f32 v5, v4;
	v5 =	vmul.f32 v7, v1;
	_ =	sdelay $0x1  }
0x1be: {  	v4 =	vadd.f32 v5, v4;
	_ =	sdelay $0x1  }
0x1bf: {  	v4 =	vadd.f32 v6, v4;
	_ =	sdelay $0x1  }
0x1c0: {  	[tilespmem:s26+$0xFFFFFFF0] =	vst v4  }
0x1c1: {  	v4 =	vld [tilespmem:s29+$0xFFFFFFC0]  }
0x1c2: {  	v5 =	vld [tilespmem:s29+$0xFFFFFFD0]  }
0x1c3: {  	v6 =	vld [tilespmem:s29+$0xFFFFFFE0]  }
0x1c4: {  	v7 =	vld [tilespmem:s29+$0xFFFFFFF0];
	_ =	sdelay $0x1  }
0x1c5: {  	v4 =	vmul.f32 v4, v2  }
0x1c6: {  	v5 =	vmul.f32 v5, v0  }
0x1c7: {  	v6 =	vmul.f32 v6, v1  }
0x1c8: {  	v4 =	vadd.f32 v5, v4;
	v5 =	vmul.f32 v7, v3;
	_ =	sdelay $0x1  }
0x1c9: {  	v4 =	vadd.f32 v6, v4;
	_ =	sdelay $0x1  }
0x1ca: {  	v4 =	vadd.f32 v5, v4;
	_ =	sdelay $0x1  }
0x1cb: {  	[tilespmem:s26+$0x0] =	vst v4  }
0x1cc: {  	v4 =	vld [tilespmem:s29+$0x0]  }
0x1cd: {  	v5 =	vld [tilespmem:s29+$0x10]  }
0x1ce: {  	v6 =	vld [tilespmem:s29+$0x20]  }
0x1cf: {  	v7 =	vld [tilespmem:s29+$0x30];
	_ =	sdelay $0x1  }
0x1d0: {  	v4 =	vmul.f32 v4, v2  }
0x1d1: {  	v5 =	vmul.f32 v5, v0  }
0x1d2: {  	v6 =	vmul.f32 v6, v1  }
0x1d3: {  	v4 =	vadd.f32 v5, v4;
	v5 =	vmul.f32 v7, v3;
	_ =	sdelay $0x1  }
0x1d4: {  	v4 =	vadd.f32 v6, v4;
	_ =	sdelay $0x1  }
0x1d5: {  	v4 =	vadd.f32 v5, v4;
	_ =	sdelay $0x1  }
0x1d6: {  	[tilespmem:s26+$0x10] =	vst v4  }
0x1d7: {  	v4 =	vld [tilespmem:s29+$0x40]  }
0x1d8: {  	v5 =	vld [tilespmem:s29+$0x50]  }
0x1d9: {  	v6 =	vld [tilespmem:s29+$0x60]  }
0x1da: {  	v7 =	vld [tilespmem:s29+$0x70];
	_ =	sdelay $0x1  }
0x1db: {  	v4 =	vmul.f32 v4, v2  }
0x1dc: {  	v5 =	vmul.f32 v5, v0  }
0x1dd: {  	v6 =	vmul.f32 v6, v1  }
0x1de: {  	v4 =	vadd.f32 v5, v4;
	v5 =	vmul.f32 v7, v3;
	_ =	sdelay $0x1  }
0x1df: {  	v4 =	vadd.f32 v6, v4;
	_ =	sdelay $0x1  }
0x1e0: {  	v4 =	vadd.f32 v5, v4;
	_ =	sdelay $0x1  }
0x1e1: {  	[tilespmem:s26+$0x20] =	vst v4  }
0x1e2: {  	v4 =	vld [tilespmem:s29+$0x80]  }
0x1e3: {  	v5 =	vld [tilespmem:s29+$0x90]  }
0x1e4: {  	v6 =	vld [tilespmem:s29+$0xA0]  }
0x1e5: {  	v7 =	vld [tilespmem:s29+$0xB0];
	_ =	sdelay $0x1  }
0x1e6: {  	v4 =	vmul.f32 v4, v2  }
0x1e7: {  	v5 =	vmul.f32 v5, v0;
	_ =	sdelay $0x1  }
0x1e8: {  	v4 =	vadd.f32 v5, v4;
	v5 =	vmul.f32 v6, v1;
	v6 =	vmul.f32 v7, v3;
	_ =	sdelay $0x1  }
0x1e9: {  	v4 =	vadd.f32 v5, v4;
	_ =	sdelay $0x1  }
0x1ea: {  	v4 =	vadd.f32 v6, v4;
	_ =	sdelay $0x1  }
0x1eb: {  	[tilespmem:s26+$0x30] =	vst v4  }
0x1ec: {  	v4 =	vld [tilespmem:s29+$0xC0]  }
0x1ed: {  	v5 =	vld [tilespmem:s29+$0xD0]  }
0x1ee: {  	v6 =	vld [tilespmem:s29+$0xF0]  }
0x1ef: {  	v7 =	vld [tilespmem:s29+$0xE0];
	_ =	sdelay $0x1  }
0x1f0: {  	v4 =	vmul.f32 v4, v2  }
0x1f1: {  	v5 =	vmul.f32 v5, v0;
	_ =	sdelay $0x1  }
0x1f2: {  	v4 =	vadd.f32 v5, v4;
	v5 =	vmul.f32 v7, v1;
	_ =	sdelay $0x1  }
0x1f3: {  	v4 =	vadd.f32 v5, v4;
	v5 =	vmul.f32 v6, v3;
	_ =	sdelay $0x1  }
0x1f4: {  	v4 =	vadd.f32 v5, v4;
	_ =	sdelay $0x1  }
0x1f5: {  	[tilespmem:s26+$0x40] =	vst v4  }
0x1f6: {  	v4 =	vld [tilespmem:s29+$0x100]  }
0x1f7: {  	v5 =	vld [tilespmem:s29+$0x110]  }
0x1f8: {  	v6 =	vld [tilespmem:s29+$0x120]  }
0x1f9: {  	v7 =	vld [tilespmem:s29+$0x130];
	_ =	sdelay $0x1  }
0x1fa: {  	v4 =	vmul.f32 v4, v2  }
0x1fb: {  	v5 =	vmul.f32 v5, v0  }
0x1fc: {  	v6 =	vmul.f32 v6, v1  }
0x1fd: {  	v4 =	vadd.f32 v5, v4;
	v5 =	vmul.f32 v7, v3;
	_ =	sdelay $0x1  }
0x1fe: {  	v4 =	vadd.f32 v6, v4;
	_ =	sdelay $0x1  }
0x1ff: {  	v4 =	vadd.f32 v5, v4;
	_ =	sdelay $0x1  }
0x200: {  	[tilespmem:s26+$0x50] =	vst v4  }
0x201: {  	v4 =	vld [tilespmem:s29+$0x140]  }
0x202: {  	v5 =	vld [tilespmem:s29+$0x150]  }
0x203: {  	v6 =	vld [tilespmem:s29+$0x160]  }
0x204: {  	v7 =	vld [tilespmem:s29+$0x170];
	_ =	sdelay $0x1  }
0x205: {  	v4 =	vmul.f32 v4, v2  }
0x206: {  	v5 =	vmul.f32 v5, v0  }
0x207: {  	v6 =	vmul.f32 v6, v1  }
0x208: {  	v4 =	vadd.f32 v5, v4;
	v5 =	vmul.f32 v7, v3;
	_ =	sdelay $0x1  }
0x209: {  	v4 =	vadd.f32 v6, v4;
	_ =	sdelay $0x1  }
0x20a: {  	v4 =	vadd.f32 v5, v4;
	_ =	sdelay $0x1  }
0x20b: {  	[tilespmem:s26+$0x60] =	vst v4  }
0x20c: {  	v4 =	vld [tilespmem:s29+$0x180]  }
0x20d: {  	v5 =	vld [tilespmem:s29+$0x190]  }
0x20e: {  	v6 =	vld [tilespmem:s29+$0x1A0]  }
0x20f: {  	v7 =	vld [tilespmem:s29+$0x1B0];
	_ =	sdelay $0x1  }
0x210: {  	v4 =	vmul.f32 v4, v2  }
0x211: {  	v5 =	vmul.f32 v5, v0  }
0x212: {  	v6 =	vmul.f32 v6, v1  }
0x213: {  	v4 =	vadd.f32 v5, v4;
	v5 =	vmul.f32 v7, v3;
	_ =	sdelay $0x1  }
0x214: {  	v4 =	vadd.f32 v6, v4;
	_ =	sdelay $0x1  }
0x215: {  	v4 =	vadd.f32 v5, v4;
	_ =	sdelay $0x1  }
0x216: {  	[tilespmem:s26+$0x70] =	vst v4  }
0x217: {  	v4 =	vld [tilespmem:s29+$0x1C0]  }
0x218: {  	v5 =	vld [tilespmem:s29+$0x1D0]  }
0x219: {  	v6 =	vld [tilespmem:s29+$0x1E0]  }
0x21a: {  	v7 =	vld [tilespmem:s29+$0x1F0];
	_ =	sdelay $0x1  }
0x21b: {  	v4 =	vmul.f32 v4, v2  }
0x21c: {  	v5 =	vmul.f32 v5, v0  }
0x21d: {  	v6 =	vmul.f32 v6, v1  }
0x21e: {  	v4 =	vadd.f32 v5, v4;
	v5 =	vmul.f32 v7, v3;
	_ =	sdelay $0x1  }
0x21f: {  	v4 =	vadd.f32 v6, v4;
	_ =	sdelay $0x1  }
0x220: {  	v4 =	vadd.f32 v5, v4;
	_ =	sdelay $0x1  }
0x221: {  	[tilespmem:s26+$0x80] =	vst v4  }
0x222: {  	v7 =	vld [tilespmem:s29+$0x200]  }
.Ltmp4:
0x223: {  	v6 =	vld [tilespmem:s29+$0x210];
	(pc) =	sbr.rel @p2 .LBB2_10-.Ltmp4, $3  }
0x224: {  	v5 =	vld [tilespmem:s29+$0x220]  }
0x225: {  	v4 =	vld [tilespmem:s29+$0x230];
	_ =	sdelay $0x1  }
0x226: {  	v7 =	vmul.f32 v7, v2  }
0x227: {  	v6 =	vmul.f32 v6, v0;
	_ =	sdelay $0x1  }
0x228: {  	v5 =	vmul.f32 v5, v1;
	v6 =	vadd.f32 v6, v7;
	_ =	sdelay $0x1  }
0x229: {  	v4 =	vmul.f32 v4, v3;
	v5 =	vadd.f32 v5, v6;
	_ =	sdelay $0x1  }
0x22a: {  	v4 =	vadd.f32 v4, v5;
	_ =	sdelay $0x1  }
0x22b: {  	[tilespmem:s30+$0x90] =	vst v4  }
0x22c: {  	v4 =	vld [tilespmem:s31+$0x240]  }
0x22d: {  	v58 =	vld [tilespmem:s31+$0x250];
	_ =	sdelay $0x1  }
0x22e: {  	v59 =	vld [tilespmem:s31+$0x260];
	_ =	sdelay $0x1  }
0x22f: {  	v60 =	vld [tilespmem:s31+$0x270]  }
0x230: {  	v2 =	vmul.f32 v4, v2;
	v61 =	vmul.f32 v58, v0;
	_ =	sdelay $0x1  }
0x231: {  	v62 =	vmul.f32 v59, v1;
	v0 =	vadd.f32 v61, v2;
	_ =	sdelay $0x1  }
0x232: {  	v63 =	vmul.f32 v60, v3;
	v0 =	vadd.f32 v62, v0  }
.Ltmp5:
0x233: {  	s0 =	sadd.s32 s9, s25;
	(pc) =	sbr.rel @!p1 .LBB2_12-.Ltmp5, $3  }
0x234: {  	s0 =	smul.u32 $0x540, s0;
	v0 =	vadd.f32 v63, v0;
	_ =	sdelay $0x1  }
0x235: {  	s0 =	sadd.s32 s8, s0;
	[tilespmem:s30+$0xA0] =	vst v0  }
0x236: {  	[hbm4b:s0+s3] =	stream.linear.scatter [tilespmem:s13], [sflag:$0x3], $0x2A00, $0x38;
	[tilespmem:$0x1B980] =	vst v63  }
0x237: {  	_ =	swait.ge [sflag:s20], $0x800  }
0x238: {  	[sflag:s20] =	ssyncset.done $0x0  }
0x239: {  	[sflag:s20] =	ssyncadd.s32 $0xFFFFF800  }
0x23a: {  	_ =	swait.ge [sflag:s20], $0x800  }
.Ltmp6:
0x23b: {  	[sflag:s20] =	ssyncset.done $0x0;
	(pc) =	sbr.rel .LBB2_16-.Ltmp6, $4  }
0x23c: {  	[sflag:s20] =	ssyncadd.s32 $0xFFFFF800  }
0x23d: {  	_ =	swait.ge [sflag:s20], $0xA000  }
0x23e: {  	[sflag:s20] =	ssyncset.done $0x0  }
0x23f: {  	[sflag:s20] =	ssyncadd.s32 $0xFFFF6000  }
.LBB2_12:
0x240: {  	_ =	swait.ge [sflag:s24], $0x20  }
0x241: {  	[sflag:s24] =	ssyncset.done $0x0  }
0x242: {  	[sflag:s24] =	ssyncadd.s32 $0xFFFFFFE0  }
0x243: {  	_ =	swait.ge [sflag:s24], $0x20  }
0x244: {  	[sflag:s24] =	ssyncset.done $0x0  }
0x245: {  	[sflag:s24] =	ssyncadd.s32 $0xFFFFFFE0  }
0x246: {  	_ =	swait.ge [sflag:s24], $0x280  }
0x247: {  	[sflag:s24] =	ssyncset.done $0x0  }
0x248: {  	[sflag:s24] =	ssyncadd.s32 $0xFFFFFD80  }
0x249: {  	v0 =	vld [tilespmem:$0x0]  }
0x24a: {  	v1 =	vld [tilespmem:$0x10]  }
0x24b: {  	v2 =	vld [tilespmem:$0x20]  }
0x24c: {  	v3 =	vld [tilespmem:$0x30];
	_ =	sdelay $0x2  }
0x24d: {  	vm0 =	vlt.s32 v0, $0x78000;
	v0 =	vshll.u32 v0, $0x1;
	v4 =	vshll.u32 v1, $0x1  }
0x24e: {  	vm1 =	vlt.s32 v1, $0x78000;
	v59 =	vshll.u32 v2, $0x1;
	v5 =	vadd.s32 $0xFFF10001, v0  }
0x24f: {  	v61 =	vshll.u32 v3, $0x1;
	v58 =	vadd.s32 $0xFFF10001, v4;
	v0 =	vsel vm0, v0, v5  }
0x250: {  	vm15 =	vlt.s32 v3, $0x78000;
	v62 =	vadd.s32 $0xFFF10001, v61;
	v1 =	vsel vm1, v4, v58;
	[tilespmem:$0x0] =	vst v0  }
0x251: {  	vm14 =	vlt.s32 v2, $0x78000;
	v60 =	vadd.s32 $0xFFF10001, v59;
	v63 =	vsel vm15, v61, v62;
	[tilespmem:$0x10] =	vst v1  }
0x252: {  	v0 =	vsel vm14, v59, v60;
	[tilespmem:$0x30] =	vst v63  }
0x253: {  	s0 =	simm.s32 $0x0;
	s26 =	simm.s32 $0x40;
	[tilespmem:$0x20] =	vst v0  }
.LBB2_13:
0x254: {  	p1 =	sne.s32 s26, $0x9C0;
	v0 =	vld [tilespmem:s0+$0x40];
	_ =	sdelay $0x3  }
.Ltmp7:
0x255: {  	(pc) =	sbr.rel @p1 .LBB2_13-.Ltmp7, $4  }
0x256: {  	v1 =	vshll.u32 v0, $0x1  }
0x257: {  	vm0 =	vlt.s32 v0, $0x78000;
	v0 =	vadd.s32 $0xFFF10001, v1  }
0x258: {  	v0 =	vsel vm0, v1, v0  }
0x259: {  	[tilespmem:s0+$0x40] =	vst v0;
	s0 =	sshra.s32 s26, $0x2;
	s26 =	sadd.s32 $0x40, s26  }
0x25a: {  	v0 =	vld [tilespmem:s0+$0x40];
	_ =	sdelay $0x4  }
0x25b: {  	v1 =	vshll.u32 v0, $0x1  }
0x25c: {  	vm0 =	vlt.s32 v0, $0x78000;
	v63 =	vadd.s32 $0xFFF10001, v1  }
0x25d: {  	v0 =	vsel vm0, v1, v63  }
0x25e: {  	s4 =	simm.s32 $0x2C0;
	[tilespmem:s0+$0x40] =	vst v0  }
0x25f: {  	[tilespmem:s4], [sflag:$0x2] =	stream.indirect.gather [hbm4b:s6+s19], $0x40, s3, s19, $0xb8;
	[tilespmem:$0x1B980] =	vst v63  }
0x260: {  	s26 =	simm.s32 $0xAC0  }
0x261: {  	[tilespmem:s26], [sflag:$0x2] =	stream.indirect.gather [hbm4b:s7+s19], $0x40, s19, s19, $0xb8;
	[tilespmem:$0x1B980] =	vst v63  }
0x262: {  	s29 =	simm.s32 $0x40;
	s4 =	simm.s32 $0x12C0  }
0x263: {  	[tilespmem:s4], [sflag:$0x2] =	stream.indirect.gather [hbm4b:s7+s28], $0x40, s29, s28, $0xb8;
	[tilespmem:$0x1B980] =	vst v63  }
0x264: {  	s30 =	simm.s32 $0xC0;
	s31 =	simm.s32 $0x32C0  }
0x265: {  	[tilespmem:s31], [sflag:$0x2] =	stream.indirect.gather [hbm4b:s7+s28], $0x40, s30, s28, $0xb8;
	[tilespmem:$0x1B980] =	vst v63  }
0x266: {  	s26 =	simm.s32 $0x140;
	s29 =	simm.s32 $0x52C0  }
0x267: {  	[tilespmem:s29], [sflag:$0x2] =	stream.indirect.gather [hbm4b:s7+s28], $0x40, s26, s28, $0xb8;
	[tilespmem:$0x1B980] =	vst v63  }
0x268: {  	s30 =	simm.s32 $0x1C0;
	s31 =	simm.s32 $0x72C0  }
0x269: {  	[tilespmem:s31], [sflag:$0x2] =	stream.indirect.gather [hbm4b:s7+s28], $0x40, s30, s28, $0xb8;
	[tilespmem:$0x1B980] =	vst v63  }
0x26a: {  	s26 =	simm.s32 $0x240;
	s29 =	simm.s32 $0x92C0  }
0x26b: {  	[tilespmem:s29], [sflag:$0x2] =	stream.indirect.gather [hbm4b:s7+s28], $0x40, s26, s28, $0xb8;
	[tilespmem:$0x1B980] =	vst v63  }
0x26c: {  	_ =	swait.ge [sflag:s20], $0x800  }
0x26d: {  	[sflag:s20] =	ssyncset.done $0x0  }
0x26e: {  	[sflag:s20] =	ssyncadd.s32 $0xFFFFF800  }
0x26f: {  	_ =	swait.ge [sflag:s20], $0x800  }
0x270: {  	[sflag:s20] =	ssyncset.done $0x0;
	s30 =	rddreg [dreg:$0xa]  }
0x271: {  	[sflag:s20] =	ssyncadd.s32 $0xFFFFF800;
	s0 =	sadd.s32 s25, s30  }
0x272: {  	_ =	swait.ge [sflag:s20], $0xA000;
	s31 =	sshll.u32 s0, $0x2  }
0x273: {  	[sflag:s20] =	ssyncset.done $0x0;
	s4 =	sand.u32 $0x1FFFFFFC, s31  }
0x274: {  	[sflag:s20] =	ssyncadd.s32 $0xFFFF6000;
	s26 =	sadd.s32 s1, s4  }
0x275: {  	[tilespmem:s21], [sflag:$0x4] =	stream.linear.gather [hbm4b:s26+s3], $0x20, $0x38;
	[tilespmem:$0x1B980] =	vst v63  }
0x276: {  	s0 =	smul.u32 $0x50, s0;
	s4 =	sadd.s32 s2, s4  }
0x277: {  	[tilespmem:s22], [sflag:$0x4] =	stream.linear.gather [hbm4b:s4+s3], $0x20, $0x38;
	[tilespmem:$0x1B980] =	vst v63  }
0x278: {  	s0 =	sadd.s32 s5, s0  }
0x279: {  	[tilespmem:s23], [sflag:$0x4] =	stream.linear.gather [hbm4b:s0+s3], $0x280, $0x38;
	[tilespmem:$0x1B980] =	vst v63  }
.LBB2_16:
0x27a: {  	s0 =	simm.s32 @!p0 $0x6  }
0x27b: {  	_ =	swait.ge @!p0 [sflag:s0], $0x2A00  }
0x27c: {  	[sflag:s0] =	ssyncset.done @!p0 $0x0  }
0x27d: {  	s26 =	simm.s32 $0x0;
	[sflag:s0] =	ssyncadd.s32 @!p0 $0xFFFFD600  }
0x27e: {  	v4 =	vld [tilespmem:s26+$0xE780]  }
0x27f: {  	v0 =	vld [tilespmem:s26+$0xDF90]  }
0x280: {  	v5 =	vld [tilespmem:s26+$0xE790]  }
0x281: {  	v2 =	vld [tilespmem:s26+$0xDF80]  }
0x282: {  	v6 =	vld [tilespmem:s26+$0xE7A0]  }
0x283: {  	v1 =	vld [tilespmem:s26+$0xDFA0]  }
0x284: {  	v7 =	vld [tilespmem:s26+$0xE7B0]  }
0x285: {  	v3 =	vld [tilespmem:s26+$0xDFB0]  }
0x286: {  	v4 =	vmul.f32 v4, v2;
	v5 =	vmul.f32 v5, v0;
	_ =	sdelay $0x1  }
0x287: {  	v4 =	vadd.f32 v5, v4;
	v5 =	vmul.f32 v6, v1;
	_ =	sdelay $0x1  }
0x288: {  	v4 =	vadd.f32 v5, v4;
	v5 =	vmul.f32 v7, v3;
	_ =	sdelay $0x1  }
0x289: {  	v4 =	vadd.f32 v5, v4  }
0x28a: {  	s26 =	simm.s32 $0x19020  }
0x28b: {  	s29 =	simm.s32 $0xF200;
	[tilespmem:s26+$0xFFFFFF60] =	vst v4  }
0x28c: {  	v4 =	vld [tilespmem:s29+$0xFFFFFD80]  }
0x28d: {  	v5 =	vld [tilespmem:s29+$0xFFFFFD90];
	_ =	sdelay $0x1  }
0x28e: {  	v6 =	vld [tilespmem:s29+$0xFFFFFDA0];
	_ =	sdelay $0x1  }
0x28f: {  	v7 =	vld [tilespmem:s29+$0xFFFFFDB0]  }
0x290: {  	v4 =	vmul.f32 v4, v2;
	v5 =	vmul.f32 v5, v0;
	_ =	sdelay $0x1  }
0x291: {  	v4 =	vadd.f32 v5, v4;
	v5 =	vmul.f32 v6, v1;
	_ =	sdelay $0x1  }
0x292: {  	v4 =	vadd.f32 v5, v4;
	v5 =	vmul.f32 v7, v3;
	_ =	sdelay $0x1  }
0x293: {  	v4 =	vadd.f32 v5, v4;
	_ =	sdelay $0x1  }
0x294: {  	[tilespmem:s26+$0xFFFFFF70] =	vst v4  }
0x295: {  	v4 =	vld [tilespmem:s29+$0xFFFFFDC0]  }
0x296: {  	v5 =	vld [tilespmem:s29+$0xFFFFFDD0];
	_ =	sdelay $0x1  }
0x297: {  	v6 =	vld [tilespmem:s29+$0xFFFFFDE0];
	_ =	sdelay $0x1  }
0x298: {  	v7 =	vld [tilespmem:s29+$0xFFFFFDF0]  }
0x299: {  	v4 =	vmul.f32 v4, v2;
	v5 =	vmul.f32 v5, v0;
	_ =	sdelay $0x1  }
0x29a: {  	v4 =	vadd.f32 v5, v4;
	v5 =	vmul.f32 v6, v1;
	_ =	sdelay $0x1  }
0x29b: {  	v4 =	vadd.f32 v5, v4;
	v5 =	vmul.f32 v7, v3;
	_ =	sdelay $0x1  }
0x29c: {  	v4 =	vadd.f32 v5, v4;
	_ =	sdelay $0x1  }
0x29d: {  	[tilespmem:s26+$0xFFFFFF80] =	vst v4  }
0x29e: {  	v4 =	vld [tilespmem:s29+$0xFFFFFE00]  }
0x29f: {  	v5 =	vld [tilespmem:s29+$0xFFFFFE10];
	_ =	sdelay $0x1  }
0x2a0: {  	v6 =	vld [tilespmem:s29+$0xFFFFFE20];
	_ =	sdelay $0x1  }
0x2a1: {  	v7 =	vld [tilespmem:s29+$0xFFFFFE30]  }
0x2a2: {  	v4 =	vmul.f32 v4, v2;
	v5 =	vmul.f32 v5, v0;
	_ =	sdelay $0x1  }
0x2a3: {  	v6 =	vmul.f32 v6, v1;
	v4 =	vadd.f32 v5, v4;
	_ =	sdelay $0x1  }
0x2a4: {  	v5 =	vmul.f32 v7, v3;
	v4 =	vadd.f32 v6, v4;
	_ =	sdelay $0x1  }
0x2a5: {  	v4 =	vadd.f32 v5, v4;
	_ =	sdelay $0x1  }
0x2a6: {  	[tilespmem:s26+$0xFFFFFF90] =	vst v4  }
0x2a7: {  	v4 =	vld [tilespmem:s29+$0xFFFFFE40]  }
0x2a8: {  	v5 =	vld [tilespmem:s29+$0xFFFFFE50];
	_ =	sdelay $0x1  }
0x2a9: {  	v6 =	vld [tilespmem:s29+$0xFFFFFE60];
	_ =	sdelay $0x1  }
0x2aa: {  	v7 =	vld [tilespmem:s29+$0xFFFFFE70]  }
0x2ab: {  	v4 =	vmul.f32 v4, v2;
	v5 =	vmul.f32 v5, v0;
	_ =	sdelay $0x1  }
0x2ac: {  	v4 =	vadd.f32 v5, v4;
	v5 =	vmul.f32 v6, v1;
	_ =	sdelay $0x1  }
0x2ad: {  	v4 =	vadd.f32 v5, v4;
	v5 =	vmul.f32 v7, v3;
	_ =	sdelay $0x1  }
0x2ae: {  	v4 =	vadd.f32 v5, v4;
	_ =	sdelay $0x1  }
0x2af: {  	[tilespmem:s26+$0xFFFFFFA0] =	vst v4  }
0x2b0: {  	v4 =	vld [tilespmem:s29+$0xFFFFFE80]  }
0x2b1: {  	v5 =	vld [tilespmem:s29+$0xFFFFFE90];
	_ =	sdelay $0x1  }
0x2b2: {  	v6 =	vld [tilespmem:s29+$0xFFFFFEA0];
	_ =	sdelay $0x1  }
0x2b3: {  	v7 =	vld [tilespmem:s29+$0xFFFFFEB0]  }
0x2b4: {  	v4 =	vmul.f32 v4, v2;
	v5 =	vmul.f32 v5, v0;
	_ =	sdelay $0x1  }
0x2b5: {  	v6 =	vmul.f32 v6, v1;
	v4 =	vadd.f32 v5, v4;
	_ =	sdelay $0x1  }
0x2b6: {  	v5 =	vmul.f32 v7, v3;
	v4 =	vadd.f32 v6, v4;
	_ =	sdelay $0x1  }
0x2b7: {  	v4 =	vadd.f32 v5, v4;
	_ =	sdelay $0x1  }
0x2b8: {  	[tilespmem:s26+$0xFFFFFFB0] =	vst v4  }
0x2b9: {  	v4 =	vld [tilespmem:s29+$0xFFFFFEC0]  }
0x2ba: {  	v5 =	vld [tilespmem:s29+$0xFFFFFED0];
	_ =	sdelay $0x1  }
0x2bb: {  	v6 =	vld [tilespmem:s29+$0xFFFFFEE0];
	_ =	sdelay $0x1  }
0x2bc: {  	v7 =	vld [tilespmem:s29+$0xFFFFFEF0]  }
0x2bd: {  	v4 =	vmul.f32 v4, v2;
	v5 =	vmul.f32 v5, v0;
	_ =	sdelay $0x1  }
0x2be: {  	v6 =	vmul.f32 v6, v1;
	v4 =	vadd.f32 v5, v4;
	_ =	sdelay $0x1  }
0x2bf: {  	v5 =	vmul.f32 v7, v3;
	v4 =	vadd.f32 v6, v4;
	_ =	sdelay $0x1  }
0x2c0: {  	v4 =	vadd.f32 v5, v4;
	_ =	sdelay $0x1  }
0x2c1: {  	[tilespmem:s26+$0xFFFFFFC0] =	vst v4  }
0x2c2: {  	v4 =	vld [tilespmem:s29+$0xFFFFFF00]  }
0x2c3: {  	v5 =	vld [tilespmem:s29+$0xFFFFFF10];
	_ =	sdelay $0x1  }
0x2c4: {  	v6 =	vld [tilespmem:s29+$0xFFFFFF20];
	_ =	sdelay $0x1  }
0x2c5: {  	v7 =	vld [tilespmem:s29+$0xFFFFFF30]  }
0x2c6: {  	v4 =	vmul.f32 v4, v2;
	v5 =	vmul.f32 v5, v0;
	_ =	sdelay $0x1  }
0x2c7: {  	v6 =	vmul.f32 v6, v1;
	v4 =	vadd.f32 v5, v4;
	_ =	sdelay $0x1  }
0x2c8: {  	v5 =	vmul.f32 v7, v3;
	v4 =	vadd.f32 v6, v4;
	_ =	sdelay $0x1  }
0x2c9: {  	v4 =	vadd.f32 v5, v4;
	_ =	sdelay $0x1  }
0x2ca: {  	[tilespmem:s26+$0xFFFFFFD0] =	vst v4  }
0x2cb: {  	v4 =	vld [tilespmem:s29+$0xFFFFFF40]  }
0x2cc: {  	v5 =	vld [tilespmem:s29+$0xFFFFFF50];
	_ =	sdelay $0x1  }
0x2cd: {  	v6 =	vld [tilespmem:s29+$0xFFFFFF60];
	_ =	sdelay $0x1  }
0x2ce: {  	v7 =	vld [tilespmem:s29+$0xFFFFFF70]  }
0x2cf: {  	v4 =	vmul.f32 v4, v2;
	v5 =	vmul.f32 v5, v0;
	_ =	sdelay $0x1  }
0x2d0: {  	v6 =	vmul.f32 v6, v1;
	v4 =	vadd.f32 v5, v4;
	_ =	sdelay $0x1  }
0x2d1: {  	v5 =	vmul.f32 v7, v3;
	v4 =	vadd.f32 v6, v4;
	_ =	sdelay $0x1  }
0x2d2: {  	v4 =	vadd.f32 v5, v4;
	_ =	sdelay $0x1  }
0x2d3: {  	[tilespmem:s26+$0xFFFFFFE0] =	vst v4  }
0x2d4: {  	v4 =	vld [tilespmem:s29+$0xFFFFFF80]  }
0x2d5: {  	v5 =	vld [tilespmem:s29+$0xFFFFFF90];
	_ =	sdelay $0x1  }
0x2d6: {  	v6 =	vld [tilespmem:s29+$0xFFFFFFA0];
	_ =	sdelay $0x1  }
0x2d7: {  	v7 =	vld [tilespmem:s29+$0xFFFFFFB0]  }
0x2d8: {  	v4 =	vmul.f32 v4, v2;
	v5 =	vmul.f32 v5, v0;
	_ =	sdelay $0x1  }
0x2d9: {  	v4 =	vadd.f32 v5, v4;
	v5 =	vmul.f32 v6, v1;
	_ =	sdelay $0x1  }
0x2da: {  	v6 =	vmul.f32 v7, v3;
	v4 =	vadd.f32 v5, v4;
	_ =	sdelay $0x1  }
0x2db: {  	v4 =	vadd.f32 v6, v4;
	_ =	sdelay $0x1  }
0x2dc: {  	[tilespmem:s26+$0xFFFFFFF0] =	vst v4  }
0x2dd: {  	v4 =	vld [tilespmem:s29+$0xFFFFFFC0]  }
0x2de: {  	v5 =	vld [tilespmem:s29+$0xFFFFFFD0];
	_ =	sdelay $0x1  }
0x2df: {  	v6 =	vld [tilespmem:s29+$0xFFFFFFE0];
	_ =	sdelay $0x1  }
0x2e0: {  	v7 =	vld [tilespmem:s29+$0xFFFFFFF0]  }
0x2e1: {  	v4 =	vmul.f32 v4, v2;
	v5 =	vmul.f32 v5, v0;
	_ =	sdelay $0x1  }
0x2e2: {  	v6 =	vmul.f32 v6, v1;
	v4 =	vadd.f32 v5, v4;
	_ =	sdelay $0x1  }
0x2e3: {  	v5 =	vmul.f32 v7, v3;
	v4 =	vadd.f32 v6, v4;
	_ =	sdelay $0x1  }
0x2e4: {  	v4 =	vadd.f32 v5, v4;
	_ =	sdelay $0x1  }
0x2e5: {  	[tilespmem:s26+$0x0] =	vst v4  }
0x2e6: {  	v4 =	vld [tilespmem:s29+$0x0]  }
0x2e7: {  	v5 =	vld [tilespmem:s29+$0x10];
	_ =	sdelay $0x1  }
0x2e8: {  	v6 =	vld [tilespmem:s29+$0x20];
	_ =	sdelay $0x1  }
0x2e9: {  	v7 =	vld [tilespmem:s29+$0x30]  }
0x2ea: {  	v4 =	vmul.f32 v4, v2;
	v5 =	vmul.f32 v5, v0;
	_ =	sdelay $0x1  }
0x2eb: {  	v6 =	vmul.f32 v6, v1;
	v4 =	vadd.f32 v5, v4;
	_ =	sdelay $0x1  }
0x2ec: {  	v5 =	vmul.f32 v7, v3;
	v4 =	vadd.f32 v6, v4;
	_ =	sdelay $0x1  }
0x2ed: {  	v4 =	vadd.f32 v5, v4;
	_ =	sdelay $0x1  }
0x2ee: {  	[tilespmem:s26+$0x10] =	vst v4  }
0x2ef: {  	v4 =	vld [tilespmem:s29+$0x40]  }
0x2f0: {  	v5 =	vld [tilespmem:s29+$0x50];
	_ =	sdelay $0x1  }
0x2f1: {  	v6 =	vld [tilespmem:s29+$0x60];
	_ =	sdelay $0x1  }
0x2f2: {  	v7 =	vld [tilespmem:s29+$0x70]  }
0x2f3: {  	v4 =	vmul.f32 v4, v2;
	v5 =	vmul.f32 v5, v0;
	_ =	sdelay $0x1  }
0x2f4: {  	v6 =	vmul.f32 v6, v1;
	v4 =	vadd.f32 v5, v4;
	_ =	sdelay $0x1  }
0x2f5: {  	v5 =	vmul.f32 v7, v3;
	v4 =	vadd.f32 v6, v4;
	_ =	sdelay $0x1  }
0x2f6: {  	v4 =	vadd.f32 v5, v4;
	_ =	sdelay $0x1  }
0x2f7: {  	[tilespmem:s26+$0x20] =	vst v4  }
0x2f8: {  	v4 =	vld [tilespmem:s29+$0x80]  }
0x2f9: {  	v5 =	vld [tilespmem:s29+$0x90];
	_ =	sdelay $0x1  }
0x2fa: {  	v6 =	vld [tilespmem:s29+$0xA0];
	_ =	sdelay $0x1  }
0x2fb: {  	v7 =	vld [tilespmem:s29+$0xB0]  }
0x2fc: {  	v4 =	vmul.f32 v4, v2;
	v5 =	vmul.f32 v5, v0;
	_ =	sdelay $0x1  }
0x2fd: {  	v4 =	vadd.f32 v5, v4;
	v5 =	vmul.f32 v6, v1;
	_ =	sdelay $0x1  }
0x2fe: {  	v6 =	vmul.f32 v7, v3;
	v4 =	vadd.f32 v5, v4;
	_ =	sdelay $0x1  }
0x2ff: {  	v4 =	vadd.f32 v6, v4;
	_ =	sdelay $0x1  }
0x300: {  	[tilespmem:s26+$0x30] =	vst v4  }
0x301: {  	v4 =	vld [tilespmem:s29+$0xC0]  }
0x302: {  	v5 =	vld [tilespmem:s29+$0xD0];
	_ =	sdelay $0x1  }
0x303: {  	v6 =	vld [tilespmem:s29+$0xE0];
	_ =	sdelay $0x1  }
0x304: {  	v7 =	vld [tilespmem:s29+$0xF0]  }
0x305: {  	v4 =	vmul.f32 v4, v2;
	v5 =	vmul.f32 v5, v0;
	_ =	sdelay $0x1  }
0x306: {  	v4 =	vadd.f32 v5, v4;
	v5 =	vmul.f32 v6, v1;
	_ =	sdelay $0x1  }
0x307: {  	v4 =	vadd.f32 v5, v4;
	v5 =	vmul.f32 v7, v3;
	_ =	sdelay $0x1  }
0x308: {  	v4 =	vadd.f32 v5, v4;
	_ =	sdelay $0x1  }
0x309: {  	[tilespmem:s26+$0x40] =	vst v4  }
0x30a: {  	v4 =	vld [tilespmem:s29+$0x100]  }
0x30b: {  	v5 =	vld [tilespmem:s29+$0x110];
	_ =	sdelay $0x1  }
0x30c: {  	v6 =	vld [tilespmem:s29+$0x120];
	_ =	sdelay $0x1  }
0x30d: {  	v7 =	vld [tilespmem:s29+$0x130]  }
0x30e: {  	v4 =	vmul.f32 v4, v2;
	v5 =	vmul.f32 v5, v0;
	_ =	sdelay $0x1  }
0x30f: {  	v6 =	vmul.f32 v6, v1;
	v4 =	vadd.f32 v5, v4;
	_ =	sdelay $0x1  }
0x310: {  	v5 =	vmul.f32 v7, v3;
	v4 =	vadd.f32 v6, v4;
	_ =	sdelay $0x1  }
0x311: {  	v4 =	vadd.f32 v5, v4;
	_ =	sdelay $0x1  }
0x312: {  	[tilespmem:s26+$0x50] =	vst v4  }
0x313: {  	v4 =	vld [tilespmem:s29+$0x140]  }
0x314: {  	v5 =	vld [tilespmem:s29+$0x150];
	_ =	sdelay $0x1  }
0x315: {  	v6 =	vld [tilespmem:s29+$0x160];
	_ =	sdelay $0x1  }
0x316: {  	v7 =	vld [tilespmem:s29+$0x170]  }
0x317: {  	v4 =	vmul.f32 v4, v2;
	v5 =	vmul.f32 v5, v0;
	_ =	sdelay $0x1  }
0x318: {  	v6 =	vmul.f32 v6, v1;
	v4 =	vadd.f32 v5, v4;
	_ =	sdelay $0x1  }
0x319: {  	v5 =	vmul.f32 v7, v3;
	v4 =	vadd.f32 v6, v4;
	_ =	sdelay $0x1  }
0x31a: {  	v4 =	vadd.f32 v5, v4;
	_ =	sdelay $0x1  }
0x31b: {  	[tilespmem:s26+$0x60] =	vst v4  }
0x31c: {  	v4 =	vld [tilespmem:s29+$0x180]  }
0x31d: {  	v5 =	vld [tilespmem:s29+$0x190];
	_ =	sdelay $0x1  }
0x31e: {  	v6 =	vld [tilespmem:s29+$0x1A0];
	_ =	sdelay $0x1  }
0x31f: {  	v7 =	vld [tilespmem:s29+$0x1B0]  }
0x320: {  	v4 =	vmul.f32 v4, v2;
	v5 =	vmul.f32 v5, v0;
	_ =	sdelay $0x1  }
0x321: {  	v6 =	vmul.f32 v6, v1;
	v4 =	vadd.f32 v5, v4;
	_ =	sdelay $0x1  }
0x322: {  	v5 =	vmul.f32 v7, v3;
	v4 =	vadd.f32 v6, v4;
	_ =	sdelay $0x1  }
0x323: {  	v4 =	vadd.f32 v5, v4;
	_ =	sdelay $0x1  }
0x324: {  	[tilespmem:s26+$0x70] =	vst v4  }
0x325: {  	v4 =	vld [tilespmem:s29+$0x1C0]  }
0x326: {  	v5 =	vld [tilespmem:s29+$0x1D0];
	_ =	sdelay $0x1  }
0x327: {  	v6 =	vld [tilespmem:s29+$0x1E0];
	_ =	sdelay $0x1  }
0x328: {  	v7 =	vld [tilespmem:s29+$0x1F0]  }
0x329: {  	v4 =	vmul.f32 v4, v2;
	v5 =	vmul.f32 v5, v0;
	_ =	sdelay $0x1  }
0x32a: {  	v6 =	vmul.f32 v6, v1;
	v4 =	vadd.f32 v5, v4;
	_ =	sdelay $0x1  }
0x32b: {  	v5 =	vmul.f32 v7, v3;
	v4 =	vadd.f32 v6, v4;
	_ =	sdelay $0x1  }
0x32c: {  	v4 =	vadd.f32 v5, v4;
	_ =	sdelay $0x1  }
0x32d: {  	[tilespmem:s26+$0x80] =	vst v4  }
0x32e: {  	v7 =	vld [tilespmem:s29+$0x200]  }
0x32f: {  	v6 =	vld [tilespmem:s29+$0x210]  }
0x330: {  	v5 =	vld [tilespmem:s29+$0x220]  }
0x331: {  	v4 =	vld [tilespmem:s29+$0x230];
	_ =	sdelay $0x1  }
0x332: {  	s30 =	simm.s32 $0x19020;
	s31 =	simm.s32 $0xF200;
	s0 =	simm.s32 $0x100;
	v7 =	vmul.f32 v7, v2  }
.LBB2_17:
0x333: {  	p0 =	sne.s32 s0, $0x1F00;
	v6 =	vmul.f32 v6, v0;
	s29 =	sadd.s32 $0x500, s29;
	s26 =	sadd.s32 $0x150, s26  }
0x334: {  	s4 =	smov.u32 s0;
	s0 =	sadd.s32 $0x100, s0;
	v5 =	vmul.f32 v5, v1  }
0x335: {  	v6 =	vadd.f32 v6, v7;
	v4 =	vmul.f32 v4, v3;
	_ =	sdelay $0x1  }
0x336: {  	v5 =	vadd.f32 v5, v6;
	_ =	sdelay $0x1  }
0x337: {  	v4 =	vadd.f32 v4, v5;
	_ =	sdelay $0x1  }
0x338: {  	[tilespmem:s30+$0x90] =	vst v4  }
0x339: {  	v4 =	vld [tilespmem:s31+$0x240]  }
0x33a: {  	v5 =	vld [tilespmem:s31+$0x250]  }
0x33b: {  	v6 =	vld [tilespmem:s31+$0x260]  }
0x33c: {  	v7 =	vld [tilespmem:s31+$0x270];
	s31 =	smov.u32 s29;
	_ =	sdelay $0x1  }
0x33d: {  	v2 =	vmul.f32 v4, v2  }
0x33e: {  	v0 =	vmul.f32 v5, v0  }
0x33f: {  	v1 =	vmul.f32 v6, v1  }
0x340: {  	v0 =	vadd.f32 v0, v2;
	v2 =	vmul.f32 v7, v3;
	_ =	sdelay $0x1  }
0x341: {  	v0 =	vadd.f32 v1, v0;
	_ =	sdelay $0x1  }
0x342: {  	v0 =	vadd.f32 v2, v0;
	_ =	sdelay $0x1  }
0x343: {  	s4 =	sshra.s32 s4, $0x2;
	[tilespmem:s30+$0xA0] =	vst v0;
	s30 =	smov.u32 s26  }
0x344: {  	v4 =	vld [tilespmem:s4+$0xE780]  }
0x345: {  	v0 =	vld [tilespmem:s4+$0xDF90]  }
0x346: {  	v5 =	vld [tilespmem:s4+$0xE790]  }
0x347: {  	v2 =	vld [tilespmem:s4+$0xDF80]  }
0x348: {  	v6 =	vld [tilespmem:s4+$0xE7A0]  }
0x349: {  	v1 =	vld [tilespmem:s4+$0xDFA0]  }
0x34a: {  	v7 =	vld [tilespmem:s4+$0xE7B0]  }
0x34b: {  	v3 =	vld [tilespmem:s4+$0xDFB0]  }
0x34c: {  	v5 =	vmul.f32 v5, v0;
	v4 =	vmul.f32 v4, v2;
	_ =	sdelay $0x1  }
0x34d: {  	v4 =	vadd.f32 v5, v4;
	v5 =	vmul.f32 v6, v1;
	_ =	sdelay $0x1  }
0x34e: {  	v4 =	vadd.f32 v5, v4;
	v5 =	vmul.f32 v7, v3;
	_ =	sdelay $0x1  }
0x34f: {  	v4 =	vadd.f32 v5, v4;
	_ =	sdelay $0x1  }
0x350: {  	[tilespmem:s26+$0xFFFFFF60] =	vst v4  }
0x351: {  	v4 =	vld [tilespmem:s29+$0xFFFFFD80]  }
0x352: {  	v5 =	vld [tilespmem:s29+$0xFFFFFD90];
	_ =	sdelay $0x1  }
0x353: {  	v6 =	vld [tilespmem:s29+$0xFFFFFDA0];
	_ =	sdelay $0x1  }
0x354: {  	v4 =	vmul.f32 v4, v2;
	v7 =	vld [tilespmem:s29+$0xFFFFFDB0]  }
0x355: {  	v5 =	vmul.f32 v5, v0;
	_ =	sdelay $0x1  }
0x356: {  	v4 =	vadd.f32 v5, v4;
	v5 =	vmul.f32 v6, v1;
	_ =	sdelay $0x1  }
0x357: {  	v4 =	vadd.f32 v5, v4;
	v5 =	vmul.f32 v7, v3;
	_ =	sdelay $0x1  }
0x358: {  	v4 =	vadd.f32 v5, v4;
	_ =	sdelay $0x1  }
0x359: {  	[tilespmem:s26+$0xFFFFFF70] =	vst v4  }
0x35a: {  	v4 =	vld [tilespmem:s29+$0xFFFFFDC0]  }
0x35b: {  	v5 =	vld [tilespmem:s29+$0xFFFFFDD0];
	_ =	sdelay $0x1  }
0x35c: {  	v6 =	vld [tilespmem:s29+$0xFFFFFDE0];
	_ =	sdelay $0x1  }
0x35d: {  	v4 =	vmul.f32 v4, v2;
	v7 =	vld [tilespmem:s29+$0xFFFFFDF0]  }
0x35e: {  	v5 =	vmul.f32 v5, v0;
	_ =	sdelay $0x1  }
0x35f: {  	v4 =	vadd.f32 v5, v4;
	v5 =	vmul.f32 v6, v1;
	_ =	sdelay $0x1  }
0x360: {  	v4 =	vadd.f32 v5, v4;
	v5 =	vmul.f32 v7, v3;
	_ =	sdelay $0x1  }
0x361: {  	v4 =	vadd.f32 v5, v4;
	_ =	sdelay $0x1  }
0x362: {  	[tilespmem:s26+$0xFFFFFF80] =	vst v4  }
0x363: {  	v4 =	vld [tilespmem:s29+$0xFFFFFE00]  }
0x364: {  	v5 =	vld [tilespmem:s29+$0xFFFFFE10]  }
0x365: {  	v6 =	vld [tilespmem:s29+$0xFFFFFE20]  }
0x366: {  	v7 =	vld [tilespmem:s29+$0xFFFFFE30];
	_ =	sdelay $0x1  }
0x367: {  	v4 =	vmul.f32 v4, v2  }
0x368: {  	v5 =	vmul.f32 v5, v0  }
0x369: {  	v6 =	vmul.f32 v6, v1  }
0x36a: {  	v4 =	vadd.f32 v5, v4;
	v5 =	vmul.f32 v7, v3;
	_ =	sdelay $0x1  }
0x36b: {  	v4 =	vadd.f32 v6, v4;
	_ =	sdelay $0x1  }
0x36c: {  	v4 =	vadd.f32 v5, v4;
	_ =	sdelay $0x1  }
0x36d: {  	[tilespmem:s26+$0xFFFFFF90] =	vst v4  }
0x36e: {  	v4 =	vld [tilespmem:s29+$0xFFFFFE40]  }
0x36f: {  	v5 =	vld [tilespmem:s29+$0xFFFFFE50];
	_ =	sdelay $0x1  }
0x370: {  	v6 =	vld [tilespmem:s29+$0xFFFFFE60];
	_ =	sdelay $0x1  }
0x371: {  	v4 =	vmul.f32 v4, v2;
	v7 =	vld [tilespmem:s29+$0xFFFFFE70]  }
0x372: {  	v5 =	vmul.f32 v5, v0;
	_ =	sdelay $0x1  }
0x373: {  	v4 =	vadd.f32 v5, v4;
	v5 =	vmul.f32 v6, v1;
	_ =	sdelay $0x1  }
0x374: {  	v4 =	vadd.f32 v5, v4;
	v5 =	vmul.f32 v7, v3;
	_ =	sdelay $0x1  }
0x375: {  	v4 =	vadd.f32 v5, v4;
	_ =	sdelay $0x1  }
0x376: {  	[tilespmem:s26+$0xFFFFFFA0] =	vst v4  }
0x377: {  	v4 =	vld [tilespmem:s29+$0xFFFFFE80]  }
0x378: {  	v5 =	vld [tilespmem:s29+$0xFFFFFE90]  }
0x379: {  	v6 =	vld [tilespmem:s29+$0xFFFFFEA0]  }
0x37a: {  	v7 =	vld [tilespmem:s29+$0xFFFFFEB0];
	_ =	sdelay $0x1  }
0x37b: {  	v4 =	vmul.f32 v4, v2  }
0x37c: {  	v5 =	vmul.f32 v5, v0  }
0x37d: {  	v6 =	vmul.f32 v6, v1  }
0x37e: {  	v4 =	vadd.f32 v5, v4;
	v5 =	vmul.f32 v7, v3;
	_ =	sdelay $0x1  }
0x37f: {  	v4 =	vadd.f32 v6, v4;
	_ =	sdelay $0x1  }
0x380: {  	v4 =	vadd.f32 v5, v4;
	_ =	sdelay $0x1  }
0x381: {  	[tilespmem:s26+$0xFFFFFFB0] =	vst v4  }
0x382: {  	v4 =	vld [tilespmem:s29+$0xFFFFFEC0]  }
0x383: {  	v5 =	vld [tilespmem:s29+$0xFFFFFED0]  }
0x384: {  	v6 =	vld [tilespmem:s29+$0xFFFFFEE0]  }
0x385: {  	v7 =	vld [tilespmem:s29+$0xFFFFFEF0];
	_ =	sdelay $0x1  }
0x386: {  	v4 =	vmul.f32 v4, v2  }
0x387: {  	v5 =	vmul.f32 v5, v0  }
0x388: {  	v6 =	vmul.f32 v6, v1  }
0x389: {  	v4 =	vadd.f32 v5, v4;
	v5 =	vmul.f32 v7, v3;
	_ =	sdelay $0x1  }
0x38a: {  	v4 =	vadd.f32 v6, v4;
	_ =	sdelay $0x1  }
0x38b: {  	v4 =	vadd.f32 v5, v4;
	_ =	sdelay $0x1  }
0x38c: {  	[tilespmem:s26+$0xFFFFFFC0] =	vst v4  }
0x38d: {  	v4 =	vld [tilespmem:s29+$0xFFFFFF00]  }
0x38e: {  	v5 =	vld [tilespmem:s29+$0xFFFFFF10]  }
0x38f: {  	v6 =	vld [tilespmem:s29+$0xFFFFFF20]  }
0x390: {  	v7 =	vld [tilespmem:s29+$0xFFFFFF30];
	_ =	sdelay $0x1  }
0x391: {  	v4 =	vmul.f32 v4, v2  }
0x392: {  	v5 =	vmul.f32 v5, v0  }
0x393: {  	v6 =	vmul.f32 v6, v1  }
0x394: {  	v4 =	vadd.f32 v5, v4;
	v5 =	vmul.f32 v7, v3;
	_ =	sdelay $0x1  }
0x395: {  	v4 =	vadd.f32 v6, v4;
	_ =	sdelay $0x1  }
0x396: {  	v4 =	vadd.f32 v5, v4;
	_ =	sdelay $0x1  }
0x397: {  	[tilespmem:s26+$0xFFFFFFD0] =	vst v4  }
0x398: {  	v4 =	vld [tilespmem:s29+$0xFFFFFF40]  }
0x399: {  	v5 =	vld [tilespmem:s29+$0xFFFFFF50]  }
0x39a: {  	v6 =	vld [tilespmem:s29+$0xFFFFFF60]  }
0x39b: {  	v7 =	vld [tilespmem:s29+$0xFFFFFF70];
	_ =	sdelay $0x1  }
0x39c: {  	v4 =	vmul.f32 v4, v2  }
0x39d: {  	v5 =	vmul.f32 v5, v0  }
0x39e: {  	v6 =	vmul.f32 v6, v1  }
0x39f: {  	v4 =	vadd.f32 v5, v4;
	v5 =	vmul.f32 v7, v3;
	_ =	sdelay $0x1  }
0x3a0: {  	v4 =	vadd.f32 v6, v4;
	_ =	sdelay $0x1  }
0x3a1: {  	v4 =	vadd.f32 v5, v4;
	_ =	sdelay $0x1  }
0x3a2: {  	[tilespmem:s26+$0xFFFFFFE0] =	vst v4  }
0x3a3: {  	v4 =	vld [tilespmem:s29+$0xFFFFFF80]  }
0x3a4: {  	v5 =	vld [tilespmem:s29+$0xFFFFFF90]  }
0x3a5: {  	v6 =	vld [tilespmem:s29+$0xFFFFFFB0]  }
0x3a6: {  	v7 =	vld [tilespmem:s29+$0xFFFFFFA0];
	_ =	sdelay $0x1  }
0x3a7: {  	v4 =	vmul.f32 v4, v2  }
0x3a8: {  	v5 =	vmul.f32 v5, v0  }
0x3a9: {  	v6 =	vmul.f32 v6, v3  }
0x3aa: {  	v4 =	vadd.f32 v5, v4;
	v5 =	vmul.f32 v7, v1;
	_ =	sdelay $0x1  }
0x3ab: {  	v4 =	vadd.f32 v5, v4;
	_ =	sdelay $0x1  }
0x3ac: {  	v4 =	vadd.f32 v6, v4;
	_ =	sdelay $0x1  }
0x3ad: {  	[tilespmem:s26+$0xFFFFFFF0] =	vst v4  }
0x3ae: {  	v4 =	vld [tilespmem:s29+$0xFFFFFFC0]  }
0x3af: {  	v5 =	vld [tilespmem:s29+$0xFFFFFFD0]  }
0x3b0: {  	v6 =	vld [tilespmem:s29+$0xFFFFFFE0]  }
0x3b1: {  	v7 =	vld [tilespmem:s29+$0xFFFFFFF0];
	_ =	sdelay $0x1  }
0x3b2: {  	v4 =	vmul.f32 v4, v2  }
0x3b3: {  	v5 =	vmul.f32 v5, v0  }
0x3b4: {  	v6 =	vmul.f32 v6, v1  }
0x3b5: {  	v4 =	vadd.f32 v5, v4;
	v5 =	vmul.f32 v7, v3;
	_ =	sdelay $0x1  }
0x3b6: {  	v4 =	vadd.f32 v6, v4;
	_ =	sdelay $0x1  }
0x3b7: {  	v4 =	vadd.f32 v5, v4;
	_ =	sdelay $0x1  }
0x3b8: {  	[tilespmem:s26+$0x0] =	vst v4  }
0x3b9: {  	v4 =	vld [tilespmem:s29+$0x0]  }
0x3ba: {  	v5 =	vld [tilespmem:s29+$0x10]  }
0x3bb: {  	v6 =	vld [tilespmem:s29+$0x20]  }
0x3bc: {  	v7 =	vld [tilespmem:s29+$0x30];
	_ =	sdelay $0x1  }
0x3bd: {  	v4 =	vmul.f32 v4, v2  }
0x3be: {  	v5 =	vmul.f32 v5, v0  }
0x3bf: {  	v6 =	vmul.f32 v6, v1  }
0x3c0: {  	v4 =	vadd.f32 v5, v4;
	v5 =	vmul.f32 v7, v3;
	_ =	sdelay $0x1  }
0x3c1: {  	v4 =	vadd.f32 v6, v4;
	_ =	sdelay $0x1  }
0x3c2: {  	v4 =	vadd.f32 v5, v4;
	_ =	sdelay $0x1  }
0x3c3: {  	[tilespmem:s26+$0x10] =	vst v4  }
0x3c4: {  	v4 =	vld [tilespmem:s29+$0x40]  }
0x3c5: {  	v5 =	vld [tilespmem:s29+$0x50]  }
0x3c6: {  	v6 =	vld [tilespmem:s29+$0x60]  }
0x3c7: {  	v7 =	vld [tilespmem:s29+$0x70];
	_ =	sdelay $0x1  }
0x3c8: {  	v4 =	vmul.f32 v4, v2  }
0x3c9: {  	v5 =	vmul.f32 v5, v0  }
0x3ca: {  	v6 =	vmul.f32 v6, v1  }
0x3cb: {  	v4 =	vadd.f32 v5, v4;
	v5 =	vmul.f32 v7, v3;
	_ =	sdelay $0x1  }
0x3cc: {  	v4 =	vadd.f32 v6, v4;
	_ =	sdelay $0x1  }
0x3cd: {  	v4 =	vadd.f32 v5, v4;
	_ =	sdelay $0x1  }
0x3ce: {  	[tilespmem:s26+$0x20] =	vst v4  }
0x3cf: {  	v4 =	vld [tilespmem:s29+$0x80]  }
0x3d0: {  	v5 =	vld [tilespmem:s29+$0x90]  }
0x3d1: {  	v6 =	vld [tilespmem:s29+$0xA0]  }
0x3d2: {  	v7 =	vld [tilespmem:s29+$0xB0];
	_ =	sdelay $0x1  }
0x3d3: {  	v4 =	vmul.f32 v4, v2  }
0x3d4: {  	v5 =	vmul.f32 v5, v0;
	_ =	sdelay $0x1  }
0x3d5: {  	v4 =	vadd.f32 v5, v4;
	v5 =	vmul.f32 v6, v1;
	v6 =	vmul.f32 v7, v3;
	_ =	sdelay $0x1  }
0x3d6: {  	v4 =	vadd.f32 v5, v4;
	_ =	sdelay $0x1  }
0x3d7: {  	v4 =	vadd.f32 v6, v4;
	_ =	sdelay $0x1  }
0x3d8: {  	[tilespmem:s26+$0x30] =	vst v4  }
0x3d9: {  	v4 =	vld [tilespmem:s29+$0xC0]  }
0x3da: {  	v5 =	vld [tilespmem:s29+$0xD0]  }
0x3db: {  	v6 =	vld [tilespmem:s29+$0xF0]  }
0x3dc: {  	v7 =	vld [tilespmem:s29+$0xE0];
	_ =	sdelay $0x1  }
0x3dd: {  	v4 =	vmul.f32 v4, v2  }
0x3de: {  	v5 =	vmul.f32 v5, v0;
	_ =	sdelay $0x1  }
0x3df: {  	v4 =	vadd.f32 v5, v4;
	v5 =	vmul.f32 v7, v1;
	_ =	sdelay $0x1  }
0x3e0: {  	v4 =	vadd.f32 v5, v4;
	v5 =	vmul.f32 v6, v3;
	_ =	sdelay $0x1  }
0x3e1: {  	v4 =	vadd.f32 v5, v4;
	_ =	sdelay $0x1  }
0x3e2: {  	[tilespmem:s26+$0x40] =	vst v4  }
0x3e3: {  	v4 =	vld [tilespmem:s29+$0x100]  }
0x3e4: {  	v5 =	vld [tilespmem:s29+$0x110]  }
0x3e5: {  	v6 =	vld [tilespmem:s29+$0x120]  }
0x3e6: {  	v7 =	vld [tilespmem:s29+$0x130];
	_ =	sdelay $0x1  }
0x3e7: {  	v4 =	vmul.f32 v4, v2  }
0x3e8: {  	v5 =	vmul.f32 v5, v0  }
0x3e9: {  	v6 =	vmul.f32 v6, v1  }
0x3ea: {  	v4 =	vadd.f32 v5, v4;
	v5 =	vmul.f32 v7, v3;
	_ =	sdelay $0x1  }
0x3eb: {  	v4 =	vadd.f32 v6, v4;
	_ =	sdelay $0x1  }
0x3ec: {  	v4 =	vadd.f32 v5, v4;
	_ =	sdelay $0x1  }
0x3ed: {  	[tilespmem:s26+$0x50] =	vst v4  }
0x3ee: {  	v4 =	vld [tilespmem:s29+$0x140]  }
0x3ef: {  	v5 =	vld [tilespmem:s29+$0x150]  }
0x3f0: {  	v6 =	vld [tilespmem:s29+$0x160]  }
0x3f1: {  	v7 =	vld [tilespmem:s29+$0x170];
	_ =	sdelay $0x1  }
0x3f2: {  	v4 =	vmul.f32 v4, v2  }
0x3f3: {  	v5 =	vmul.f32 v5, v0  }
0x3f4: {  	v6 =	vmul.f32 v6, v1  }
0x3f5: {  	v4 =	vadd.f32 v5, v4;
	v5 =	vmul.f32 v7, v3;
	_ =	sdelay $0x1  }
0x3f6: {  	v4 =	vadd.f32 v6, v4;
	_ =	sdelay $0x1  }
0x3f7: {  	v4 =	vadd.f32 v5, v4;
	_ =	sdelay $0x1  }
0x3f8: {  	[tilespmem:s26+$0x60] =	vst v4  }
0x3f9: {  	v4 =	vld [tilespmem:s29+$0x180]  }
0x3fa: {  	v5 =	vld [tilespmem:s29+$0x190]  }
0x3fb: {  	v6 =	vld [tilespmem:s29+$0x1A0]  }
0x3fc: {  	v7 =	vld [tilespmem:s29+$0x1B0];
	_ =	sdelay $0x1  }
0x3fd: {  	v4 =	vmul.f32 v4, v2  }
0x3fe: {  	v5 =	vmul.f32 v5, v0  }
0x3ff: {  	v6 =	vmul.f32 v6, v1  }
0x400: {  	v4 =	vadd.f32 v5, v4;
	v5 =	vmul.f32 v7, v3;
	_ =	sdelay $0x1  }
0x401: {  	v4 =	vadd.f32 v6, v4;
	_ =	sdelay $0x1  }
0x402: {  	v4 =	vadd.f32 v5, v4;
	_ =	sdelay $0x1  }
0x403: {  	[tilespmem:s26+$0x70] =	vst v4  }
0x404: {  	v4 =	vld [tilespmem:s29+$0x1C0]  }
0x405: {  	v5 =	vld [tilespmem:s29+$0x1D0]  }
0x406: {  	v6 =	vld [tilespmem:s29+$0x1E0]  }
0x407: {  	v7 =	vld [tilespmem:s29+$0x1F0];
	_ =	sdelay $0x1  }
0x408: {  	v4 =	vmul.f32 v4, v2  }
0x409: {  	v5 =	vmul.f32 v5, v0  }
0x40a: {  	v6 =	vmul.f32 v6, v1  }
0x40b: {  	v4 =	vadd.f32 v5, v4;
	v5 =	vmul.f32 v7, v3;
	_ =	sdelay $0x1  }
0x40c: {  	v4 =	vadd.f32 v6, v4;
	_ =	sdelay $0x1  }
0x40d: {  	v4 =	vadd.f32 v5, v4;
	_ =	sdelay $0x1  }
0x40e: {  	[tilespmem:s26+$0x80] =	vst v4  }
0x40f: {  	v7 =	vld [tilespmem:s29+$0x200]  }
.Ltmp8:
0x410: {  	v6 =	vld [tilespmem:s29+$0x210];
	(pc) =	sbr.rel @p0 .LBB2_17-.Ltmp8, $3  }
0x411: {  	v5 =	vld [tilespmem:s29+$0x220]  }
0x412: {  	v4 =	vld [tilespmem:s29+$0x230];
	_ =	sdelay $0x1  }
0x413: {  	v7 =	vmul.f32 v7, v2  }
0x414: {  	v6 =	vmul.f32 v6, v0;
	_ =	sdelay $0x1  }
0x415: {  	v5 =	vmul.f32 v5, v1;
	v6 =	vadd.f32 v6, v7;
	_ =	sdelay $0x1  }
0x416: {  	v4 =	vmul.f32 v4, v3;
	v5 =	vadd.f32 v5, v6;
	_ =	sdelay $0x1  }
0x417: {  	v4 =	vadd.f32 v4, v5;
	_ =	sdelay $0x1  }
0x418: {  	[tilespmem:s30+$0x90] =	vst v4  }
0x419: {  	v4 =	vld [tilespmem:s31+$0x240]  }
0x41a: {  	v58 =	vld [tilespmem:s31+$0x250];
	_ =	sdelay $0x1  }
0x41b: {  	v59 =	vld [tilespmem:s31+$0x260];
	_ =	sdelay $0x1  }
0x41c: {  	v60 =	vld [tilespmem:s31+$0x270]  }
0x41d: {  	v2 =	vmul.f32 v4, v2;
	v61 =	vmul.f32 v58, v0;
	_ =	sdelay $0x1  }
0x41e: {  	v62 =	vmul.f32 v59, v1;
	v0 =	vadd.f32 v61, v2  }
0x41f: {  	s0 =	sadd.s32 s25, s9  }
0x420: {  	p0 =	sne.s32 s18, $0x8;
	s0 =	smul.u32 $0x540, s0;
	v63 =	vmul.f32 v60, v3;
	v0 =	vadd.f32 v62, v0  }
.Ltmp9:
0x421: {  	_ = 	snop;
	(pc) =	sbr.rel @p0 .LBB2_4-.Ltmp9, $4  }
0x422: {  	v0 =	vadd.f32 v63, v0  }
0x423: {  	s0 =	sadd.s32 s8, s0  }
0x424: {  	s0 =	sadd.s32 $0x540, s0;
	[tilespmem:s30+$0xA0] =	vst v0  }
0x425: {  	[hbm4b:s0+s3] =	stream.linear.scatter [tilespmem:s17], [sflag:$0x6], $0x2A00, $0x38;
	[tilespmem:$0x1B980] =	vst v63  }
0x426: {  	_ =	swait.ge [sflag:s15], $0x2A00  }
0x427: {  	[sflag:s15] =	ssyncset.done $0x0  }
0x428: {  	s4 =	simm.s32 $0x6;
	[sflag:s15] =	ssyncadd.s32 $0xFFFFD600  }
0x429: {  	_ =	swait.ge [sflag:s4], $0x2A00  }
0x42a: {  	s18 =	rddreg [dreg:$0xc]  }
0x42b: {  	s0 =	rddreg [dreg:$0xb];
	s18 =	sadd.s32 $0x1, s18  }
0x42c: {  	p0 =	sne.s32 s18, s0  }
.Ltmp10:
0x42d: {  	_ = 	snop;
	(pc) =	sbr.rel @p0 .LBB2_1-.Ltmp10, $3  }
0x42e: {  	_ =	sdelay $0x1  }
0x42f: {  	[sflag:s4] =	ssyncset.done $0x0  }
0x430: {  	[sflag:s4] =	ssyncadd.s32 $0xFFFFD600  }
0x431: {  	_ =	sfence.sel $0x180000  }
0x432: {  	[bflag:$0x0] =	sbarrier.arrive $0xFFFF  }
0x433: {  	_ =	strace $0x90000047  }
0x434: {  	s0 =	stileid.u32;
	[bflag:$0x2] =	sbarrier.arrive $0xFFFF  }
0x435: {  	p0 =	sne.s32 s0, $0x0;
	s0 =	rddreg [dreg:$0x3]  }
0x436: {  	s0 =	sadd.s32 @!p0 $0x100000, s0  }
0x437: {  	[sflag:s0] =	ssyncadd.tile.s32 @!p0 $0x1;
	_ =	shalt  }
.Lfunc_end2:
_tile_overlayer_lowered:
.L_overlay_start_2:
0x438: {  	(tag) =	ssettag $0x2  }
0x439: {  	s0 =	rddreg [dreg:$0x0];
	s2 =	stileid.u32  }
0x43a: {  	s1 =	rddreg [dreg:$0x1];
	p0 =	sne.s32 s2, $0x0  }
0x43b: {  	s3 =	rddreg [dreg:$0x2];
	[bflag:$0x3] =	sbarrier.arrive $0xFFFF;
	s2 =	simm.s32 @!p0 $0x1C07  }
0x43c: {  	[timem:s3], [sflag:s2] =	dma.local @!p0 [hbm:s0], s1  }
0x43d: {  	s0 =	simm.s32 @!p0 $0x7  }
0x43e: {  	_ =	swait.ge @!p0 [sflag:s0], s1  }
0x43f: {  	s1 =	ssub.s32 @!p0 $0x0, s1;
	[sflag:s0] =	ssyncset.done @!p0 $0x0  }
0x440: {  	[sflag:s0] =	ssyncadd.s32 @!p0 s1  }
0x441: {  	[bflag:$0x3] =	sbarrier.arrive $0xFFFF  }
0x442: {  	_ =	shalt  }

</sc_bundles>
